<compile_context>
chip_gen: v7x
topology: tpu7x:2x2x1
jax: 0.10.2.dev20260603
libtpu: 0.0.44.dev20260713+nightly
codegen_flags: <defaults>
</compile_context>

<pallas_src>
import functools

import jax
import jax.numpy as jnp
from jax import lax
from jax.experimental import pallas as pl
from jax.experimental.pallas import tpu as pltpu
from jax.experimental.pallas import tpu_sc as plsc

N = 10000
E = 320000
D = 128

NC = 2
NS = 16

NPAD = 10240
ROWS_PER_TILE = NPAD // NS
CHUNK = 128
CHUNKS_PER_WORKER = 80
E_PAD = NC * NS * CHUNKS_PER_WORKER * CHUNK

_mesh = plsc.VectorSubcoreMesh(
    core_axis_name="c", subcore_axis_name="s", num_cores=NC, num_subcores=NS
)


@functools.partial(
    pl.kernel,
    out_type=jax.ShapeDtypeStruct((NC, NPAD), jnp.float32),
    mesh=_mesh,
    scratch_types=[
        pltpu.VMEM((CHUNKS_PER_WORKER, 2, CHUNK), jnp.int32),
        pltpu.VMEM((CHUNK,), jnp.float32),
        pltpu.VMEM((ROWS_PER_TILE,), jnp.float32),
        pltpu.VMEM_SHARED((NPAD,), jnp.float32),
        pltpu.SemaphoreType.DMA,
    ],
)
def _deg_kernel(eidx_hbm, deg_out, idx_v, ones_v, zrow_v, hist_sh, sem_s):
    c = lax.axis_index("c")
    s = lax.axis_index("s")
    w = s * NC + c
    for i in range(CHUNK // 16):
        ones_v[pl.ds(i * 16, 16)] = jnp.full((16,), 1.0, jnp.float32)
    for i in range(ROWS_PER_TILE // 16):
        zrow_v[pl.ds(i * 16, 16)] = jnp.zeros((16,), jnp.float32)
    pltpu.sync_copy(zrow_v, hist_sh.at[pl.ds(s * ROWS_PER_TILE, ROWS_PER_TILE)])
    pltpu.sync_copy(eidx_hbm.at[pl.ds(w * CHUNKS_PER_WORKER, CHUNKS_PER_WORKER)],
                    idx_v)
    plsc.subcore_barrier()

    DEPTH = 8

    def body(j, carry):
        pltpu.async_copy(ones_v, hist_sh.at[idx_v.at[j, 1]], sem_s, add=True)

        @pl.when(j >= DEPTH)
        def _():
            pltpu.make_async_copy(ones_v, hist_sh.at[idx_v.at[j, 1]], sem_s).wait()

        return carry

    lax.fori_loop(0, CHUNKS_PER_WORKER, body, 0)
    for _ in range(DEPTH):
        pltpu.make_async_copy(ones_v, hist_sh.at[idx_v.at[0, 1]], sem_s).wait()
    plsc.subcore_barrier()
    pltpu.sync_copy(
        hist_sh.at[pl.ds(s * ROWS_PER_TILE, ROWS_PER_TILE)],
        deg_out.at[c, pl.ds(s * ROWS_PER_TILE, ROWS_PER_TILE)],
    )


@functools.partial(
    pl.kernel,
    out_type=jax.ShapeDtypeStruct((NC * NPAD, D), jnp.float32),
    mesh=_mesh,
    scratch_types=[
        pltpu.VMEM((2, CHUNK), jnp.int32),
        pltpu.VMEM((2, CHUNK), jnp.int32),
        pltpu.VMEM((2, CHUNK), jnp.int32),
        pltpu.VMEM((2, CHUNK), jnp.int32),
        pltpu.VMEM((CHUNK, D), jnp.float32),
        pltpu.VMEM((CHUNK, D), jnp.float32),
        pltpu.VMEM_SHARED((NPAD, D), jnp.float32),
        pltpu.SemaphoreType.DMA,
        pltpu.SemaphoreType.DMA,
        pltpu.SemaphoreType.DMA,
    ],
)
def _prop_kernel(y_hbm, eidx_hbm, z_out,
                 idx_a, idx_b, idx_c, idx_d, rows_a, rows_b, acc_sh,
                 sem_i, sem_g, sem_s):
    idx = [idx_a, idx_b, idx_c, idx_d]
    rows = [rows_a, rows_b]
    c = lax.axis_index("c")
    s = lax.axis_index("s")
    w = s * NC + c
    r0 = s * ROWS_PER_TILE

    init_d = [
        pltpu.async_copy(
            y_hbm.at[pl.ds(r0 + q * (ROWS_PER_TILE // 4), ROWS_PER_TILE // 4)],
            acc_sh.at[pl.ds(r0 + q * (ROWS_PER_TILE // 4), ROWS_PER_TILE // 4)],
            sem_s)
        for q in range(4)
    ]
    for d in init_d:
        d.wait()
    plsc.subcore_barrier()

    def idx_fetch(j, p):
        pltpu.async_copy(eidx_hbm.at[w * CHUNKS_PER_WORKER + j], idx[p], sem_i)

    def idx_wait(p):
        pltpu.make_async_copy(eidx_hbm.at[0], idx[p], sem_i).wait()

    def gather(rp, ip):
        pltpu.async_copy(y_hbm.at[idx[ip].at[0]], rows[rp], sem_g)

    def gather_wait(p):
        pltpu.make_async_copy(y_hbm.at[idx[0].at[0]], rows[p], sem_g).wait()

    def scatter_fire(rp, ip):
        pltpu.async_copy(rows[rp], acc_sh.at[idx[ip].at[1]], sem_s, add=True)

    def scatter_wait():
        pltpu.make_async_copy(rows[0], acc_sh.at[idx[0].at[1]], sem_s).wait()

    idx_fetch(0, 0)
    idx_fetch(1, 1)

    UNROLL = 4

    def body(g, carry):
        for u in range(UNROLL):
            j = g * UNROLL + u
            rp = u % 2
            ip = u % 4

            @pl.when(j < CHUNKS_PER_WORKER)
            def _():
                @pl.when(j >= 2)
                def _():
                    scatter_wait()

                idx_wait(ip)
                gather(rp, ip)

                @pl.when(j >= 1)
                def _():
                    gather_wait(1 - rp)
                    scatter_fire(1 - rp, (ip + 3) % 4)

                @pl.when(j + 2 < CHUNKS_PER_WORKER)
                def _():
                    idx_fetch(j + 2, (ip + 2) % 4)

        return carry

    lax.fori_loop(0, (CHUNKS_PER_WORKER + UNROLL - 1) // UNROLL, body, 0)
    scatter_wait()
    gather_wait((CHUNKS_PER_WORKER - 1) % 2)
    scatter_fire((CHUNKS_PER_WORKER - 1) % 2, (CHUNKS_PER_WORKER - 1) % 4)
    scatter_wait()
    plsc.subcore_barrier()
    out_d = [
        pltpu.async_copy(
            acc_sh.at[pl.ds(r0 + q * (ROWS_PER_TILE // 4), ROWS_PER_TILE // 4)],
            z_out.at[pl.ds(c * NPAD + r0 + q * (ROWS_PER_TILE // 4),
                           ROWS_PER_TILE // 4)],
            sem_s)
        for q in range(4)
    ]
    for d in out_d:
        d.wait()


_BLK = 2560
_GRID = NPAD // _BLK


def _dinv_of(deg_ref):
    return lax.rsqrt(deg_ref[0] + deg_ref[1] + 1.0)


def _tc_mm_body(x_ref, w_ref, y_ref):
    y_ref[...] = jnp.dot(x_ref[...], w_ref[...],
                         preferred_element_type=jnp.float32)


def _tc_scale_body(xw_ref, deg_ref, y_ref):
    y_ref[...] = xw_ref[...] * _dinv_of(deg_ref)


def _tc_mid_body(z_ref, y_ref, w_ref, b_ref, deg_ref, o_ref):
    dinv = _dinv_of(deg_ref)
    z = z_ref[0] + z_ref[1] - y_ref[...]
    h = jnp.maximum(z * dinv + b_ref[...], 0.0)
    o_ref[...] = (
        jnp.dot(h, w_ref[...], preferred_element_type=jnp.float32) * dinv
    )


def _tc3_body(z_ref, y_ref, w_ref, b_ref, blin_ref, deg_ref, o_ref):
    dinv = _dinv_of(deg_ref)
    z = z_ref[0] + z_ref[1] - y_ref[...]
    h = jnp.maximum(z * dinv + b_ref[...], 0.0)
    o_ref[...] = (
        jnp.dot(h, w_ref[...], preferred_element_type=jnp.float32)
        + blin_ref[...]
    )


_deg_spec = pl.BlockSpec((NC, _BLK, 1), lambda i: (0, i, 0))
_z_spec = pl.BlockSpec((NC, _BLK, D), lambda i: (0, i, 0))
_row_spec = pl.BlockSpec((_BLK, D), lambda i: (i, 0))

_tc_mm = pl.pallas_call(
    _tc_mm_body,
    grid=(N // 2000,),
    in_specs=[
        pl.BlockSpec((2000, D), lambda i: (i, 0)),
        pl.BlockSpec((D, D), lambda i: (0, 0)),
    ],
    out_specs=pl.BlockSpec((2000, D), lambda i: (i, 0)),
    out_shape=jax.ShapeDtypeStruct((NPAD, D), jnp.float32),
)

_tc_scale = pl.pallas_call(
    _tc_scale_body,
    grid=(_GRID,),
    in_specs=[_row_spec, _deg_spec],
    out_specs=_row_spec,
    out_shape=jax.ShapeDtypeStruct((NPAD, D), jnp.float32),
)

_tc_mid = pl.pallas_call(
    _tc_mid_body,
    grid=(_GRID,),
    in_specs=[
        _z_spec,
        _row_spec,
        pl.BlockSpec((D, D), lambda i: (0, 0)),
        pl.BlockSpec((1, D), lambda i: (0, 0)),
        _deg_spec,
    ],
    out_specs=_row_spec,
    out_shape=jax.ShapeDtypeStruct((NPAD, D), jnp.float32),
)

_tc3 = pl.pallas_call(
    _tc3_body,
    grid=(N // 2000,),
    in_specs=[
        pl.BlockSpec((NC, 2000, D), lambda i: (0, i, 0)),
        pl.BlockSpec((2000, D), lambda i: (i, 0)),
        pl.BlockSpec((D, 1), lambda i: (0, 0)),
        pl.BlockSpec((1, D), lambda i: (0, 0)),
        pl.BlockSpec((1, 1), lambda i: (0, 0)),
        pl.BlockSpec((NC, 2000, 1), lambda i: (0, i, 0)),
    ],
    out_specs=pl.BlockSpec((2000, 1), lambda i: (i, 0)),
    out_shape=jax.ShapeDtypeStruct((N, 1), jnp.float32),
)


def kernel(x, edge_index, W1, b1, W2, b2, Wlin, blin):
    npad_e = E_PAD - E
    pad_idx = (jnp.arange(npad_e, dtype=jnp.int32) % (NPAD - N)) + N
    e_all = jnp.concatenate(
        [edge_index.astype(jnp.int32),
         jnp.broadcast_to(pad_idx, (2, npad_e))], axis=1)
    eidx = jnp.transpose(e_all.reshape(2, -1, CHUNK), (1, 0, 2))

    deg = _deg_kernel(eidx)
    deg3 = deg.reshape(NC, NPAD, 1)
    xw1 = _tc_mm(x, W1)
    y1 = _tc_scale(xw1, deg3)
    z1 = _prop_kernel(y1, eidx).reshape(NC, NPAD, D)
    y2 = _tc_mid(z1, y1, W2, b1.reshape(1, D), deg3)
    z2 = _prop_kernel(y2, eidx).reshape(NC, NPAD, D)
    return _tc3(z2, y2, Wlin, b2.reshape(1, D), blin.reshape(1, 1), deg3)

# --- scband reference (transcript-rebuilt; emitter-appended) ---
"""Pipeline reference for scband-energy-gnnforecaster-14551349199016 (READ-ONLY COPY).

The authoritative reference and input builder live on the scoring server;
editing this copy changes nothing except your own understanding.
"""

import jax, jax.numpy as jnp
import numpy as np

N_NODES = 10000
N_EDGES = 320000
D_IN = 128
D_HID = 128
D_OUT = 1


def setup_inputs(seed: int = 0) -> dict:
    key = jax.random.key(seed)
    ks = jax.random.split(key, 8)
    x = jax.random.normal(ks[0], (N_NODES, D_IN), dtype=jnp.float32)
    edge_index = jax.random.randint(ks[1], (2, N_EDGES), 0, N_NODES, dtype=jnp.int64 if jax.config.jax_enable_x64 else jnp.int32)
    # GCNConv layer 1 weights (glorot-style scaled)
    W1 = jax.random.normal(ks[2], (D_IN, D_HID), dtype=jnp.float32) * (1.0 / np.sqrt(D_IN))
    b1 = jnp.zeros((D_HID,), dtype=jnp.float32)
    # GCNConv layer 2 weights
    W2 = jax.random.normal(ks[3], (D_HID, D_HID), dtype=jnp.float32) * (1.0 / np.sqrt(D_HID))
    b2 = jnp.zeros((D_HID,), dtype=jnp.float32)
    # final linear layer
    Wlin = jax.random.normal(ks[4], (D_HID, D_OUT), dtype=jnp.float32) * (1.0 / np.sqrt(D_HID))
    blin = jnp.zeros((D_OUT,), dtype=jnp.float32)
    return {"x": x, "edge_index": edge_index, "W1": W1, "b1": b1, "W2": W2, "b2": b2, "Wlin": Wlin, "blin": blin}


def _gcn_conv(x, src, dst, W, b):
    # x: [N, d_in]; src/dst: [E_total] (self-loops already appended)
    N = x.shape[0]
    xw = x @ W  # [N, d_out]
    # symmetric normalization D^{-1/2} A_hat D^{-1/2}
    deg = jnp.zeros((N,), dtype=xw.dtype).at[dst].add(1.0)
    dinv = jax.lax.rsqrt(jnp.maximum(deg, 1.0))
    norm = dinv[src] * dinv[dst]  # [E_total]
    msg = jnp.take(xw, src, axis=0) * norm[:, None]  # gather
    out = jnp.zeros((N, xw.shape[1]), dtype=xw.dtype).at[dst].add(msg)  # scatter-add
    return out + b


def reference(x, edge_index, W1, b1, W2, b2, Wlin, blin):
    N = x.shape[0]
    loop = jnp.arange(N, dtype=edge_index.dtype)
    src = jnp.concatenate([edge_index[0], loop])
    dst = jnp.concatenate([edge_index[1], loop])
    h = jax.nn.relu(_gcn_conv(x, src, dst, W1, b1))
    h = jax.nn.relu(_gcn_conv(h, src, dst, W2, b2))
    out = h @ Wlin + blin
    return out

if __name__ == "__main__":
    import jax
    _d = setup_inputs()
    print(jax.jit(kernel)(*tuple(_d.values())))

</pallas_src>

<mosaic_0001>
#map = affine_map<(d0, d1) -> (0, 0)>
#map1 = affine_map<(d0, d1) -> (0, 0, 0)>
module attributes {stable_mosaic.version = 14 : i64} {
  func.func @_prop_kernel(%arg0: i32, %arg1: i32, %arg2: memref<10240x128xf32, #tpu.memory_space<hbm>>, %arg3: memref<2560x2x128xi32, #tpu.memory_space<hbm>>, %arg4: memref<20480x128xf32, #tpu.memory_space<hbm>>, %arg5: memref<2x128xi32, #tpu.memory_space<vmem>>, %arg6: memref<2x128xi32, #tpu.memory_space<vmem>>, %arg7: memref<2x128xi32, #tpu.memory_space<vmem>>, %arg8: memref<2x128xi32, #tpu.memory_space<vmem>>, %arg9: memref<128x128xf32, #tpu.memory_space<vmem>>, %arg10: memref<128x128xf32, #tpu.memory_space<vmem>>, %arg11: memref<10240x128xf32, #tpu.memory_space<vmem_shared>>, %arg12: memref<!tpu.dma_semaphore, #tpu.memory_space<semaphore_mem>>, %arg13: memref<!tpu.dma_semaphore, #tpu.memory_space<semaphore_mem>>, %arg14: memref<!tpu.dma_semaphore, #tpu.memory_space<semaphore_mem>>) attributes {dimension_semantics = [#tpu.dimension_semantics<core_parallel>, #tpu.dimension_semantics<subcore_parallel>], iteration_bounds = array<i64: 2, 16>, scalar_prefetch = 0 : i64, scratch_operands = 10 : i64, tpu.core_type = #tpu.core_type<sc_vector_subcore>, window_params = [{transform_indices = #map}, {transform_indices = #map1}, {transform_indices = #map}]} {
    %mul3A = arith.constant 2 : i32
    %mul3A_0 = arith.muli %arg1, %mul3A : i32
    %add3A = arith.addi %mul3A_0, %arg0 : i32
    %mul3A_1 = arith.constant 640 : i32
    %mul3A_2 = arith.muli %arg1, %mul3A_1 : i32
    %add3A_3 = arith.constant 0 : i32
    %add3A_4 = arith.addi %mul3A_2, %add3A_3 : i32
    %add3A_5 = arith.constant 0 : i32
    %add3A_6 = arith.addi %mul3A_2, %add3A_5 : i32
    %dma_start3A = arith.constant 0 : i32
    %dma_start3A_7 = tpu.memref_slice %arg11[%add3A_6, %dma_start3A] : memref<10240x128xf32, #tpu.memory_space<vmem_shared>> -> memref<160x128xf32, #tpu.memory_space<vmem_shared>>
    %dma_start3A_8 = arith.constant 0 : i32
    %dma_start3A_9 = tpu.memref_slice %arg2[%add3A_4, %dma_start3A_8] : memref<10240x128xf32, #tpu.memory_space<hbm>> -> memref<160x128xf32, #tpu.memory_space<hbm>>
    tpu.enqueue_dma source(%dma_start3A_9 : memref<160x128xf32, #tpu.memory_space<hbm>>) target(%dma_start3A_7 : memref<160x128xf32, #tpu.memory_space<vmem_shared>>) target_semaphore(%arg14 : memref<!tpu.dma_semaphore, #tpu.memory_space<semaphore_mem>>)
    %add3A_10 = arith.constant 160 : i32
    %add3A_11 = arith.addi %mul3A_2, %add3A_10 : i32
    %add3A_12 = arith.constant 160 : i32
    %add3A_13 = arith.addi %mul3A_2, %add3A_12 : i32
    %dma_start3A_14 = arith.constant 0 : i32
    %dma_start3A_15 = tpu.memref_slice %arg11[%add3A_13, %dma_start3A_14] : memref<10240x128xf32, #tpu.memory_space<vmem_shared>> -> memref<160x128xf32, #tpu.memory_space<vmem_shared>>
    %dma_start3A_16 = arith.constant 0 : i32
    %dma_start3A_17 = tpu.memref_slice %arg2[%add3A_11, %dma_start3A_16] : memref<10240x128xf32, #tpu.memory_space<hbm>> -> memref<160x128xf32, #tpu.memory_space<hbm>>
    tpu.enqueue_dma source(%dma_start3A_17 : memref<160x128xf32, #tpu.memory_space<hbm>>) target(%dma_start3A_15 : memref<160x128xf32, #tpu.memory_space<vmem_shared>>) target_semaphore(%arg14 : memref<!tpu.dma_semaphore, #tpu.memory_space<semaphore_mem>>)
    %add3A_18 = arith.constant 320 : i32
    %add3A_19 = arith.addi %mul3A_2, %add3A_18 : i32
    %add3A_20 = arith.constant 320 : i32
    %add3A_21 = arith.addi %mul3A_2, %add3A_20 : i32
    %dma_start3A_22 = arith.constant 0 : i32
    %dma_start3A_23 = tpu.memref_slice %arg11[%add3A_21, %dma_start3A_22] : memref<10240x128xf32, #tpu.memory_space<vmem_shared>> -> memref<160x128xf32, #tpu.memory_space<vmem_shared>>
    %dma_start3A_24 = arith.constant 0 : i32
    %dma_start3A_25 = tpu.memref_slice %arg2[%add3A_19, %dma_start3A_24] : memref<10240x128xf32, #tpu.memory_space<hbm>> -> memref<160x128xf32, #tpu.memory_space<hbm>>
    tpu.enqueue_dma source(%dma_start3A_25 : memref<160x128xf32, #tpu.memory_space<hbm>>) target(%dma_start3A_23 : memref<160x128xf32, #tpu.memory_space<vmem_shared>>) target_semaphore(%arg14 : memref<!tpu.dma_semaphore, #tpu.memory_space<semaphore_mem>>)
    %add3A_26 = arith.constant 480 : i32
    %add3A_27 = arith.addi %mul3A_2, %add3A_26 : i32
    %add3A_28 = arith.constant 480 : i32
    %add3A_29 = arith.addi %mul3A_2, %add3A_28 : i32
    %dma_start3A_30 = arith.constant 0 : i32
    %dma_start3A_31 = tpu.memref_slice %arg11[%add3A_29, %dma_start3A_30] : memref<10240x128xf32, #tpu.memory_space<vmem_shared>> -> memref<160x128xf32, #tpu.memory_space<vmem_shared>>
    %dma_start3A_32 = arith.constant 0 : i32
    %dma_start3A_33 = tpu.memref_slice %arg2[%add3A_27, %dma_start3A_32] : memref<10240x128xf32, #tpu.memory_space<hbm>> -> memref<160x128xf32, #tpu.memory_space<hbm>>
    tpu.enqueue_dma source(%dma_start3A_33 : memref<160x128xf32, #tpu.memory_space<hbm>>) target(%dma_start3A_31 : memref<160x128xf32, #tpu.memory_space<vmem_shared>>) target_semaphore(%arg14 : memref<!tpu.dma_semaphore, #tpu.memory_space<semaphore_mem>>)
    %dma_wait3A = arith.constant 0 : i32
    %dma_wait3A_34 = tpu.memref_slice %arg11[%add3A_6, %dma_wait3A] : memref<10240x128xf32, #tpu.memory_space<vmem_shared>> -> memref<160x128xf32, #tpu.memory_space<vmem_shared>>
    %dma_wait3A_35 = arith.constant 0 : i32
    %dma_wait3A_36 = tpu.memref_slice %arg2[%add3A_4, %dma_wait3A_35] : memref<10240x128xf32, #tpu.memory_space<hbm>> -> memref<160x128xf32, #tpu.memory_space<hbm>>
    tpu.wait_dma2 semaphore(%arg14 : memref<!tpu.dma_semaphore, #tpu.memory_space<semaphore_mem>>) src(%dma_wait3A_36 : memref<160x128xf32, #tpu.memory_space<hbm>>) dst(%dma_wait3A_34 : memref<160x128xf32, #tpu.memory_space<vmem_shared>>)
    %dma_wait3A_37 = arith.constant 0 : i32
    %dma_wait3A_38 = tpu.memref_slice %arg11[%add3A_13, %dma_wait3A_37] : memref<10240x128xf32, #tpu.memory_space<vmem_shared>> -> memref<160x128xf32, #tpu.memory_space<vmem_shared>>
    %dma_wait3A_39 = arith.constant 0 : i32
    %dma_wait3A_40 = tpu.memref_slice %arg2[%add3A_11, %dma_wait3A_39] : memref<10240x128xf32, #tpu.memory_space<hbm>> -> memref<160x128xf32, #tpu.memory_space<hbm>>
    tpu.wait_dma2 semaphore(%arg14 : memref<!tpu.dma_semaphore, #tpu.memory_space<semaphore_mem>>) src(%dma_wait3A_40 : memref<160x128xf32, #tpu.memory_space<hbm>>) dst(%dma_wait3A_38 : memref<160x128xf32, #tpu.memory_space<vmem_shared>>)
    %dma_wait3A_41 = arith.constant 0 : i32
    %dma_wait3A_42 = tpu.memref_slice %arg11[%add3A_21, %dma_wait3A_41] : memref<10240x128xf32, #tpu.memory_space<vmem_shared>> -> memref<160x128xf32, #tpu.memory_space<vmem_shared>>
    %dma_wait3A_43 = arith.constant 0 : i32
    %dma_wait3A_44 = tpu.memref_slice %arg2[%add3A_19, %dma_wait3A_43] : memref<10240x128xf32, #tpu.memory_space<hbm>> -> memref<160x128xf32, #tpu.memory_space<hbm>>
    tpu.wait_dma2 semaphore(%arg14 : memref<!tpu.dma_semaphore, #tpu.memory_space<semaphore_mem>>) src(%dma_wait3A_44 : memref<160x128xf32, #tpu.memory_space<hbm>>) dst(%dma_wait3A_42 : memref<160x128xf32, #tpu.memory_space<vmem_shared>>)
    %dma_wait3A_45 = arith.constant 0 : i32
    %dma_wait3A_46 = tpu.memref_slice %arg11[%add3A_29, %dma_wait3A_45] : memref<10240x128xf32, #tpu.memory_space<vmem_shared>> -> memref<160x128xf32, #tpu.memory_space<vmem_shared>>
    %dma_wait3A_47 = arith.constant 0 : i32
    %dma_wait3A_48 = tpu.memref_slice %arg2[%add3A_27, %dma_wait3A_47] : memref<10240x128xf32, #tpu.memory_space<hbm>> -> memref<160x128xf32, #tpu.memory_space<hbm>>
    tpu.wait_dma2 semaphore(%arg14 : memref<!tpu.dma_semaphore, #tpu.memory_space<semaphore_mem>>) src(%dma_wait3A_48 : memref<160x128xf32, #tpu.memory_space<hbm>>) dst(%dma_wait3A_46 : memref<160x128xf32, #tpu.memory_space<vmem_shared>>)
    %barrier3A = arith.constant 0 : index
    tpu.barrier barrier_id(%barrier3A)
    %mul3A_49 = arith.constant 80 : i32
    %mul3A_50 = arith.muli %add3A, %mul3A_49 : i32
    %add3A_51 = arith.constant 0 : i32
    %add3A_52 = arith.addi %mul3A_50, %add3A_51 : i32
    %dma_start3A_53 = arith.constant 0 : i32
    %dma_start3A_54 = arith.constant 0 : i32
    %dma_start3A_55 = tpu.memref_slice %arg3[%add3A_52, %dma_start3A_53, %dma_start3A_54] : memref<2560x2x128xi32, #tpu.memory_space<hbm>> -> memref<1x2x128xi32, #tpu.memory_space<hbm>>
    %dma_start3A_56 = tpu.memref_squeeze %dma_start3A_55 : memref<1x2x128xi32, #tpu.memory_space<hbm>> -> memref<2x128xi32, #tpu.memory_space<hbm>>
    %dma_start3A_57 = arith.constant 0 : i32
    %dma_start3A_58 = arith.constant 0 : i32
    %dma_start3A_59 = tpu.memref_slice %arg3[%add3A_52, %dma_start3A_57, %dma_start3A_58] : memref<2560x2x128xi32, #tpu.memory_space<hbm>> -> memref<1x2x128xi32, #tpu.memory_space<hbm>>
    %dma_start3A_60 = tpu.memref_squeeze %dma_start3A_59 : memref<1x2x128xi32, #tpu.memory_space<hbm>> -> memref<2x128xi32, #tpu.memory_space<hbm>>
    tpu.enqueue_dma source(%dma_start3A_60 : memref<2x128xi32, #tpu.memory_space<hbm>>) target(%arg5 : memref<2x128xi32, #tpu.memory_space<vmem>>) target_semaphore(%arg12 : memref<!tpu.dma_semaphore, #tpu.memory_space<semaphore_mem>>)
    %mul3A_61 = arith.constant 80 : i32
    %mul3A_62 = arith.muli %add3A, %mul3A_61 : i32
    %add3A_63 = arith.constant 1 : i32
    %add3A_64 = arith.addi %mul3A_62, %add3A_63 : i32
    %dma_start3A_65 = arith.constant 0 : i32
    %dma_start3A_66 = arith.constant 0 : i32
    %dma_start3A_67 = tpu.memref_slice %arg3[%add3A_64, %dma_start3A_65, %dma_start3A_66] : memref<2560x2x128xi32, #tpu.memory_space<hbm>> -> memref<1x2x128xi32, #tpu.memory_space<hbm>>
    %dma_start3A_68 = tpu.memref_squeeze %dma_start3A_67 : memref<1x2x128xi32, #tpu.memory_space<hbm>> -> memref<2x128xi32, #tpu.memory_space<hbm>>
    %dma_start3A_69 = arith.constant 0 : i32
    %dma_start3A_70 = arith.constant 0 : i32
    %dma_start3A_71 = tpu.memref_slice %arg3[%add3A_64, %dma_start3A_69, %dma_start3A_70] : memref<2560x2x128xi32, #tpu.memory_space<hbm>> -> memref<1x2x128xi32, #tpu.memory_space<hbm>>
    %dma_start3A_72 = tpu.memref_squeeze %dma_start3A_71 : memref<1x2x128xi32, #tpu.memory_space<hbm>> -> memref<2x128xi32, #tpu.memory_space<hbm>>
    tpu.enqueue_dma source(%dma_start3A_72 : memref<2x128xi32, #tpu.memory_space<hbm>>) target(%arg6 : memref<2x128xi32, #tpu.memory_space<vmem>>) target_semaphore(%arg12 : memref<!tpu.dma_semaphore, #tpu.memory_space<semaphore_mem>>)
    %scan3A = arith.constant 0 : i32
    %scan3A_73 = arith.constant 0 : i32
    %scan3A_74 = arith.constant 20 : i32
    %scan3A_75 = arith.addi %scan3A_73, %scan3A_74 : i32
    %scan3A_76 = arith.constant 1 : i32
    scf.for %scan3A_167 = %scan3A_73 to %scan3A_75 step %scan3A_76  : i32 {
      %mul3A_168 = arith.constant 4 : i32
      %mul3A_169 = arith.muli %scan3A_167, %mul3A_168 : i32
      %add3A_170 = arith.constant 0 : i32
      %add3A_171 = arith.addi %mul3A_169, %add3A_170 : i32
      %lt3A = arith.constant 80 : i32
      %lt3A_172 = arith.cmpi slt, %add3A_171, %lt3A : i32
      %convert_element_type3A = arith.extui %lt3A_172 : i1 to i32
      %cond3A = arith.constant 0 : i32
      %cond3A_173 = arith.cmpi ne, %convert_element_type3A, %cond3A : i32
      scf.if %cond3A_173 {
        %ge3A = arith.constant 2 : i32
        %ge3A_201 = arith.cmpi sge, %add3A_171, %ge3A : i32
        %convert_element_type3A_202 = arith.extui %ge3A_201 : i1 to i32
        %cond3A_203 = arith.constant 0 : i32
        %cond3A_204 = arith.cmpi ne, %convert_element_type3A_202, %cond3A_203 : i32
        scf.if %cond3A_204 {
          %dma_wait3A_233 = arith.constant 1 : i32
          %dma_wait3A_234 = arith.constant 0 : i32
          %dma_wait3A_235 = tpu.memref_slice %arg5[%dma_wait3A_233, %dma_wait3A_234] : memref<2x128xi32, #tpu.memory_space<vmem>> -> memref<1x128xi32, #tpu.memory_space<vmem>>
          %dma_wait3A_236 = tpu.memref_squeeze %dma_wait3A_235 : memref<1x128xi32, #tpu.memory_space<vmem>> -> memref<128xi32, #tpu.memory_space<vmem>>
          %dma_wait3A_237 = arith.constant 0 : i32
          %dma_wait3A_238 = arith.constant 0 : i32
          %dma_wait3A_239 = tpu.memref_slice %arg11[%dma_wait3A_237, %dma_wait3A_238] : memref<10240x128xf32, #tpu.memory_space<vmem_shared>> -> memref<10240x128xf32, #tpu.memory_space<vmem_shared>>
          tpu.wait_indirect_dma semaphore(%arg14 : memref<!tpu.dma_semaphore, #tpu.memory_space<semaphore_mem>>) src(%arg9 : memref<128x128xf32, #tpu.memory_space<vmem>>) dst(%dma_wait3A_239 : memref<10240x128xf32, #tpu.memory_space<vmem_shared>>)
        } else {
        }
        %dma_wait3A_205 = arith.constant 0 : i32
        %dma_wait3A_206 = arith.constant 0 : i32
        %dma_wait3A_207 = arith.constant 0 : i32
        %dma_wait3A_208 = tpu.memref_slice %arg3[%dma_wait3A_205, %dma_wait3A_206, %dma_wait3A_207] : memref<2560x2x128xi32, #tpu.memory_space<hbm>> -> memref<1x2x128xi32, #tpu.memory_space<hbm>>
        %dma_wait3A_209 = tpu.memref_squeeze %dma_wait3A_208 : memref<1x2x128xi32, #tpu.memory_space<hbm>> -> memref<2x128xi32, #tpu.memory_space<hbm>>
        %dma_wait3A_210 = arith.constant 0 : i32
        %dma_wait3A_211 = arith.constant 0 : i32
        %dma_wait3A_212 = tpu.memref_slice %arg3[%dma_wait3A_205, %dma_wait3A_210, %dma_wait3A_211] : memref<2560x2x128xi32, #tpu.memory_space<hbm>> -> memref<1x2x128xi32, #tpu.memory_space<hbm>>
        %dma_wait3A_213 = tpu.memref_squeeze %dma_wait3A_212 : memref<1x2x128xi32, #tpu.memory_space<hbm>> -> memref<2x128xi32, #tpu.memory_space<hbm>>
        tpu.wait_dma2 semaphore(%arg12 : memref<!tpu.dma_semaphore, #tpu.memory_space<semaphore_mem>>) src(%dma_wait3A_213 : memref<2x128xi32, #tpu.memory_space<hbm>>) dst(%arg5 : memref<2x128xi32, #tpu.memory_space<vmem>>)
        %dma_start3A_214 = arith.constant 0 : i32
        %dma_start3A_215 = arith.constant 0 : i32
        %dma_start3A_216 = tpu.memref_slice %arg5[%dma_start3A_214, %dma_start3A_215] : memref<2x128xi32, #tpu.memory_space<vmem>> -> memref<1x128xi32, #tpu.memory_space<vmem>>
        %dma_start3A_217 = tpu.memref_squeeze %dma_start3A_216 : memref<1x128xi32, #tpu.memory_space<vmem>> -> memref<128xi32, #tpu.memory_space<vmem>>
        %dma_start3A_218 = arith.constant 0 : i32
        %dma_start3A_219 = arith.constant 0 : i32
        %dma_start3A_220 = tpu.memref_slice %arg2[%dma_start3A_218, %dma_start3A_219] : memref<10240x128xf32, #tpu.memory_space<hbm>> -> memref<10240x128xf32, #tpu.memory_space<hbm>>
        tpu.enqueue_indirect_dma source(%dma_start3A_220 : memref<10240x128xf32, #tpu.memory_space<hbm>>) target(%arg9 : memref<128x128xf32, #tpu.memory_space<vmem>>) offsets(%dma_start3A_217 : memref<128xi32, #tpu.memory_space<vmem>>) semaphore(%arg13 : memref<!tpu.dma_semaphore, #tpu.memory_space<semaphore_mem>>)
        %ge3A_221 = arith.constant 1 : i32
        %ge3A_222 = arith.cmpi sge, %add3A_171, %ge3A_221 : i32
        %convert_element_type3A_223 = arith.extui %ge3A_222 : i1 to i32
        %cond3A_224 = arith.constant 0 : i32
        %cond3A_225 = arith.cmpi ne, %convert_element_type3A_223, %cond3A_224 : i32
        scf.if %cond3A_225 {
          %dma_wait3A_233 = arith.constant 0 : i32
          %dma_wait3A_234 = arith.constant 0 : i32
          %dma_wait3A_235 = tpu.memref_slice %arg5[%dma_wait3A_233, %dma_wait3A_234] : memref<2x128xi32, #tpu.memory_space<vmem>> -> memref<1x128xi32, #tpu.memory_space<vmem>>
          %dma_wait3A_236 = tpu.memref_squeeze %dma_wait3A_235 : memref<1x128xi32, #tpu.memory_space<vmem>> -> memref<128xi32, #tpu.memory_space<vmem>>
          %dma_wait3A_237 = arith.constant 0 : i32
          %dma_wait3A_238 = arith.constant 0 : i32
          %dma_wait3A_239 = tpu.memref_slice %arg2[%dma_wait3A_237, %dma_wait3A_238] : memref<10240x128xf32, #tpu.memory_space<hbm>> -> memref<10240x128xf32, #tpu.memory_space<hbm>>
          tpu.wait_indirect_dma semaphore(%arg13 : memref<!tpu.dma_semaphore, #tpu.memory_space<semaphore_mem>>) src(%dma_wait3A_239 : memref<10240x128xf32, #tpu.memory_space<hbm>>) dst(%arg10 : memref<128x128xf32, #tpu.memory_space<vmem>>)
          %dma_start3A_240 = arith.constant 1 : i32
          %dma_start3A_241 = arith.constant 0 : i32
          %dma_start3A_242 = tpu.memref_slice %arg8[%dma_start3A_240, %dma_start3A_241] : memref<2x128xi32, #tpu.memory_space<vmem>> -> memref<1x128xi32, #tpu.memory_space<vmem>>
          %dma_start3A_243 = tpu.memref_squeeze %dma_start3A_242 : memref<1x128xi32, #tpu.memory_space<vmem>> -> memref<128xi32, #tpu.memory_space<vmem>>
          %dma_start3A_244 = arith.constant 0 : i32
          %dma_start3A_245 = arith.constant 0 : i32
          %dma_start3A_246 = tpu.memref_slice %arg11[%dma_start3A_244, %dma_start3A_245] : memref<10240x128xf32, #tpu.memory_space<vmem_shared>> -> memref<10240x128xf32, #tpu.memory_space<vmem_shared>>
          tpu.enqueue_indirect_dma source(%arg10 : memref<128x128xf32, #tpu.memory_space<vmem>>) target(%dma_start3A_246 : memref<10240x128xf32, #tpu.memory_space<vmem_shared>>) offsets(%dma_start3A_243 : memref<128xi32, #tpu.memory_space<vmem>>) semaphore(%arg14 : memref<!tpu.dma_semaphore, #tpu.memory_space<semaphore_mem>>) {add = true}
        } else {
        }
        %add3A_226 = arith.constant 2 : i32
        %add3A_227 = arith.addi %add3A_171, %add3A_226 : i32
        %lt3A_228 = arith.constant 80 : i32
        %lt3A_229 = arith.cmpi slt, %add3A_227, %lt3A_228 : i32
        %convert_element_type3A_230 = arith.extui %lt3A_229 : i1 to i32
        %cond3A_231 = arith.constant 0 : i32
        %cond3A_232 = arith.cmpi ne, %convert_element_type3A_230, %cond3A_231 : i32
        scf.if %cond3A_232 {
          %add3A_233 = arith.constant 2 : i32
          %add3A_234 = arith.addi %add3A_171, %add3A_233 : i32
          %mul3A_235 = arith.constant 80 : i32
          %mul3A_236 = arith.muli %add3A, %mul3A_235 : i32
          %add3A_237 = arith.addi %mul3A_236, %add3A_234 : i32
          %dma_start3A_238 = arith.constant 0 : i32
          %dma_start3A_239 = arith.constant 0 : i32
          %dma_start3A_240 = tpu.memref_slice %arg3[%add3A_237, %dma_start3A_238, %dma_start3A_239] : memref<2560x2x128xi32, #tpu.memory_space<hbm>> -> memref<1x2x128xi32, #tpu.memory_space<hbm>>
          %dma_start3A_241 = tpu.memref_squeeze %dma_start3A_240 : memref<1x2x128xi32, #tpu.memory_space<hbm>> -> memref<2x128xi32, #tpu.memory_space<hbm>>
          %dma_start3A_242 = arith.constant 0 : i32
          %dma_start3A_243 = arith.constant 0 : i32
          %dma_start3A_244 = tpu.memref_slice %arg3[%add3A_237, %dma_start3A_242, %dma_start3A_243] : memref<2560x2x128xi32, #tpu.memory_space<hbm>> -> memref<1x2x128xi32, #tpu.memory_space<hbm>>
          %dma_start3A_245 = tpu.memref_squeeze %dma_start3A_244 : memref<1x2x128xi32, #tpu.memory_space<hbm>> -> memref<2x128xi32, #tpu.memory_space<hbm>>
          tpu.enqueue_dma source(%dma_start3A_245 : memref<2x128xi32, #tpu.memory_space<hbm>>) target(%arg7 : memref<2x128xi32, #tpu.memory_space<vmem>>) target_semaphore(%arg12 : memref<!tpu.dma_semaphore, #tpu.memory_space<semaphore_mem>>)
        } else {
        }
      } else {
      }
      %mul3A_174 = arith.constant 4 : i32
      %mul3A_175 = arith.muli %scan3A_167, %mul3A_174 : i32
      %add3A_176 = arith.constant 1 : i32
      %add3A_177 = arith.addi %mul3A_175, %add3A_176 : i32
      %lt3A_178 = arith.constant 80 : i32
      %lt3A_179 = arith.cmpi slt, %add3A_177, %lt3A_178 : i32
      %convert_element_type3A_180 = arith.extui %lt3A_179 : i1 to i32
      %cond3A_181 = arith.constant 0 : i32
      %cond3A_182 = arith.cmpi ne, %convert_element_type3A_180, %cond3A_181 : i32
      scf.if %cond3A_182 {
        %ge3A = arith.constant 2 : i32
        %ge3A_201 = arith.cmpi sge, %add3A_177, %ge3A : i32
        %convert_element_type3A_202 = arith.extui %ge3A_201 : i1 to i32
        %cond3A_203 = arith.constant 0 : i32
        %cond3A_204 = arith.cmpi ne, %convert_element_type3A_202, %cond3A_203 : i32
        scf.if %cond3A_204 {
          %dma_wait3A_233 = arith.constant 1 : i32
          %dma_wait3A_234 = arith.constant 0 : i32
          %dma_wait3A_235 = tpu.memref_slice %arg5[%dma_wait3A_233, %dma_wait3A_234] : memref<2x128xi32, #tpu.memory_space<vmem>> -> memref<1x128xi32, #tpu.memory_space<vmem>>
          %dma_wait3A_236 = tpu.memref_squeeze %dma_wait3A_235 : memref<1x128xi32, #tpu.memory_space<vmem>> -> memref<128xi32, #tpu.memory_space<vmem>>
          %dma_wait3A_237 = arith.constant 0 : i32
          %dma_wait3A_238 = arith.constant 0 : i32
          %dma_wait3A_239 = tpu.memref_slice %arg11[%dma_wait3A_237, %dma_wait3A_238] : memref<10240x128xf32, #tpu.memory_space<vmem_shared>> -> memref<10240x128xf32, #tpu.memory_space<vmem_shared>>
          tpu.wait_indirect_dma semaphore(%arg14 : memref<!tpu.dma_semaphore, #tpu.memory_space<semaphore_mem>>) src(%arg9 : memref<128x128xf32, #tpu.memory_space<vmem>>) dst(%dma_wait3A_239 : memref<10240x128xf32, #tpu.memory_space<vmem_shared>>)
        } else {
        }
        %dma_wait3A_205 = arith.constant 0 : i32
        %dma_wait3A_206 = arith.constant 0 : i32
        %dma_wait3A_207 = arith.constant 0 : i32
        %dma_wait3A_208 = tpu.memref_slice %arg3[%dma_wait3A_205, %dma_wait3A_206, %dma_wait3A_207] : memref<2560x2x128xi32, #tpu.memory_space<hbm>> -> memref<1x2x128xi32, #tpu.memory_space<hbm>>
        %dma_wait3A_209 = tpu.memref_squeeze %dma_wait3A_208 : memref<1x2x128xi32, #tpu.memory_space<hbm>> -> memref<2x128xi32, #tpu.memory_space<hbm>>
        %dma_wait3A_210 = arith.constant 0 : i32
        %dma_wait3A_211 = arith.constant 0 : i32
        %dma_wait3A_212 = tpu.memref_slice %arg3[%dma_wait3A_205, %dma_wait3A_210, %dma_wait3A_211] : memref<2560x2x128xi32, #tpu.memory_space<hbm>> -> memref<1x2x128xi32, #tpu.memory_space<hbm>>
        %dma_wait3A_213 = tpu.memref_squeeze %dma_wait3A_212 : memref<1x2x128xi32, #tpu.memory_space<hbm>> -> memref<2x128xi32, #tpu.memory_space<hbm>>
        tpu.wait_dma2 semaphore(%arg12 : memref<!tpu.dma_semaphore, #tpu.memory_space<semaphore_mem>>) src(%dma_wait3A_213 : memref<2x128xi32, #tpu.memory_space<hbm>>) dst(%arg6 : memref<2x128xi32, #tpu.memory_space<vmem>>)
        %dma_start3A_214 = arith.constant 0 : i32
        %dma_start3A_215 = arith.constant 0 : i32
        %dma_start3A_216 = tpu.memref_slice %arg6[%dma_start3A_214, %dma_start3A_215] : memref<2x128xi32, #tpu.memory_space<vmem>> -> memref<1x128xi32, #tpu.memory_space<vmem>>
        %dma_start3A_217 = tpu.memref_squeeze %dma_start3A_216 : memref<1x128xi32, #tpu.memory_space<vmem>> -> memref<128xi32, #tpu.memory_space<vmem>>
        %dma_start3A_218 = arith.constant 0 : i32
        %dma_start3A_219 = arith.constant 0 : i32
        %dma_start3A_220 = tpu.memref_slice %arg2[%dma_start3A_218, %dma_start3A_219] : memref<10240x128xf32, #tpu.memory_space<hbm>> -> memref<10240x128xf32, #tpu.memory_space<hbm>>
        tpu.enqueue_indirect_dma source(%dma_start3A_220 : memref<10240x128xf32, #tpu.memory_space<hbm>>) target(%arg10 : memref<128x128xf32, #tpu.memory_space<vmem>>) offsets(%dma_start3A_217 : memref<128xi32, #tpu.memory_space<vmem>>) semaphore(%arg13 : memref<!tpu.dma_semaphore, #tpu.memory_space<semaphore_mem>>)
        %ge3A_221 = arith.constant 1 : i32
        %ge3A_222 = arith.cmpi sge, %add3A_177, %ge3A_221 : i32
        %convert_element_type3A_223 = arith.extui %ge3A_222 : i1 to i32
        %cond3A_224 = arith.constant 0 : i32
        %cond3A_225 = arith.cmpi ne, %convert_element_type3A_223, %cond3A_224 : i32
        scf.if %cond3A_225 {
          %dma_wait3A_233 = arith.constant 0 : i32
          %dma_wait3A_234 = arith.constant 0 : i32
          %dma_wait3A_235 = tpu.memref_slice %arg5[%dma_wait3A_233, %dma_wait3A_234] : memref<2x128xi32, #tpu.memory_space<vmem>> -> memref<1x128xi32, #tpu.memory_space<vmem>>
          %dma_wait3A_236 = tpu.memref_squeeze %dma_wait3A_235 : memref<1x128xi32, #tpu.memory_space<vmem>> -> memref<128xi32, #tpu.memory_space<vmem>>
          %dma_wait3A_237 = arith.constant 0 : i32
          %dma_wait3A_238 = arith.constant 0 : i32
          %dma_wait3A_239 = tpu.memref_slice %arg2[%dma_wait3A_237, %dma_wait3A_238] : memref<10240x128xf32, #tpu.memory_space<hbm>> -> memref<10240x128xf32, #tpu.memory_space<hbm>>
          tpu.wait_indirect_dma semaphore(%arg13 : memref<!tpu.dma_semaphore, #tpu.memory_space<semaphore_mem>>) src(%dma_wait3A_239 : memref<10240x128xf32, #tpu.memory_space<hbm>>) dst(%arg9 : memref<128x128xf32, #tpu.memory_space<vmem>>)
          %dma_start3A_240 = arith.constant 1 : i32
          %dma_start3A_241 = arith.constant 0 : i32
          %dma_start3A_242 = tpu.memref_slice %arg5[%dma_start3A_240, %dma_start3A_241] : memref<2x128xi32, #tpu.memory_space<vmem>> -> memref<1x128xi32, #tpu.memory_space<vmem>>
          %dma_start3A_243 = tpu.memref_squeeze %dma_start3A_242 : memref<1x128xi32, #tpu.memory_space<vmem>> -> memref<128xi32, #tpu.memory_space<vmem>>
          %dma_start3A_244 = arith.constant 0 : i32
          %dma_start3A_245 = arith.constant 0 : i32
          %dma_start3A_246 = tpu.memref_slice %arg11[%dma_start3A_244, %dma_start3A_245] : memref<10240x128xf32, #tpu.memory_space<vmem_shared>> -> memref<10240x128xf32, #tpu.memory_space<vmem_shared>>
          tpu.enqueue_indirect_dma source(%arg9 : memref<128x128xf32, #tpu.memory_space<vmem>>) target(%dma_start3A_246 : memref<10240x128xf32, #tpu.memory_space<vmem_shared>>) offsets(%dma_start3A_243 : memref<128xi32, #tpu.memory_space<vmem>>) semaphore(%arg14 : memref<!tpu.dma_semaphore, #tpu.memory_space<semaphore_mem>>) {add = true}
        } else {
        }
        %add3A_226 = arith.constant 2 : i32
        %add3A_227 = arith.addi %add3A_177, %add3A_226 : i32
        %lt3A_228 = arith.constant 80 : i32
        %lt3A_229 = arith.cmpi slt, %add3A_227, %lt3A_228 : i32
        %convert_element_type3A_230 = arith.extui %lt3A_229 : i1 to i32
        %cond3A_231 = arith.constant 0 : i32
        %cond3A_232 = arith.cmpi ne, %convert_element_type3A_230, %cond3A_231 : i32
        scf.if %cond3A_232 {
          %add3A_233 = arith.constant 2 : i32
          %add3A_234 = arith.addi %add3A_177, %add3A_233 : i32
          %mul3A_235 = arith.constant 80 : i32
          %mul3A_236 = arith.muli %add3A, %mul3A_235 : i32
          %add3A_237 = arith.addi %mul3A_236, %add3A_234 : i32
          %dma_start3A_238 = arith.constant 0 : i32
          %dma_start3A_239 = arith.constant 0 : i32
          %dma_start3A_240 = tpu.memref_slice %arg3[%add3A_237, %dma_start3A_238, %dma_start3A_239] : memref<2560x2x128xi32, #tpu.memory_space<hbm>> -> memref<1x2x128xi32, #tpu.memory_space<hbm>>
          %dma_start3A_241 = tpu.memref_squeeze %dma_start3A_240 : memref<1x2x128xi32, #tpu.memory_space<hbm>> -> memref<2x128xi32, #tpu.memory_space<hbm>>
          %dma_start3A_242 = arith.constant 0 : i32
          %dma_start3A_243 = arith.constant 0 : i32
          %dma_start3A_244 = tpu.memref_slice %arg3[%add3A_237, %dma_start3A_242, %dma_start3A_243] : memref<2560x2x128xi32, #tpu.memory_space<hbm>> -> memref<1x2x128xi32, #tpu.memory_space<hbm>>
          %dma_start3A_245 = tpu.memref_squeeze %dma_start3A_244 : memref<1x2x128xi32, #tpu.memory_space<hbm>> -> memref<2x128xi32, #tpu.memory_space<hbm>>
          tpu.enqueue_dma source(%dma_start3A_245 : memref<2x128xi32, #tpu.memory_space<hbm>>) target(%arg8 : memref<2x128xi32, #tpu.memory_space<vmem>>) target_semaphore(%arg12 : memref<!tpu.dma_semaphore, #tpu.memory_space<semaphore_mem>>)
        } else {
        }
      } else {
      }
      %mul3A_183 = arith.constant 4 : i32
      %mul3A_184 = arith.muli %scan3A_167, %mul3A_183 : i32
      %add3A_185 = arith.constant 2 : i32
      %add3A_186 = arith.addi %mul3A_184, %add3A_185 : i32
      %lt3A_187 = arith.constant 80 : i32
      %lt3A_188 = arith.cmpi slt, %add3A_186, %lt3A_187 : i32
      %convert_element_type3A_189 = arith.extui %lt3A_188 : i1 to i32
      %cond3A_190 = arith.constant 0 : i32
      %cond3A_191 = arith.cmpi ne, %convert_element_type3A_189, %cond3A_190 : i32
      scf.if %cond3A_191 {
        %ge3A = arith.constant 2 : i32
        %ge3A_201 = arith.cmpi sge, %add3A_186, %ge3A : i32
        %convert_element_type3A_202 = arith.extui %ge3A_201 : i1 to i32
        %cond3A_203 = arith.constant 0 : i32
        %cond3A_204 = arith.cmpi ne, %convert_element_type3A_202, %cond3A_203 : i32
        scf.if %cond3A_204 {
          %dma_wait3A_233 = arith.constant 1 : i32
          %dma_wait3A_234 = arith.constant 0 : i32
          %dma_wait3A_235 = tpu.memref_slice %arg5[%dma_wait3A_233, %dma_wait3A_234] : memref<2x128xi32, #tpu.memory_space<vmem>> -> memref<1x128xi32, #tpu.memory_space<vmem>>
          %dma_wait3A_236 = tpu.memref_squeeze %dma_wait3A_235 : memref<1x128xi32, #tpu.memory_space<vmem>> -> memref<128xi32, #tpu.memory_space<vmem>>
          %dma_wait3A_237 = arith.constant 0 : i32
          %dma_wait3A_238 = arith.constant 0 : i32
          %dma_wait3A_239 = tpu.memref_slice %arg11[%dma_wait3A_237, %dma_wait3A_238] : memref<10240x128xf32, #tpu.memory_space<vmem_shared>> -> memref<10240x128xf32, #tpu.memory_space<vmem_shared>>
          tpu.wait_indirect_dma semaphore(%arg14 : memref<!tpu.dma_semaphore, #tpu.memory_space<semaphore_mem>>) src(%arg9 : memref<128x128xf32, #tpu.memory_space<vmem>>) dst(%dma_wait3A_239 : memref<10240x128xf32, #tpu.memory_space<vmem_shared>>)
        } else {
        }
        %dma_wait3A_205 = arith.constant 0 : i32
        %dma_wait3A_206 = arith.constant 0 : i32
        %dma_wait3A_207 = arith.constant 0 : i32
        %dma_wait3A_208 = tpu.memref_slice %arg3[%dma_wait3A_205, %dma_wait3A_206, %dma_wait3A_207] : memref<2560x2x128xi32, #tpu.memory_space<hbm>> -> memref<1x2x128xi32, #tpu.memory_space<hbm>>
        %dma_wait3A_209 = tpu.memref_squeeze %dma_wait3A_208 : memref<1x2x128xi32, #tpu.memory_space<hbm>> -> memref<2x128xi32, #tpu.memory_space<hbm>>
        %dma_wait3A_210 = arith.constant 0 : i32
        %dma_wait3A_211 = arith.constant 0 : i32
        %dma_wait3A_212 = tpu.memref_slice %arg3[%dma_wait3A_205, %dma_wait3A_210, %dma_wait3A_211] : memref<2560x2x128xi32, #tpu.memory_space<hbm>> -> memref<1x2x128xi32, #tpu.memory_space<hbm>>
        %dma_wait3A_213 = tpu.memref_squeeze %dma_wait3A_212 : memref<1x2x128xi32, #tpu.memory_space<hbm>> -> memref<2x128xi32, #tpu.memory_space<hbm>>
        tpu.wait_dma2 semaphore(%arg12 : memref<!tpu.dma_semaphore, #tpu.memory_space<semaphore_mem>>) src(%dma_wait3A_213 : memref<2x128xi32, #tpu.memory_space<hbm>>) dst(%arg7 : memref<2x128xi32, #tpu.memory_space<vmem>>)
        %dma_start3A_214 = arith.constant 0 : i32
        %dma_start3A_215 = arith.constant 0 : i32
        %dma_start3A_216 = tpu.memref_slice %arg7[%dma_start3A_214, %dma_start3A_215] : memref<2x128xi32, #tpu.memory_space<vmem>> -> memref<1x128xi32, #tpu.memory_space<vmem>>
        %dma_start3A_217 = tpu.memref_squeeze %dma_start3A_216 : memref<1x128xi32, #tpu.memory_space<vmem>> -> memref<128xi32, #tpu.memory_space<vmem>>
        %dma_start3A_218 = arith.constant 0 : i32
        %dma_start3A_219 = arith.constant 0 : i32
        %dma_start3A_220 = tpu.memref_slice %arg2[%dma_start3A_218, %dma_start3A_219] : memref<10240x128xf32, #tpu.memory_space<hbm>> -> memref<10240x128xf32, #tpu.memory_space<hbm>>
        tpu.enqueue_indirect_dma source(%dma_start3A_220 : memref<10240x128xf32, #tpu.memory_space<hbm>>) target(%arg9 : memref<128x128xf32, #tpu.memory_space<vmem>>) offsets(%dma_start3A_217 : memref<128xi32, #tpu.memory_space<vmem>>) semaphore(%arg13 : memref<!tpu.dma_semaphore, #tpu.memory_space<semaphore_mem>>)
        %ge3A_221 = arith.constant 1 : i32
        %ge3A_222 = arith.cmpi sge, %add3A_186, %ge3A_221 : i32
        %convert_element_type3A_223 = arith.extui %ge3A_222 : i1 to i32
        %cond3A_224 = arith.constant 0 : i32
        %cond3A_225 = arith.cmpi ne, %convert_element_type3A_223, %cond3A_224 : i32
        scf.if %cond3A_225 {
          %dma_wait3A_233 = arith.constant 0 : i32
          %dma_wait3A_234 = arith.constant 0 : i32
          %dma_wait3A_235 = tpu.memref_slice %arg5[%dma_wait3A_233, %dma_wait3A_234] : memref<2x128xi32, #tpu.memory_space<vmem>> -> memref<1x128xi32, #tpu.memory_space<vmem>>
          %dma_wait3A_236 = tpu.memref_squeeze %dma_wait3A_235 : memref<1x128xi32, #tpu.memory_space<vmem>> -> memref<128xi32, #tpu.memory_space<vmem>>
          %dma_wait3A_237 = arith.constant 0 : i32
          %dma_wait3A_238 = arith.constant 0 : i32
          %dma_wait3A_239 = tpu.memref_slice %arg2[%dma_wait3A_237, %dma_wait3A_238] : memref<10240x128xf32, #tpu.memory_space<hbm>> -> memref<10240x128xf32, #tpu.memory_space<hbm>>
          tpu.wait_indirect_dma semaphore(%arg13 : memref<!tpu.dma_semaphore, #tpu.memory_space<semaphore_mem>>) src(%dma_wait3A_239 : memref<10240x128xf32, #tpu.memory_space<hbm>>) dst(%arg10 : memref<128x128xf32, #tpu.memory_space<vmem>>)
          %dma_start3A_240 = arith.constant 1 : i32
          %dma_start3A_241 = arith.constant 0 : i32
          %dma_start3A_242 = tpu.memref_slice %arg6[%dma_start3A_240, %dma_start3A_241] : memref<2x128xi32, #tpu.memory_space<vmem>> -> memref<1x128xi32, #tpu.memory_space<vmem>>
          %dma_start3A_243 = tpu.memref_squeeze %dma_start3A_242 : memref<1x128xi32, #tpu.memory_space<vmem>> -> memref<128xi32, #tpu.memory_space<vmem>>
          %dma_start3A_244 = arith.constant 0 : i32
          %dma_start3A_245 = arith.constant 0 : i32
          %dma_start3A_246 = tpu.memref_slice %arg11[%dma_start3A_244, %dma_start3A_245] : memref<10240x128xf32, #tpu.memory_space<vmem_shared>> -> memref<10240x128xf32, #tpu.memory_space<vmem_shared>>
          tpu.enqueue_indirect_dma source(%arg10 : memref<128x128xf32, #tpu.memory_space<vmem>>) target(%dma_start3A_246 : memref<10240x128xf32, #tpu.memory_space<vmem_shared>>) offsets(%dma_start3A_243 : memref<128xi32, #tpu.memory_space<vmem>>) semaphore(%arg14 : memref<!tpu.dma_semaphore, #tpu.memory_space<semaphore_mem>>) {add = true}
        } else {
        }
        %add3A_226 = arith.constant 2 : i32
        %add3A_227 = arith.addi %add3A_186, %add3A_226 : i32
        %lt3A_228 = arith.constant 80 : i32
        %lt3A_229 = arith.cmpi slt, %add3A_227, %lt3A_228 : i32
        %convert_element_type3A_230 = arith.extui %lt3A_229 : i1 to i32
        %cond3A_231 = arith.constant 0 : i32
        %cond3A_232 = arith.cmpi ne, %convert_element_type3A_230, %cond3A_231 : i32
        scf.if %cond3A_232 {
          %add3A_233 = arith.constant 2 : i32
          %add3A_234 = arith.addi %add3A_186, %add3A_233 : i32
          %mul3A_235 = arith.constant 80 : i32
          %mul3A_236 = arith.muli %add3A, %mul3A_235 : i32
          %add3A_237 = arith.addi %mul3A_236, %add3A_234 : i32
          %dma_start3A_238 = arith.constant 0 : i32
          %dma_start3A_239 = arith.constant 0 : i32
          %dma_start3A_240 = tpu.memref_slice %arg3[%add3A_237, %dma_start3A_238, %dma_start3A_239] : memref<2560x2x128xi32, #tpu.memory_space<hbm>> -> memref<1x2x128xi32, #tpu.memory_space<hbm>>
          %dma_start3A_241 = tpu.memref_squeeze %dma_start3A_240 : memref<1x2x128xi32, #tpu.memory_space<hbm>> -> memref<2x128xi32, #tpu.memory_space<hbm>>
          %dma_start3A_242 = arith.constant 0 : i32
          %dma_start3A_243 = arith.constant 0 : i32
          %dma_start3A_244 = tpu.memref_slice %arg3[%add3A_237, %dma_start3A_242, %dma_start3A_243] : memref<2560x2x128xi32, #tpu.memory_space<hbm>> -> memref<1x2x128xi32, #tpu.memory_space<hbm>>
          %dma_start3A_245 = tpu.memref_squeeze %dma_start3A_244 : memref<1x2x128xi32, #tpu.memory_space<hbm>> -> memref<2x128xi32, #tpu.memory_space<hbm>>
          tpu.enqueue_dma source(%dma_start3A_245 : memref<2x128xi32, #tpu.memory_space<hbm>>) target(%arg5 : memref<2x128xi32, #tpu.memory_space<vmem>>) target_semaphore(%arg12 : memref<!tpu.dma_semaphore, #tpu.memory_space<semaphore_mem>>)
        } else {
        }
      } else {
      }
      %mul3A_192 = arith.constant 4 : i32
      %mul3A_193 = arith.muli %scan3A_167, %mul3A_192 : i32
      %add3A_194 = arith.constant 3 : i32
      %add3A_195 = arith.addi %mul3A_193, %add3A_194 : i32
      %lt3A_196 = arith.constant 80 : i32
      %lt3A_197 = arith.cmpi slt, %add3A_195, %lt3A_196 : i32
      %convert_element_type3A_198 = arith.extui %lt3A_197 : i1 to i32
      %cond3A_199 = arith.constant 0 : i32
      %cond3A_200 = arith.cmpi ne, %convert_element_type3A_198, %cond3A_199 : i32
      scf.if %cond3A_200 {
        %ge3A = arith.constant 2 : i32
        %ge3A_201 = arith.cmpi sge, %add3A_195, %ge3A : i32
        %convert_element_type3A_202 = arith.extui %ge3A_201 : i1 to i32
        %cond3A_203 = arith.constant 0 : i32
        %cond3A_204 = arith.cmpi ne, %convert_element_type3A_202, %cond3A_203 : i32
        scf.if %cond3A_204 {
          %dma_wait3A_233 = arith.constant 1 : i32
          %dma_wait3A_234 = arith.constant 0 : i32
          %dma_wait3A_235 = tpu.memref_slice %arg5[%dma_wait3A_233, %dma_wait3A_234] : memref<2x128xi32, #tpu.memory_space<vmem>> -> memref<1x128xi32, #tpu.memory_space<vmem>>
          %dma_wait3A_236 = tpu.memref_squeeze %dma_wait3A_235 : memref<1x128xi32, #tpu.memory_space<vmem>> -> memref<128xi32, #tpu.memory_space<vmem>>
          %dma_wait3A_237 = arith.constant 0 : i32
          %dma_wait3A_238 = arith.constant 0 : i32
          %dma_wait3A_239 = tpu.memref_slice %arg11[%dma_wait3A_237, %dma_wait3A_238] : memref<10240x128xf32, #tpu.memory_space<vmem_shared>> -> memref<10240x128xf32, #tpu.memory_space<vmem_shared>>
          tpu.wait_indirect_dma semaphore(%arg14 : memref<!tpu.dma_semaphore, #tpu.memory_space<semaphore_mem>>) src(%arg9 : memref<128x128xf32, #tpu.memory_space<vmem>>) dst(%dma_wait3A_239 : memref<10240x128xf32, #tpu.memory_space<vmem_shared>>)
        } else {
        }
        %dma_wait3A_205 = arith.constant 0 : i32
        %dma_wait3A_206 = arith.constant 0 : i32
        %dma_wait3A_207 = arith.constant 0 : i32
        %dma_wait3A_208 = tpu.memref_slice %arg3[%dma_wait3A_205, %dma_wait3A_206, %dma_wait3A_207] : memref<2560x2x128xi32, #tpu.memory_space<hbm>> -> memref<1x2x128xi32, #tpu.memory_space<hbm>>
        %dma_wait3A_209 = tpu.memref_squeeze %dma_wait3A_208 : memref<1x2x128xi32, #tpu.memory_space<hbm>> -> memref<2x128xi32, #tpu.memory_space<hbm>>
        %dma_wait3A_210 = arith.constant 0 : i32
        %dma_wait3A_211 = arith.constant 0 : i32
        %dma_wait3A_212 = tpu.memref_slice %arg3[%dma_wait3A_205, %dma_wait3A_210, %dma_wait3A_211] : memref<2560x2x128xi32, #tpu.memory_space<hbm>> -> memref<1x2x128xi32, #tpu.memory_space<hbm>>
        %dma_wait3A_213 = tpu.memref_squeeze %dma_wait3A_212 : memref<1x2x128xi32, #tpu.memory_space<hbm>> -> memref<2x128xi32, #tpu.memory_space<hbm>>
        tpu.wait_dma2 semaphore(%arg12 : memref<!tpu.dma_semaphore, #tpu.memory_space<semaphore_mem>>) src(%dma_wait3A_213 : memref<2x128xi32, #tpu.memory_space<hbm>>) dst(%arg8 : memref<2x128xi32, #tpu.memory_space<vmem>>)
        %dma_start3A_214 = arith.constant 0 : i32
        %dma_start3A_215 = arith.constant 0 : i32
        %dma_start3A_216 = tpu.memref_slice %arg8[%dma_start3A_214, %dma_start3A_215] : memref<2x128xi32, #tpu.memory_space<vmem>> -> memref<1x128xi32, #tpu.memory_space<vmem>>
        %dma_start3A_217 = tpu.memref_squeeze %dma_start3A_216 : memref<1x128xi32, #tpu.memory_space<vmem>> -> memref<128xi32, #tpu.memory_space<vmem>>
        %dma_start3A_218 = arith.constant 0 : i32
        %dma_start3A_219 = arith.constant 0 : i32
        %dma_start3A_220 = tpu.memref_slice %arg2[%dma_start3A_218, %dma_start3A_219] : memref<10240x128xf32, #tpu.memory_space<hbm>> -> memref<10240x128xf32, #tpu.memory_space<hbm>>
        tpu.enqueue_indirect_dma source(%dma_start3A_220 : memref<10240x128xf32, #tpu.memory_space<hbm>>) target(%arg10 : memref<128x128xf32, #tpu.memory_space<vmem>>) offsets(%dma_start3A_217 : memref<128xi32, #tpu.memory_space<vmem>>) semaphore(%arg13 : memref<!tpu.dma_semaphore, #tpu.memory_space<semaphore_mem>>)
        %ge3A_221 = arith.constant 1 : i32
        %ge3A_222 = arith.cmpi sge, %add3A_195, %ge3A_221 : i32
        %convert_element_type3A_223 = arith.extui %ge3A_222 : i1 to i32
        %cond3A_224 = arith.constant 0 : i32
        %cond3A_225 = arith.cmpi ne, %convert_element_type3A_223, %cond3A_224 : i32
        scf.if %cond3A_225 {
          %dma_wait3A_233 = arith.constant 0 : i32
          %dma_wait3A_234 = arith.constant 0 : i32
          %dma_wait3A_235 = tpu.memref_slice %arg5[%dma_wait3A_233, %dma_wait3A_234] : memref<2x128xi32, #tpu.memory_space<vmem>> -> memref<1x128xi32, #tpu.memory_space<vmem>>
          %dma_wait3A_236 = tpu.memref_squeeze %dma_wait3A_235 : memref<1x128xi32, #tpu.memory_space<vmem>> -> memref<128xi32, #tpu.memory_space<vmem>>
          %dma_wait3A_237 = arith.constant 0 : i32
          %dma_wait3A_238 = arith.constant 0 : i32
          %dma_wait3A_239 = tpu.memref_slice %arg2[%dma_wait3A_237, %dma_wait3A_238] : memref<10240x128xf32, #tpu.memory_space<hbm>> -> memref<10240x128xf32, #tpu.memory_space<hbm>>
          tpu.wait_indirect_dma semaphore(%arg13 : memref<!tpu.dma_semaphore, #tpu.memory_space<semaphore_mem>>) src(%dma_wait3A_239 : memref<10240x128xf32, #tpu.memory_space<hbm>>) dst(%arg9 : memref<128x128xf32, #tpu.memory_space<vmem>>)
          %dma_start3A_240 = arith.constant 1 : i32
          %dma_start3A_241 = arith.constant 0 : i32
          %dma_start3A_242 = tpu.memref_slice %arg7[%dma_start3A_240, %dma_start3A_241] : memref<2x128xi32, #tpu.memory_space<vmem>> -> memref<1x128xi32, #tpu.memory_space<vmem>>
          %dma_start3A_243 = tpu.memref_squeeze %dma_start3A_242 : memref<1x128xi32, #tpu.memory_space<vmem>> -> memref<128xi32, #tpu.memory_space<vmem>>
          %dma_start3A_244 = arith.constant 0 : i32
          %dma_start3A_245 = arith.constant 0 : i32
          %dma_start3A_246 = tpu.memref_slice %arg11[%dma_start3A_244, %dma_start3A_245] : memref<10240x128xf32, #tpu.memory_space<vmem_shared>> -> memref<10240x128xf32, #tpu.memory_space<vmem_shared>>
          tpu.enqueue_indirect_dma source(%arg9 : memref<128x128xf32, #tpu.memory_space<vmem>>) target(%dma_start3A_246 : memref<10240x128xf32, #tpu.memory_space<vmem_shared>>) offsets(%dma_start3A_243 : memref<128xi32, #tpu.memory_space<vmem>>) semaphore(%arg14 : memref<!tpu.dma_semaphore, #tpu.memory_space<semaphore_mem>>) {add = true}
        } else {
        }
        %add3A_226 = arith.constant 2 : i32
        %add3A_227 = arith.addi %add3A_195, %add3A_226 : i32
        %lt3A_228 = arith.constant 80 : i32
        %lt3A_229 = arith.cmpi slt, %add3A_227, %lt3A_228 : i32
        %convert_element_type3A_230 = arith.extui %lt3A_229 : i1 to i32
        %cond3A_231 = arith.constant 0 : i32
        %cond3A_232 = arith.cmpi ne, %convert_element_type3A_230, %cond3A_231 : i32
        scf.if %cond3A_232 {
          %add3A_233 = arith.constant 2 : i32
          %add3A_234 = arith.addi %add3A_195, %add3A_233 : i32
          %mul3A_235 = arith.constant 80 : i32
          %mul3A_236 = arith.muli %add3A, %mul3A_235 : i32
          %add3A_237 = arith.addi %mul3A_236, %add3A_234 : i32
          %dma_start3A_238 = arith.constant 0 : i32
          %dma_start3A_239 = arith.constant 0 : i32
          %dma_start3A_240 = tpu.memref_slice %arg3[%add3A_237, %dma_start3A_238, %dma_start3A_239] : memref<2560x2x128xi32, #tpu.memory_space<hbm>> -> memref<1x2x128xi32, #tpu.memory_space<hbm>>
          %dma_start3A_241 = tpu.memref_squeeze %dma_start3A_240 : memref<1x2x128xi32, #tpu.memory_space<hbm>> -> memref<2x128xi32, #tpu.memory_space<hbm>>
          %dma_start3A_242 = arith.constant 0 : i32
          %dma_start3A_243 = arith.constant 0 : i32
          %dma_start3A_244 = tpu.memref_slice %arg3[%add3A_237, %dma_start3A_242, %dma_start3A_243] : memref<2560x2x128xi32, #tpu.memory_space<hbm>> -> memref<1x2x128xi32, #tpu.memory_space<hbm>>
          %dma_start3A_245 = tpu.memref_squeeze %dma_start3A_244 : memref<1x2x128xi32, #tpu.memory_space<hbm>> -> memref<2x128xi32, #tpu.memory_space<hbm>>
          tpu.enqueue_dma source(%dma_start3A_245 : memref<2x128xi32, #tpu.memory_space<hbm>>) target(%arg6 : memref<2x128xi32, #tpu.memory_space<vmem>>) target_semaphore(%arg12 : memref<!tpu.dma_semaphore, #tpu.memory_space<semaphore_mem>>)
        } else {
        }
      } else {
      }
    }
    %scan3A_77 = arith.constant 20 : i32
    %dma_wait3A_78 = arith.constant 1 : i32
    %dma_wait3A_79 = arith.constant 0 : i32
    %dma_wait3A_80 = tpu.memref_slice %arg5[%dma_wait3A_78, %dma_wait3A_79] : memref<2x128xi32, #tpu.memory_space<vmem>> -> memref<1x128xi32, #tpu.memory_space<vmem>>
    %dma_wait3A_81 = tpu.memref_squeeze %dma_wait3A_80 : memref<1x128xi32, #tpu.memory_space<vmem>> -> memref<128xi32, #tpu.memory_space<vmem>>
    %dma_wait3A_82 = arith.constant 0 : i32
    %dma_wait3A_83 = arith.constant 0 : i32
    %dma_wait3A_84 = tpu.memref_slice %arg11[%dma_wait3A_82, %dma_wait3A_83] : memref<10240x128xf32, #tpu.memory_space<vmem_shared>> -> memref<10240x128xf32, #tpu.memory_space<vmem_shared>>
    tpu.wait_indirect_dma semaphore(%arg14 : memref<!tpu.dma_semaphore, #tpu.memory_space<semaphore_mem>>) src(%arg9 : memref<128x128xf32, #tpu.memory_space<vmem>>) dst(%dma_wait3A_84 : memref<10240x128xf32, #tpu.memory_space<vmem_shared>>)
    %dma_wait3A_85 = arith.constant 0 : i32
    %dma_wait3A_86 = arith.constant 0 : i32
    %dma_wait3A_87 = tpu.memref_slice %arg5[%dma_wait3A_85, %dma_wait3A_86] : memref<2x128xi32, #tpu.memory_space<vmem>> -> memref<1x128xi32, #tpu.memory_space<vmem>>
    %dma_wait3A_88 = tpu.memref_squeeze %dma_wait3A_87 : memref<1x128xi32, #tpu.memory_space<vmem>> -> memref<128xi32, #tpu.memory_space<vmem>>
    %dma_wait3A_89 = arith.constant 0 : i32
    %dma_wait3A_90 = arith.constant 0 : i32
    %dma_wait3A_91 = tpu.memref_slice %arg2[%dma_wait3A_89, %dma_wait3A_90] : memref<10240x128xf32, #tpu.memory_space<hbm>> -> memref<10240x128xf32, #tpu.memory_space<hbm>>
    tpu.wait_indirect_dma semaphore(%arg13 : memref<!tpu.dma_semaphore, #tpu.memory_space<semaphore_mem>>) src(%dma_wait3A_91 : memref<10240x128xf32, #tpu.memory_space<hbm>>) dst(%arg10 : memref<128x128xf32, #tpu.memory_space<vmem>>)
    %dma_start3A_92 = arith.constant 1 : i32
    %dma_start3A_93 = arith.constant 0 : i32
    %dma_start3A_94 = tpu.memref_slice %arg8[%dma_start3A_92, %dma_start3A_93] : memref<2x128xi32, #tpu.memory_space<vmem>> -> memref<1x128xi32, #tpu.memory_space<vmem>>
    %dma_start3A_95 = tpu.memref_squeeze %dma_start3A_94 : memref<1x128xi32, #tpu.memory_space<vmem>> -> memref<128xi32, #tpu.memory_space<vmem>>
    %dma_start3A_96 = arith.constant 0 : i32
    %dma_start3A_97 = arith.constant 0 : i32
    %dma_start3A_98 = tpu.memref_slice %arg11[%dma_start3A_96, %dma_start3A_97] : memref<10240x128xf32, #tpu.memory_space<vmem_shared>> -> memref<10240x128xf32, #tpu.memory_space<vmem_shared>>
    tpu.enqueue_indirect_dma source(%arg10 : memref<128x128xf32, #tpu.memory_space<vmem>>) target(%dma_start3A_98 : memref<10240x128xf32, #tpu.memory_space<vmem_shared>>) offsets(%dma_start3A_95 : memref<128xi32, #tpu.memory_space<vmem>>) semaphore(%arg14 : memref<!tpu.dma_semaphore, #tpu.memory_space<semaphore_mem>>) {add = true}
    %dma_wait3A_99 = arith.constant 1 : i32
    %dma_wait3A_100 = arith.constant 0 : i32
    %dma_wait3A_101 = tpu.memref_slice %arg5[%dma_wait3A_99, %dma_wait3A_100] : memref<2x128xi32, #tpu.memory_space<vmem>> -> memref<1x128xi32, #tpu.memory_space<vmem>>
    %dma_wait3A_102 = tpu.memref_squeeze %dma_wait3A_101 : memref<1x128xi32, #tpu.memory_space<vmem>> -> memref<128xi32, #tpu.memory_space<vmem>>
    %dma_wait3A_103 = arith.constant 0 : i32
    %dma_wait3A_104 = arith.constant 0 : i32
    %dma_wait3A_105 = tpu.memref_slice %arg11[%dma_wait3A_103, %dma_wait3A_104] : memref<10240x128xf32, #tpu.memory_space<vmem_shared>> -> memref<10240x128xf32, #tpu.memory_space<vmem_shared>>
    tpu.wait_indirect_dma semaphore(%arg14 : memref<!tpu.dma_semaphore, #tpu.memory_space<semaphore_mem>>) src(%arg9 : memref<128x128xf32, #tpu.memory_space<vmem>>) dst(%dma_wait3A_105 : memref<10240x128xf32, #tpu.memory_space<vmem_shared>>)
    %barrier3A_106 = arith.constant 0 : index
    tpu.barrier barrier_id(%barrier3A_106)
    %add3A_107 = arith.constant 0 : i32
    %add3A_108 = arith.addi %mul3A_2, %add3A_107 : i32
    %mul3A_109 = arith.constant 10240 : i32
    %mul3A_110 = arith.muli %arg0, %mul3A_109 : i32
    %add3A_111 = arith.addi %mul3A_110, %mul3A_2 : i32
    %add3A_112 = arith.constant 0 : i32
    %add3A_113 = arith.addi %add3A_111, %add3A_112 : i32
    %dma_start3A_114 = arith.constant 0 : i32
    %dma_start3A_115 = tpu.memref_slice %arg4[%add3A_113, %dma_start3A_114] : memref<20480x128xf32, #tpu.memory_space<hbm>> -> memref<160x128xf32, #tpu.memory_space<hbm>>
    %dma_start3A_116 = arith.constant 0 : i32
    %dma_start3A_117 = tpu.memref_slice %arg11[%add3A_108, %dma_start3A_116] : memref<10240x128xf32, #tpu.memory_space<vmem_shared>> -> memref<160x128xf32, #tpu.memory_space<vmem_shared>>
    tpu.enqueue_dma source(%dma_start3A_117 : memref<160x128xf32, #tpu.memory_space<vmem_shared>>) target(%dma_start3A_115 : memref<160x128xf32, #tpu.memory_space<hbm>>) target_semaphore(%arg14 : memref<!tpu.dma_semaphore, #tpu.memory_space<semaphore_mem>>)
    %add3A_118 = arith.constant 160 : i32
    %add3A_119 = arith.addi %mul3A_2, %add3A_118 : i32
    %mul3A_120 = arith.constant 10240 : i32
    %mul3A_121 = arith.muli %arg0, %mul3A_120 : i32
    %add3A_122 = arith.addi %mul3A_121, %mul3A_2 : i32
    %add3A_123 = arith.constant 160 : i32
    %add3A_124 = arith.addi %add3A_122, %add3A_123 : i32
    %dma_start3A_125 = arith.constant 0 : i32
    %dma_start3A_126 = tpu.memref_slice %arg4[%add3A_124, %dma_start3A_125] : memref<20480x128xf32, #tpu.memory_space<hbm>> -> memref<160x128xf32, #tpu.memory_space<hbm>>
    %dma_start3A_127 = arith.constant 0 : i32
    %dma_start3A_128 = tpu.memref_slice %arg11[%add3A_119, %dma_start3A_127] : memref<10240x128xf32, #tpu.memory_space<vmem_shared>> -> memref<160x128xf32, #tpu.memory_space<vmem_shared>>
    tpu.enqueue_dma source(%dma_start3A_128 : memref<160x128xf32, #tpu.memory_space<vmem_shared>>) target(%dma_start3A_126 : memref<160x128xf32, #tpu.memory_space<hbm>>) target_semaphore(%arg14 : memref<!tpu.dma_semaphore, #tpu.memory_space<semaphore_mem>>)
    %add3A_129 = arith.constant 320 : i32
    %add3A_130 = arith.addi %mul3A_2, %add3A_129 : i32
    %mul3A_131 = arith.constant 10240 : i32
    %mul3A_132 = arith.muli %arg0, %mul3A_131 : i32
    %add3A_133 = arith.addi %mul3A_132, %mul3A_2 : i32
    %add3A_134 = arith.constant 320 : i32
    %add3A_135 = arith.addi %add3A_133, %add3A_134 : i32
    %dma_start3A_136 = arith.constant 0 : i32
    %dma_start3A_137 = tpu.memref_slice %arg4[%add3A_135, %dma_start3A_136] : memref<20480x128xf32, #tpu.memory_space<hbm>> -> memref<160x128xf32, #tpu.memory_space<hbm>>
    %dma_start3A_138 = arith.constant 0 : i32
    %dma_start3A_139 = tpu.memref_slice %arg11[%add3A_130, %dma_start3A_138] : memref<10240x128xf32, #tpu.memory_space<vmem_shared>> -> memref<160x128xf32, #tpu.memory_space<vmem_shared>>
    tpu.enqueue_dma source(%dma_start3A_139 : memref<160x128xf32, #tpu.memory_space<vmem_shared>>) target(%dma_start3A_137 : memref<160x128xf32, #tpu.memory_space<hbm>>) target_semaphore(%arg14 : memref<!tpu.dma_semaphore, #tpu.memory_space<semaphore_mem>>)
    %add3A_140 = arith.constant 480 : i32
    %add3A_141 = arith.addi %mul3A_2, %add3A_140 : i32
    %mul3A_142 = arith.constant 10240 : i32
    %mul3A_143 = arith.muli %arg0, %mul3A_142 : i32
    %add3A_144 = arith.addi %mul3A_143, %mul3A_2 : i32
    %add3A_145 = arith.constant 480 : i32
    %add3A_146 = arith.addi %add3A_144, %add3A_145 : i32
    %dma_start3A_147 = arith.constant 0 : i32
    %dma_start3A_148 = tpu.memref_slice %arg4[%add3A_146, %dma_start3A_147] : memref<20480x128xf32, #tpu.memory_space<hbm>> -> memref<160x128xf32, #tpu.memory_space<hbm>>
    %dma_start3A_149 = arith.constant 0 : i32
    %dma_start3A_150 = tpu.memref_slice %arg11[%add3A_141, %dma_start3A_149] : memref<10240x128xf32, #tpu.memory_space<vmem_shared>> -> memref<160x128xf32, #tpu.memory_space<vmem_shared>>
    tpu.enqueue_dma source(%dma_start3A_150 : memref<160x128xf32, #tpu.memory_space<vmem_shared>>) target(%dma_start3A_148 : memref<160x128xf32, #tpu.memory_space<hbm>>) target_semaphore(%arg14 : memref<!tpu.dma_semaphore, #tpu.memory_space<semaphore_mem>>)
    %dma_wait3A_151 = arith.constant 0 : i32
    %dma_wait3A_152 = tpu.memref_slice %arg4[%add3A_113, %dma_wait3A_151] : memref<20480x128xf32, #tpu.memory_space<hbm>> -> memref<160x128xf32, #tpu.memory_space<hbm>>
    %dma_wait3A_153 = arith.constant 0 : i32
    %dma_wait3A_154 = tpu.memref_slice %arg11[%add3A_108, %dma_wait3A_153] : memref<10240x128xf32, #tpu.memory_space<vmem_shared>> -> memref<160x128xf32, #tpu.memory_space<vmem_shared>>
    tpu.wait_dma2 semaphore(%arg14 : memref<!tpu.dma_semaphore, #tpu.memory_space<semaphore_mem>>) src(%dma_wait3A_154 : memref<160x128xf32, #tpu.memory_space<vmem_shared>>) dst(%dma_wait3A_152 : memref<160x128xf32, #tpu.memory_space<hbm>>)
    %dma_wait3A_155 = arith.constant 0 : i32
    %dma_wait3A_156 = tpu.memref_slice %arg4[%add3A_124, %dma_wait3A_155] : memref<20480x128xf32, #tpu.memory_space<hbm>> -> memref<160x128xf32, #tpu.memory_space<hbm>>
    %dma_wait3A_157 = arith.constant 0 : i32
    %dma_wait3A_158 = tpu.memref_slice %arg11[%add3A_119, %dma_wait3A_157] : memref<10240x128xf32, #tpu.memory_space<vmem_shared>> -> memref<160x128xf32, #tpu.memory_space<vmem_shared>>
    tpu.wait_dma2 semaphore(%arg14 : memref<!tpu.dma_semaphore, #tpu.memory_space<semaphore_mem>>) src(%dma_wait3A_158 : memref<160x128xf32, #tpu.memory_space<vmem_shared>>) dst(%dma_wait3A_156 : memref<160x128xf32, #tpu.memory_space<hbm>>)
    %dma_wait3A_159 = arith.constant 0 : i32
    %dma_wait3A_160 = tpu.memref_slice %arg4[%add3A_135, %dma_wait3A_159] : memref<20480x128xf32, #tpu.memory_space<hbm>> -> memref<160x128xf32, #tpu.memory_space<hbm>>
    %dma_wait3A_161 = arith.constant 0 : i32
    %dma_wait3A_162 = tpu.memref_slice %arg11[%add3A_130, %dma_wait3A_161] : memref<10240x128xf32, #tpu.memory_space<vmem_shared>> -> memref<160x128xf32, #tpu.memory_space<vmem_shared>>
    tpu.wait_dma2 semaphore(%arg14 : memref<!tpu.dma_semaphore, #tpu.memory_space<semaphore_mem>>) src(%dma_wait3A_162 : memref<160x128xf32, #tpu.memory_space<vmem_shared>>) dst(%dma_wait3A_160 : memref<160x128xf32, #tpu.memory_space<hbm>>)
    %dma_wait3A_163 = arith.constant 0 : i32
    %dma_wait3A_164 = tpu.memref_slice %arg4[%add3A_146, %dma_wait3A_163] : memref<20480x128xf32, #tpu.memory_space<hbm>> -> memref<160x128xf32, #tpu.memory_space<hbm>>
    %dma_wait3A_165 = arith.constant 0 : i32
    %dma_wait3A_166 = tpu.memref_slice %arg11[%add3A_141, %dma_wait3A_165] : memref<10240x128xf32, #tpu.memory_space<vmem_shared>> -> memref<160x128xf32, #tpu.memory_space<vmem_shared>>
    tpu.wait_dma2 semaphore(%arg14 : memref<!tpu.dma_semaphore, #tpu.memory_space<semaphore_mem>>) src(%dma_wait3A_166 : memref<160x128xf32, #tpu.memory_space<vmem_shared>>) dst(%dma_wait3A_164 : memref<160x128xf32, #tpu.memory_space<hbm>>)
    return
  }
}

#map = affine_map<(d0, d1) -> (0, 0, 0)>
#map1 = affine_map<(d0, d1) -> (0, 0)>
module attributes {stable_mosaic.version = 14 : i64} {
  func.func @_deg_kernel(%arg0: i32, %arg1: i32, %arg2: memref<2560x2x128xi32, #tpu.memory_space<hbm>>, %arg3: memref<2x10240xf32, #tpu.memory_space<hbm>>, %arg4: memref<80x2x128xi32, #tpu.memory_space<vmem>>, %arg5: memref<128xf32, #tpu.memory_space<vmem>>, %arg6: memref<640xf32, #tpu.memory_space<vmem>>, %arg7: memref<10240xf32, #tpu.memory_space<vmem_shared>>, %arg8: memref<!tpu.dma_semaphore, #tpu.memory_space<semaphore_mem>>) attributes {dimension_semantics = [#tpu.dimension_semantics<core_parallel>, #tpu.dimension_semantics<subcore_parallel>], iteration_bounds = array<i64: 2, 16>, scalar_prefetch = 0 : i64, scratch_operands = 5 : i64, tpu.core_type = #tpu.core_type<sc_vector_subcore>, window_params = [{transform_indices = #map}, {transform_indices = #map1}]} {
    %mul3A = arith.constant 2 : i32
    %mul3A_0 = arith.muli %arg1, %mul3A : i32
    %add3A = arith.addi %mul3A_0, %arg0 : i32
    %broadcast_in_dim3A = arith.constant 1.000000e+00 : f32
    %broadcast_in_dim3A_1 = vector.broadcast %broadcast_in_dim3A : f32 to vector<16xf32>
    %swap3A = arith.constant 0 : index
    %swap3A_2 = tpu.vector_load %arg5[%swap3A] {strides = array<i32>} : memref<128xf32, #tpu.memory_space<vmem>>, vector<16xf32>,
    %swap3A_3 = vector.shape_cast %swap3A_2 : vector<16xf32> to vector<16xf32>
    %swap3A_4 = vector.shape_cast %broadcast_in_dim3A_1 : vector<16xf32> to vector<16xf32>
    tpu.vector_store %arg5[%swap3A], %swap3A_4 {strides = array<i32>} : memref<128xf32, #tpu.memory_space<vmem>>, vector<16xf32>,
    %broadcast_in_dim3A_5 = arith.constant 1.000000e+00 : f32
    %broadcast_in_dim3A_6 = vector.broadcast %broadcast_in_dim3A_5 : f32 to vector<16xf32>
    %swap3A_7 = arith.constant 16 : index
    %swap3A_8 = tpu.vector_load %arg5[%swap3A_7] {strides = array<i32>} : memref<128xf32, #tpu.memory_space<vmem>>, vector<16xf32>,
    %swap3A_9 = vector.shape_cast %swap3A_8 : vector<16xf32> to vector<16xf32>
    %swap3A_10 = vector.shape_cast %broadcast_in_dim3A_6 : vector<16xf32> to vector<16xf32>
    tpu.vector_store %arg5[%swap3A_7], %swap3A_10 {strides = array<i32>} : memref<128xf32, #tpu.memory_space<vmem>>, vector<16xf32>,
    %broadcast_in_dim3A_11 = arith.constant 1.000000e+00 : f32
    %broadcast_in_dim3A_12 = vector.broadcast %broadcast_in_dim3A_11 : f32 to vector<16xf32>
    %swap3A_13 = arith.constant 32 : index
    %swap3A_14 = tpu.vector_load %arg5[%swap3A_13] {strides = array<i32>} : memref<128xf32, #tpu.memory_space<vmem>>, vector<16xf32>,
    %swap3A_15 = vector.shape_cast %swap3A_14 : vector<16xf32> to vector<16xf32>
    %swap3A_16 = vector.shape_cast %broadcast_in_dim3A_12 : vector<16xf32> to vector<16xf32>
    tpu.vector_store %arg5[%swap3A_13], %swap3A_16 {strides = array<i32>} : memref<128xf32, #tpu.memory_space<vmem>>, vector<16xf32>,
    %broadcast_in_dim3A_17 = arith.constant 1.000000e+00 : f32
    %broadcast_in_dim3A_18 = vector.broadcast %broadcast_in_dim3A_17 : f32 to vector<16xf32>
    %swap3A_19 = arith.constant 48 : index
    %swap3A_20 = tpu.vector_load %arg5[%swap3A_19] {strides = array<i32>} : memref<128xf32, #tpu.memory_space<vmem>>, vector<16xf32>,
    %swap3A_21 = vector.shape_cast %swap3A_20 : vector<16xf32> to vector<16xf32>
    %swap3A_22 = vector.shape_cast %broadcast_in_dim3A_18 : vector<16xf32> to vector<16xf32>
    tpu.vector_store %arg5[%swap3A_19], %swap3A_22 {strides = array<i32>} : memref<128xf32, #tpu.memory_space<vmem>>, vector<16xf32>,
    %broadcast_in_dim3A_23 = arith.constant 1.000000e+00 : f32
    %broadcast_in_dim3A_24 = vector.broadcast %broadcast_in_dim3A_23 : f32 to vector<16xf32>
    %swap3A_25 = arith.constant 64 : index
    %swap3A_26 = tpu.vector_load %arg5[%swap3A_25] {strides = array<i32>} : memref<128xf32, #tpu.memory_space<vmem>>, vector<16xf32>,
    %swap3A_27 = vector.shape_cast %swap3A_26 : vector<16xf32> to vector<16xf32>
    %swap3A_28 = vector.shape_cast %broadcast_in_dim3A_24 : vector<16xf32> to vector<16xf32>
    tpu.vector_store %arg5[%swap3A_25], %swap3A_28 {strides = array<i32>} : memref<128xf32, #tpu.memory_space<vmem>>, vector<16xf32>,
    %broadcast_in_dim3A_29 = arith.constant 1.000000e+00 : f32
    %broadcast_in_dim3A_30 = vector.broadcast %broadcast_in_dim3A_29 : f32 to vector<16xf32>
    %swap3A_31 = arith.constant 80 : index
    %swap3A_32 = tpu.vector_load %arg5[%swap3A_31] {strides = array<i32>} : memref<128xf32, #tpu.memory_space<vmem>>, vector<16xf32>,
    %swap3A_33 = vector.shape_cast %swap3A_32 : vector<16xf32> to vector<16xf32>
    %swap3A_34 = vector.shape_cast %broadcast_in_dim3A_30 : vector<16xf32> to vector<16xf32>
    tpu.vector_store %arg5[%swap3A_31], %swap3A_34 {strides = array<i32>} : memref<128xf32, #tpu.memory_space<vmem>>, vector<16xf32>,
    %broadcast_in_dim3A_35 = arith.constant 1.000000e+00 : f32
    %broadcast_in_dim3A_36 = vector.broadcast %broadcast_in_dim3A_35 : f32 to vector<16xf32>
    %swap3A_37 = arith.constant 96 : index
    %swap3A_38 = tpu.vector_load %arg5[%swap3A_37] {strides = array<i32>} : memref<128xf32, #tpu.memory_space<vmem>>, vector<16xf32>,
    %swap3A_39 = vector.shape_cast %swap3A_38 : vector<16xf32> to vector<16xf32>
    %swap3A_40 = vector.shape_cast %broadcast_in_dim3A_36 : vector<16xf32> to vector<16xf32>
    tpu.vector_store %arg5[%swap3A_37], %swap3A_40 {strides = array<i32>} : memref<128xf32, #tpu.memory_space<vmem>>, vector<16xf32>,
    %broadcast_in_dim3A_41 = arith.constant 1.000000e+00 : f32
    %broadcast_in_dim3A_42 = vector.broadcast %broadcast_in_dim3A_41 : f32 to vector<16xf32>
    %swap3A_43 = arith.constant 112 : index
    %swap3A_44 = tpu.vector_load %arg5[%swap3A_43] {strides = array<i32>} : memref<128xf32, #tpu.memory_space<vmem>>, vector<16xf32>,
    %swap3A_45 = vector.shape_cast %swap3A_44 : vector<16xf32> to vector<16xf32>
    %swap3A_46 = vector.shape_cast %broadcast_in_dim3A_42 : vector<16xf32> to vector<16xf32>
    tpu.vector_store %arg5[%swap3A_43], %swap3A_46 {strides = array<i32>} : memref<128xf32, #tpu.memory_space<vmem>>, vector<16xf32>,
    %broadcast_in_dim3A_47 = arith.constant 0.000000e+00 : f32
    %broadcast_in_dim3A_48 = vector.broadcast %broadcast_in_dim3A_47 : f32 to vector<16xf32>
    %swap3A_49 = arith.constant 0 : index
    %swap3A_50 = tpu.vector_load %arg6[%swap3A_49] {strides = array<i32>} : memref<640xf32, #tpu.memory_space<vmem>>, vector<16xf32>,
    %swap3A_51 = vector.shape_cast %swap3A_50 : vector<16xf32> to vector<16xf32>
    %swap3A_52 = vector.shape_cast %broadcast_in_dim3A_48 : vector<16xf32> to vector<16xf32>
    tpu.vector_store %arg6[%swap3A_49], %swap3A_52 {strides = array<i32>} : memref<640xf32, #tpu.memory_space<vmem>>, vector<16xf32>,
    %broadcast_in_dim3A_53 = arith.constant 0.000000e+00 : f32
    %broadcast_in_dim3A_54 = vector.broadcast %broadcast_in_dim3A_53 : f32 to vector<16xf32>
    %swap3A_55 = arith.constant 16 : index
    %swap3A_56 = tpu.vector_load %arg6[%swap3A_55] {strides = array<i32>} : memref<640xf32, #tpu.memory_space<vmem>>, vector<16xf32>,
    %swap3A_57 = vector.shape_cast %swap3A_56 : vector<16xf32> to vector<16xf32>
    %swap3A_58 = vector.shape_cast %broadcast_in_dim3A_54 : vector<16xf32> to vector<16xf32>
    tpu.vector_store %arg6[%swap3A_55], %swap3A_58 {strides = array<i32>} : memref<640xf32, #tpu.memory_space<vmem>>, vector<16xf32>,
    %broadcast_in_dim3A_59 = arith.constant 0.000000e+00 : f32
    %broadcast_in_dim3A_60 = vector.broadcast %broadcast_in_dim3A_59 : f32 to vector<16xf32>
    %swap3A_61 = arith.constant 32 : index
    %swap3A_62 = tpu.vector_load %arg6[%swap3A_61] {strides = array<i32>} : memref<640xf32, #tpu.memory_space<vmem>>, vector<16xf32>,
    %swap3A_63 = vector.shape_cast %swap3A_62 : vector<16xf32> to vector<16xf32>
    %swap3A_64 = vector.shape_cast %broadcast_in_dim3A_60 : vector<16xf32> to vector<16xf32>
    tpu.vector_store %arg6[%swap3A_61], %swap3A_64 {strides = array<i32>} : memref<640xf32, #tpu.memory_space<vmem>>, vector<16xf32>,
    %broadcast_in_dim3A_65 = arith.constant 0.000000e+00 : f32
    %broadcast_in_dim3A_66 = vector.broadcast %broadcast_in_dim3A_65 : f32 to vector<16xf32>
    %swap3A_67 = arith.constant 48 : index
    %swap3A_68 = tpu.vector_load %arg6[%swap3A_67] {strides = array<i32>} : memref<640xf32, #tpu.memory_space<vmem>>, vector<16xf32>,
    %swap3A_69 = vector.shape_cast %swap3A_68 : vector<16xf32> to vector<16xf32>
    %swap3A_70 = vector.shape_cast %broadcast_in_dim3A_66 : vector<16xf32> to vector<16xf32>
    tpu.vector_store %arg6[%swap3A_67], %swap3A_70 {strides = array<i32>} : memref<640xf32, #tpu.memory_space<vmem>>, vector<16xf32>,
    %broadcast_in_dim3A_71 = arith.constant 0.000000e+00 : f32
    %broadcast_in_dim3A_72 = vector.broadcast %broadcast_in_dim3A_71 : f32 to vector<16xf32>
    %swap3A_73 = arith.constant 64 : index
    %swap3A_74 = tpu.vector_load %arg6[%swap3A_73] {strides = array<i32>} : memref<640xf32, #tpu.memory_space<vmem>>, vector<16xf32>,
    %swap3A_75 = vector.shape_cast %swap3A_74 : vector<16xf32> to vector<16xf32>
    %swap3A_76 = vector.shape_cast %broadcast_in_dim3A_72 : vector<16xf32> to vector<16xf32>
    tpu.vector_store %arg6[%swap3A_73], %swap3A_76 {strides = array<i32>} : memref<640xf32, #tpu.memory_space<vmem>>, vector<16xf32>,
    %broadcast_in_dim3A_77 = arith.constant 0.000000e+00 : f32
    %broadcast_in_dim3A_78 = vector.broadcast %broadcast_in_dim3A_77 : f32 to vector<16xf32>
    %swap3A_79 = arith.constant 80 : index
    %swap3A_80 = tpu.vector_load %arg6[%swap3A_79] {strides = array<i32>} : memref<640xf32, #tpu.memory_space<vmem>>, vector<16xf32>,
    %swap3A_81 = vector.shape_cast %swap3A_80 : vector<16xf32> to vector<16xf32>
    %swap3A_82 = vector.shape_cast %broadcast_in_dim3A_78 : vector<16xf32> to vector<16xf32>
    tpu.vector_store %arg6[%swap3A_79], %swap3A_82 {strides = array<i32>} : memref<640xf32, #tpu.memory_space<vmem>>, vector<16xf32>,
    %broadcast_in_dim3A_83 = arith.constant 0.000000e+00 : f32
    %broadcast_in_dim3A_84 = vector.broadcast %broadcast_in_dim3A_83 : f32 to vector<16xf32>
    %swap3A_85 = arith.constant 96 : index
    %swap3A_86 = tpu.vector_load %arg6[%swap3A_85] {strides = array<i32>} : memref<640xf32, #tpu.memory_space<vmem>>, vector<16xf32>,
    %swap3A_87 = vector.shape_cast %swap3A_86 : vector<16xf32> to vector<16xf32>
    %swap3A_88 = vector.shape_cast %broadcast_in_dim3A_84 : vector<16xf32> to vector<16xf32>
    tpu.vector_store %arg6[%swap3A_85], %swap3A_88 {strides = array<i32>} : memref<640xf32, #tpu.memory_space<vmem>>, vector<16xf32>,
    %broadcast_in_dim3A_89 = arith.constant 0.000000e+00 : f32
    %broadcast_in_dim3A_90 = vector.broadcast %broadcast_in_dim3A_89 : f32 to vector<16xf32>
    %swap3A_91 = arith.constant 112 : index
    %swap3A_92 = tpu.vector_load %arg6[%swap3A_91] {strides = array<i32>} : memref<640xf32, #tpu.memory_space<vmem>>, vector<16xf32>,
    %swap3A_93 = vector.shape_cast %swap3A_92 : vector<16xf32> to vector<16xf32>
    %swap3A_94 = vector.shape_cast %broadcast_in_dim3A_90 : vector<16xf32> to vector<16xf32>
    tpu.vector_store %arg6[%swap3A_91], %swap3A_94 {strides = array<i32>} : memref<640xf32, #tpu.memory_space<vmem>>, vector<16xf32>,
    %broadcast_in_dim3A_95 = arith.constant 0.000000e+00 : f32
    %broadcast_in_dim3A_96 = vector.broadcast %broadcast_in_dim3A_95 : f32 to vector<16xf32>
    %swap3A_97 = arith.constant 128 : index
    %swap3A_98 = tpu.vector_load %arg6[%swap3A_97] {strides = array<i32>} : memref<640xf32, #tpu.memory_space<vmem>>, vector<16xf32>,
    %swap3A_99 = vector.shape_cast %swap3A_98 : vector<16xf32> to vector<16xf32>
    %swap3A_100 = vector.shape_cast %broadcast_in_dim3A_96 : vector<16xf32> to vector<16xf32>
    tpu.vector_store %arg6[%swap3A_97], %swap3A_100 {strides = array<i32>} : memref<640xf32, #tpu.memory_space<vmem>>, vector<16xf32>,
    %broadcast_in_dim3A_101 = arith.constant 0.000000e+00 : f32
    %broadcast_in_dim3A_102 = vector.broadcast %broadcast_in_dim3A_101 : f32 to vector<16xf32>
    %swap3A_103 = arith.constant 144 : index
    %swap3A_104 = tpu.vector_load %arg6[%swap3A_103] {strides = array<i32>} : memref<640xf32, #tpu.memory_space<vmem>>, vector<16xf32>,
    %swap3A_105 = vector.shape_cast %swap3A_104 : vector<16xf32> to vector<16xf32>
    %swap3A_106 = vector.shape_cast %broadcast_in_dim3A_102 : vector<16xf32> to vector<16xf32>
    tpu.vector_store %arg6[%swap3A_103], %swap3A_106 {strides = array<i32>} : memref<640xf32, #tpu.memory_space<vmem>>, vector<16xf32>,
    %broadcast_in_dim3A_107 = arith.constant 0.000000e+00 : f32
    %broadcast_in_dim3A_108 = vector.broadcast %broadcast_in_dim3A_107 : f32 to vector<16xf32>
    %swap3A_109 = arith.constant 160 : index
    %swap3A_110 = tpu.vector_load %arg6[%swap3A_109] {strides = array<i32>} : memref<640xf32, #tpu.memory_space<vmem>>, vector<16xf32>,
    %swap3A_111 = vector.shape_cast %swap3A_110 : vector<16xf32> to vector<16xf32>
    %swap3A_112 = vector.shape_cast %broadcast_in_dim3A_108 : vector<16xf32> to vector<16xf32>
    tpu.vector_store %arg6[%swap3A_109], %swap3A_112 {strides = array<i32>} : memref<640xf32, #tpu.memory_space<vmem>>, vector<16xf32>,
    %broadcast_in_dim3A_113 = arith.constant 0.000000e+00 : f32
    %broadcast_in_dim3A_114 = vector.broadcast %broadcast_in_dim3A_113 : f32 to vector<16xf32>
    %swap3A_115 = arith.constant 176 : index
    %swap3A_116 = tpu.vector_load %arg6[%swap3A_115] {strides = array<i32>} : memref<640xf32, #tpu.memory_space<vmem>>, vector<16xf32>,
    %swap3A_117 = vector.shape_cast %swap3A_116 : vector<16xf32> to vector<16xf32>
    %swap3A_118 = vector.shape_cast %broadcast_in_dim3A_114 : vector<16xf32> to vector<16xf32>
    tpu.vector_store %arg6[%swap3A_115], %swap3A_118 {strides = array<i32>} : memref<640xf32, #tpu.memory_space<vmem>>, vector<16xf32>,
    %broadcast_in_dim3A_119 = arith.constant 0.000000e+00 : f32
    %broadcast_in_dim3A_120 = vector.broadcast %broadcast_in_dim3A_119 : f32 to vector<16xf32>
    %swap3A_121 = arith.constant 192 : index
    %swap3A_122 = tpu.vector_load %arg6[%swap3A_121] {strides = array<i32>} : memref<640xf32, #tpu.memory_space<vmem>>, vector<16xf32>,
    %swap3A_123 = vector.shape_cast %swap3A_122 : vector<16xf32> to vector<16xf32>
    %swap3A_124 = vector.shape_cast %broadcast_in_dim3A_120 : vector<16xf32> to vector<16xf32>
    tpu.vector_store %arg6[%swap3A_121], %swap3A_124 {strides = array<i32>} : memref<640xf32, #tpu.memory_space<vmem>>, vector<16xf32>,
    %broadcast_in_dim3A_125 = arith.constant 0.000000e+00 : f32
    %broadcast_in_dim3A_126 = vector.broadcast %broadcast_in_dim3A_125 : f32 to vector<16xf32>
    %swap3A_127 = arith.constant 208 : index
    %swap3A_128 = tpu.vector_load %arg6[%swap3A_127] {strides = array<i32>} : memref<640xf32, #tpu.memory_space<vmem>>, vector<16xf32>,
    %swap3A_129 = vector.shape_cast %swap3A_128 : vector<16xf32> to vector<16xf32>
    %swap3A_130 = vector.shape_cast %broadcast_in_dim3A_126 : vector<16xf32> to vector<16xf32>
    tpu.vector_store %arg6[%swap3A_127], %swap3A_130 {strides = array<i32>} : memref<640xf32, #tpu.memory_space<vmem>>, vector<16xf32>,
    %broadcast_in_dim3A_131 = arith.constant 0.000000e+00 : f32
    %broadcast_in_dim3A_132 = vector.broadcast %broadcast_in_dim3A_131 : f32 to vector<16xf32>
    %swap3A_133 = arith.constant 224 : index
    %swap3A_134 = tpu.vector_load %arg6[%swap3A_133] {strides = array<i32>} : memref<640xf32, #tpu.memory_space<vmem>>, vector<16xf32>,
    %swap3A_135 = vector.shape_cast %swap3A_134 : vector<16xf32> to vector<16xf32>
    %swap3A_136 = vector.shape_cast %broadcast_in_dim3A_132 : vector<16xf32> to vector<16xf32>
    tpu.vector_store %arg6[%swap3A_133], %swap3A_136 {strides = array<i32>} : memref<640xf32, #tpu.memory_space<vmem>>, vector<16xf32>,
    %broadcast_in_dim3A_137 = arith.constant 0.000000e+00 : f32
    %broadcast_in_dim3A_138 = vector.broadcast %broadcast_in_dim3A_137 : f32 to vector<16xf32>
    %swap3A_139 = arith.constant 240 : index
    %swap3A_140 = tpu.vector_load %arg6[%swap3A_139] {strides = array<i32>} : memref<640xf32, #tpu.memory_space<vmem>>, vector<16xf32>,
    %swap3A_141 = vector.shape_cast %swap3A_140 : vector<16xf32> to vector<16xf32>
    %swap3A_142 = vector.shape_cast %broadcast_in_dim3A_138 : vector<16xf32> to vector<16xf32>
    tpu.vector_store %arg6[%swap3A_139], %swap3A_142 {strides = array<i32>} : memref<640xf32, #tpu.memory_space<vmem>>, vector<16xf32>,
    %broadcast_in_dim3A_143 = arith.constant 0.000000e+00 : f32
    %broadcast_in_dim3A_144 = vector.broadcast %broadcast_in_dim3A_143 : f32 to vector<16xf32>
    %swap3A_145 = arith.constant 256 : index
    %swap3A_146 = tpu.vector_load %arg6[%swap3A_145] {strides = array<i32>} : memref<640xf32, #tpu.memory_space<vmem>>, vector<16xf32>,
    %swap3A_147 = vector.shape_cast %swap3A_146 : vector<16xf32> to vector<16xf32>
    %swap3A_148 = vector.shape_cast %broadcast_in_dim3A_144 : vector<16xf32> to vector<16xf32>
    tpu.vector_store %arg6[%swap3A_145], %swap3A_148 {strides = array<i32>} : memref<640xf32, #tpu.memory_space<vmem>>, vector<16xf32>,
    %broadcast_in_dim3A_149 = arith.constant 0.000000e+00 : f32
    %broadcast_in_dim3A_150 = vector.broadcast %broadcast_in_dim3A_149 : f32 to vector<16xf32>
    %swap3A_151 = arith.constant 272 : index
    %swap3A_152 = tpu.vector_load %arg6[%swap3A_151] {strides = array<i32>} : memref<640xf32, #tpu.memory_space<vmem>>, vector<16xf32>,
    %swap3A_153 = vector.shape_cast %swap3A_152 : vector<16xf32> to vector<16xf32>
    %swap3A_154 = vector.shape_cast %broadcast_in_dim3A_150 : vector<16xf32> to vector<16xf32>
    tpu.vector_store %arg6[%swap3A_151], %swap3A_154 {strides = array<i32>} : memref<640xf32, #tpu.memory_space<vmem>>, vector<16xf32>,
    %broadcast_in_dim3A_155 = arith.constant 0.000000e+00 : f32
    %broadcast_in_dim3A_156 = vector.broadcast %broadcast_in_dim3A_155 : f32 to vector<16xf32>
    %swap3A_157 = arith.constant 288 : index
    %swap3A_158 = tpu.vector_load %arg6[%swap3A_157] {strides = array<i32>} : memref<640xf32, #tpu.memory_space<vmem>>, vector<16xf32>,
    %swap3A_159 = vector.shape_cast %swap3A_158 : vector<16xf32> to vector<16xf32>
    %swap3A_160 = vector.shape_cast %broadcast_in_dim3A_156 : vector<16xf32> to vector<16xf32>
    tpu.vector_store %arg6[%swap3A_157], %swap3A_160 {strides = array<i32>} : memref<640xf32, #tpu.memory_space<vmem>>, vector<16xf32>,
    %broadcast_in_dim3A_161 = arith.constant 0.000000e+00 : f32
    %broadcast_in_dim3A_162 = vector.broadcast %broadcast_in_dim3A_161 : f32 to vector<16xf32>
    %swap3A_163 = arith.constant 304 : index
    %swap3A_164 = tpu.vector_load %arg6[%swap3A_163] {strides = array<i32>} : memref<640xf32, #tpu.memory_space<vmem>>, vector<16xf32>,
    %swap3A_165 = vector.shape_cast %swap3A_164 : vector<16xf32> to vector<16xf32>
    %swap3A_166 = vector.shape_cast %broadcast_in_dim3A_162 : vector<16xf32> to vector<16xf32>
    tpu.vector_store %arg6[%swap3A_163], %swap3A_166 {strides = array<i32>} : memref<640xf32, #tpu.memory_space<vmem>>, vector<16xf32>,
    %broadcast_in_dim3A_167 = arith.constant 0.000000e+00 : f32
    %broadcast_in_dim3A_168 = vector.broadcast %broadcast_in_dim3A_167 : f32 to vector<16xf32>
    %swap3A_169 = arith.constant 320 : index
    %swap3A_170 = tpu.vector_load %arg6[%swap3A_169] {strides = array<i32>} : memref<640xf32, #tpu.memory_space<vmem>>, vector<16xf32>,
    %swap3A_171 = vector.shape_cast %swap3A_170 : vector<16xf32> to vector<16xf32>
    %swap3A_172 = vector.shape_cast %broadcast_in_dim3A_168 : vector<16xf32> to vector<16xf32>
    tpu.vector_store %arg6[%swap3A_169], %swap3A_172 {strides = array<i32>} : memref<640xf32, #tpu.memory_space<vmem>>, vector<16xf32>,
    %broadcast_in_dim3A_173 = arith.constant 0.000000e+00 : f32
    %broadcast_in_dim3A_174 = vector.broadcast %broadcast_in_dim3A_173 : f32 to vector<16xf32>
    %swap3A_175 = arith.constant 336 : index
    %swap3A_176 = tpu.vector_load %arg6[%swap3A_175] {strides = array<i32>} : memref<640xf32, #tpu.memory_space<vmem>>, vector<16xf32>,
    %swap3A_177 = vector.shape_cast %swap3A_176 : vector<16xf32> to vector<16xf32>
    %swap3A_178 = vector.shape_cast %broadcast_in_dim3A_174 : vector<16xf32> to vector<16xf32>
    tpu.vector_store %arg6[%swap3A_175], %swap3A_178 {strides = array<i32>} : memref<640xf32, #tpu.memory_space<vmem>>, vector<16xf32>,
    %broadcast_in_dim3A_179 = arith.constant 0.000000e+00 : f32
    %broadcast_in_dim3A_180 = vector.broadcast %broadcast_in_dim3A_179 : f32 to vector<16xf32>
    %swap3A_181 = arith.constant 352 : index
    %swap3A_182 = tpu.vector_load %arg6[%swap3A_181] {strides = array<i32>} : memref<640xf32, #tpu.memory_space<vmem>>, vector<16xf32>,
    %swap3A_183 = vector.shape_cast %swap3A_182 : vector<16xf32> to vector<16xf32>
    %swap3A_184 = vector.shape_cast %broadcast_in_dim3A_180 : vector<16xf32> to vector<16xf32>
    tpu.vector_store %arg6[%swap3A_181], %swap3A_184 {strides = array<i32>} : memref<640xf32, #tpu.memory_space<vmem>>, vector<16xf32>,
    %broadcast_in_dim3A_185 = arith.constant 0.000000e+00 : f32
    %broadcast_in_dim3A_186 = vector.broadcast %broadcast_in_dim3A_185 : f32 to vector<16xf32>
    %swap3A_187 = arith.constant 368 : index
    %swap3A_188 = tpu.vector_load %arg6[%swap3A_187] {strides = array<i32>} : memref<640xf32, #tpu.memory_space<vmem>>, vector<16xf32>,
    %swap3A_189 = vector.shape_cast %swap3A_188 : vector<16xf32> to vector<16xf32>
    %swap3A_190 = vector.shape_cast %broadcast_in_dim3A_186 : vector<16xf32> to vector<16xf32>
    tpu.vector_store %arg6[%swap3A_187], %swap3A_190 {strides = array<i32>} : memref<640xf32, #tpu.memory_space<vmem>>, vector<16xf32>,
    %broadcast_in_dim3A_191 = arith.constant 0.000000e+00 : f32
    %broadcast_in_dim3A_192 = vector.broadcast %broadcast_in_dim3A_191 : f32 to vector<16xf32>
    %swap3A_193 = arith.constant 384 : index
    %swap3A_194 = tpu.vector_load %arg6[%swap3A_193] {strides = array<i32>} : memref<640xf32, #tpu.memory_space<vmem>>, vector<16xf32>,
    %swap3A_195 = vector.shape_cast %swap3A_194 : vector<16xf32> to vector<16xf32>
    %swap3A_196 = vector.shape_cast %broadcast_in_dim3A_192 : vector<16xf32> to vector<16xf32>
    tpu.vector_store %arg6[%swap3A_193], %swap3A_196 {strides = array<i32>} : memref<640xf32, #tpu.memory_space<vmem>>, vector<16xf32>,
    %broadcast_in_dim3A_197 = arith.constant 0.000000e+00 : f32
    %broadcast_in_dim3A_198 = vector.broadcast %broadcast_in_dim3A_197 : f32 to vector<16xf32>
    %swap3A_199 = arith.constant 400 : index
    %swap3A_200 = tpu.vector_load %arg6[%swap3A_199] {strides = array<i32>} : memref<640xf32, #tpu.memory_space<vmem>>, vector<16xf32>,
    %swap3A_201 = vector.shape_cast %swap3A_200 : vector<16xf32> to vector<16xf32>
    %swap3A_202 = vector.shape_cast %broadcast_in_dim3A_198 : vector<16xf32> to vector<16xf32>
    tpu.vector_store %arg6[%swap3A_199], %swap3A_202 {strides = array<i32>} : memref<640xf32, #tpu.memory_space<vmem>>, vector<16xf32>,
    %broadcast_in_dim3A_203 = arith.constant 0.000000e+00 : f32
    %broadcast_in_dim3A_204 = vector.broadcast %broadcast_in_dim3A_203 : f32 to vector<16xf32>
    %swap3A_205 = arith.constant 416 : index
    %swap3A_206 = tpu.vector_load %arg6[%swap3A_205] {strides = array<i32>} : memref<640xf32, #tpu.memory_space<vmem>>, vector<16xf32>,
    %swap3A_207 = vector.shape_cast %swap3A_206 : vector<16xf32> to vector<16xf32>
    %swap3A_208 = vector.shape_cast %broadcast_in_dim3A_204 : vector<16xf32> to vector<16xf32>
    tpu.vector_store %arg6[%swap3A_205], %swap3A_208 {strides = array<i32>} : memref<640xf32, #tpu.memory_space<vmem>>, vector<16xf32>,
    %broadcast_in_dim3A_209 = arith.constant 0.000000e+00 : f32
    %broadcast_in_dim3A_210 = vector.broadcast %broadcast_in_dim3A_209 : f32 to vector<16xf32>
    %swap3A_211 = arith.constant 432 : index
    %swap3A_212 = tpu.vector_load %arg6[%swap3A_211] {strides = array<i32>} : memref<640xf32, #tpu.memory_space<vmem>>, vector<16xf32>,
    %swap3A_213 = vector.shape_cast %swap3A_212 : vector<16xf32> to vector<16xf32>
    %swap3A_214 = vector.shape_cast %broadcast_in_dim3A_210 : vector<16xf32> to vector<16xf32>
    tpu.vector_store %arg6[%swap3A_211], %swap3A_214 {strides = array<i32>} : memref<640xf32, #tpu.memory_space<vmem>>, vector<16xf32>,
    %broadcast_in_dim3A_215 = arith.constant 0.000000e+00 : f32
    %broadcast_in_dim3A_216 = vector.broadcast %broadcast_in_dim3A_215 : f32 to vector<16xf32>
    %swap3A_217 = arith.constant 448 : index
    %swap3A_218 = tpu.vector_load %arg6[%swap3A_217] {strides = array<i32>} : memref<640xf32, #tpu.memory_space<vmem>>, vector<16xf32>,
    %swap3A_219 = vector.shape_cast %swap3A_218 : vector<16xf32> to vector<16xf32>
    %swap3A_220 = vector.shape_cast %broadcast_in_dim3A_216 : vector<16xf32> to vector<16xf32>
    tpu.vector_store %arg6[%swap3A_217], %swap3A_220 {strides = array<i32>} : memref<640xf32, #tpu.memory_space<vmem>>, vector<16xf32>,
    %broadcast_in_dim3A_221 = arith.constant 0.000000e+00 : f32
    %broadcast_in_dim3A_222 = vector.broadcast %broadcast_in_dim3A_221 : f32 to vector<16xf32>
    %swap3A_223 = arith.constant 464 : index
    %swap3A_224 = tpu.vector_load %arg6[%swap3A_223] {strides = array<i32>} : memref<640xf32, #tpu.memory_space<vmem>>, vector<16xf32>,
    %swap3A_225 = vector.shape_cast %swap3A_224 : vector<16xf32> to vector<16xf32>
    %swap3A_226 = vector.shape_cast %broadcast_in_dim3A_222 : vector<16xf32> to vector<16xf32>
    tpu.vector_store %arg6[%swap3A_223], %swap3A_226 {strides = array<i32>} : memref<640xf32, #tpu.memory_space<vmem>>, vector<16xf32>,
    %broadcast_in_dim3A_227 = arith.constant 0.000000e+00 : f32
    %broadcast_in_dim3A_228 = vector.broadcast %broadcast_in_dim3A_227 : f32 to vector<16xf32>
    %swap3A_229 = arith.constant 480 : index
    %swap3A_230 = tpu.vector_load %arg6[%swap3A_229] {strides = array<i32>} : memref<640xf32, #tpu.memory_space<vmem>>, vector<16xf32>,
    %swap3A_231 = vector.shape_cast %swap3A_230 : vector<16xf32> to vector<16xf32>
    %swap3A_232 = vector.shape_cast %broadcast_in_dim3A_228 : vector<16xf32> to vector<16xf32>
    tpu.vector_store %arg6[%swap3A_229], %swap3A_232 {strides = array<i32>} : memref<640xf32, #tpu.memory_space<vmem>>, vector<16xf32>,
    %broadcast_in_dim3A_233 = arith.constant 0.000000e+00 : f32
    %broadcast_in_dim3A_234 = vector.broadcast %broadcast_in_dim3A_233 : f32 to vector<16xf32>
    %swap3A_235 = arith.constant 496 : index
    %swap3A_236 = tpu.vector_load %arg6[%swap3A_235] {strides = array<i32>} : memref<640xf32, #tpu.memory_space<vmem>>, vector<16xf32>,
    %swap3A_237 = vector.shape_cast %swap3A_236 : vector<16xf32> to vector<16xf32>
    %swap3A_238 = vector.shape_cast %broadcast_in_dim3A_234 : vector<16xf32> to vector<16xf32>
    tpu.vector_store %arg6[%swap3A_235], %swap3A_238 {strides = array<i32>} : memref<640xf32, #tpu.memory_space<vmem>>, vector<16xf32>,
    %broadcast_in_dim3A_239 = arith.constant 0.000000e+00 : f32
    %broadcast_in_dim3A_240 = vector.broadcast %broadcast_in_dim3A_239 : f32 to vector<16xf32>
    %swap3A_241 = arith.constant 512 : index
    %swap3A_242 = tpu.vector_load %arg6[%swap3A_241] {strides = array<i32>} : memref<640xf32, #tpu.memory_space<vmem>>, vector<16xf32>,
    %swap3A_243 = vector.shape_cast %swap3A_242 : vector<16xf32> to vector<16xf32>
    %swap3A_244 = vector.shape_cast %broadcast_in_dim3A_240 : vector<16xf32> to vector<16xf32>
    tpu.vector_store %arg6[%swap3A_241], %swap3A_244 {strides = array<i32>} : memref<640xf32, #tpu.memory_space<vmem>>, vector<16xf32>,
    %broadcast_in_dim3A_245 = arith.constant 0.000000e+00 : f32
    %broadcast_in_dim3A_246 = vector.broadcast %broadcast_in_dim3A_245 : f32 to vector<16xf32>
    %swap3A_247 = arith.constant 528 : index
    %swap3A_248 = tpu.vector_load %arg6[%swap3A_247] {strides = array<i32>} : memref<640xf32, #tpu.memory_space<vmem>>, vector<16xf32>,
    %swap3A_249 = vector.shape_cast %swap3A_248 : vector<16xf32> to vector<16xf32>
    %swap3A_250 = vector.shape_cast %broadcast_in_dim3A_246 : vector<16xf32> to vector<16xf32>
    tpu.vector_store %arg6[%swap3A_247], %swap3A_250 {strides = array<i32>} : memref<640xf32, #tpu.memory_space<vmem>>, vector<16xf32>,
    %broadcast_in_dim3A_251 = arith.constant 0.000000e+00 : f32
    %broadcast_in_dim3A_252 = vector.broadcast %broadcast_in_dim3A_251 : f32 to vector<16xf32>
    %swap3A_253 = arith.constant 544 : index
    %swap3A_254 = tpu.vector_load %arg6[%swap3A_253] {strides = array<i32>} : memref<640xf32, #tpu.memory_space<vmem>>, vector<16xf32>,
    %swap3A_255 = vector.shape_cast %swap3A_254 : vector<16xf32> to vector<16xf32>
    %swap3A_256 = vector.shape_cast %broadcast_in_dim3A_252 : vector<16xf32> to vector<16xf32>
    tpu.vector_store %arg6[%swap3A_253], %swap3A_256 {strides = array<i32>} : memref<640xf32, #tpu.memory_space<vmem>>, vector<16xf32>,
    %broadcast_in_dim3A_257 = arith.constant 0.000000e+00 : f32
    %broadcast_in_dim3A_258 = vector.broadcast %broadcast_in_dim3A_257 : f32 to vector<16xf32>
    %swap3A_259 = arith.constant 560 : index
    %swap3A_260 = tpu.vector_load %arg6[%swap3A_259] {strides = array<i32>} : memref<640xf32, #tpu.memory_space<vmem>>, vector<16xf32>,
    %swap3A_261 = vector.shape_cast %swap3A_260 : vector<16xf32> to vector<16xf32>
    %swap3A_262 = vector.shape_cast %broadcast_in_dim3A_258 : vector<16xf32> to vector<16xf32>
    tpu.vector_store %arg6[%swap3A_259], %swap3A_262 {strides = array<i32>} : memref<640xf32, #tpu.memory_space<vmem>>, vector<16xf32>,
    %broadcast_in_dim3A_263 = arith.constant 0.000000e+00 : f32
    %broadcast_in_dim3A_264 = vector.broadcast %broadcast_in_dim3A_263 : f32 to vector<16xf32>
    %swap3A_265 = arith.constant 576 : index
    %swap3A_266 = tpu.vector_load %arg6[%swap3A_265] {strides = array<i32>} : memref<640xf32, #tpu.memory_space<vmem>>, vector<16xf32>,
    %swap3A_267 = vector.shape_cast %swap3A_266 : vector<16xf32> to vector<16xf32>
    %swap3A_268 = vector.shape_cast %broadcast_in_dim3A_264 : vector<16xf32> to vector<16xf32>
    tpu.vector_store %arg6[%swap3A_265], %swap3A_268 {strides = array<i32>} : memref<640xf32, #tpu.memory_space<vmem>>, vector<16xf32>,
    %broadcast_in_dim3A_269 = arith.constant 0.000000e+00 : f32
    %broadcast_in_dim3A_270 = vector.broadcast %broadcast_in_dim3A_269 : f32 to vector<16xf32>
    %swap3A_271 = arith.constant 592 : index
    %swap3A_272 = tpu.vector_load %arg6[%swap3A_271] {strides = array<i32>} : memref<640xf32, #tpu.memory_space<vmem>>, vector<16xf32>,
    %swap3A_273 = vector.shape_cast %swap3A_272 : vector<16xf32> to vector<16xf32>
    %swap3A_274 = vector.shape_cast %broadcast_in_dim3A_270 : vector<16xf32> to vector<16xf32>
    tpu.vector_store %arg6[%swap3A_271], %swap3A_274 {strides = array<i32>} : memref<640xf32, #tpu.memory_space<vmem>>, vector<16xf32>,
    %broadcast_in_dim3A_275 = arith.constant 0.000000e+00 : f32
    %broadcast_in_dim3A_276 = vector.broadcast %broadcast_in_dim3A_275 : f32 to vector<16xf32>
    %swap3A_277 = arith.constant 608 : index
    %swap3A_278 = tpu.vector_load %arg6[%swap3A_277] {strides = array<i32>} : memref<640xf32, #tpu.memory_space<vmem>>, vector<16xf32>,
    %swap3A_279 = vector.shape_cast %swap3A_278 : vector<16xf32> to vector<16xf32>
    %swap3A_280 = vector.shape_cast %broadcast_in_dim3A_276 : vector<16xf32> to vector<16xf32>
    tpu.vector_store %arg6[%swap3A_277], %swap3A_280 {strides = array<i32>} : memref<640xf32, #tpu.memory_space<vmem>>, vector<16xf32>,
    %broadcast_in_dim3A_281 = arith.constant 0.000000e+00 : f32
    %broadcast_in_dim3A_282 = vector.broadcast %broadcast_in_dim3A_281 : f32 to vector<16xf32>
    %swap3A_283 = arith.constant 624 : index
    %swap3A_284 = tpu.vector_load %arg6[%swap3A_283] {strides = array<i32>} : memref<640xf32, #tpu.memory_space<vmem>>, vector<16xf32>,
    %swap3A_285 = vector.shape_cast %swap3A_284 : vector<16xf32> to vector<16xf32>
    %swap3A_286 = vector.shape_cast %broadcast_in_dim3A_282 : vector<16xf32> to vector<16xf32>
    tpu.vector_store %arg6[%swap3A_283], %swap3A_286 {strides = array<i32>} : memref<640xf32, #tpu.memory_space<vmem>>, vector<16xf32>,
    %mul3A_287 = arith.constant 640 : i32
    %mul3A_288 = arith.muli %arg1, %mul3A_287 : i32
    "tpu.region"() ({
      %run_scoped3A = tpu.sem_alloc : memref<!tpu.dma_semaphore, #tpu.memory_space<semaphore_mem>>
      %dma_start3A = tpu.memref_slice %arg7[%mul3A_288] : memref<10240xf32, #tpu.memory_space<vmem_shared>> -> memref<640xf32, #tpu.memory_space<vmem_shared>>
      %dma_start3A_356 = tpu.memref_slice %arg7[%mul3A_288] : memref<10240xf32, #tpu.memory_space<vmem_shared>> -> memref<640xf32, #tpu.memory_space<vmem_shared>>
      tpu.enqueue_dma source(%arg6 : memref<640xf32, #tpu.memory_space<vmem>>) target(%dma_start3A_356 : memref<640xf32, #tpu.memory_space<vmem_shared>>) target_semaphore(%run_scoped3A : memref<!tpu.dma_semaphore, #tpu.memory_space<semaphore_mem>>)
      %dma_wait3A_357 = tpu.memref_slice %arg7[%mul3A_288] : memref<10240xf32, #tpu.memory_space<vmem_shared>> -> memref<640xf32, #tpu.memory_space<vmem_shared>>
      %dma_wait3A_358 = tpu.memref_slice %arg7[%mul3A_288] : memref<10240xf32, #tpu.memory_space<vmem_shared>> -> memref<640xf32, #tpu.memory_space<vmem_shared>>
      tpu.wait_dma2 semaphore(%run_scoped3A : memref<!tpu.dma_semaphore, #tpu.memory_space<semaphore_mem>>) src(%arg6 : memref<640xf32, #tpu.memory_space<vmem>>) dst(%dma_wait3A_358 : memref<640xf32, #tpu.memory_space<vmem_shared>>)
      tpu.yield
    }) : () -> ()
    %mul3A_289 = arith.constant 80 : i32
    %mul3A_290 = arith.muli %add3A, %mul3A_289 : i32
    "tpu.region"() ({
      %run_scoped3A = tpu.sem_alloc : memref<!tpu.dma_semaphore, #tpu.memory_space<semaphore_mem>>
      %dma_start3A = arith.constant 0 : i32
      %dma_start3A_356 = arith.constant 0 : i32
      %dma_start3A_357 = tpu.memref_slice %arg2[%mul3A_290, %dma_start3A, %dma_start3A_356] : memref<2560x2x128xi32, #tpu.memory_space<hbm>> -> memref<80x2x128xi32, #tpu.memory_space<hbm>>
      %dma_start3A_358 = arith.constant 0 : i32
      %dma_start3A_359 = arith.constant 0 : i32
      %dma_start3A_360 = tpu.memref_slice %arg2[%mul3A_290, %dma_start3A_358, %dma_start3A_359] : memref<2560x2x128xi32, #tpu.memory_space<hbm>> -> memref<80x2x128xi32, #tpu.memory_space<hbm>>
      tpu.enqueue_dma source(%dma_start3A_360 : memref<80x2x128xi32, #tpu.memory_space<hbm>>) target(%arg4 : memref<80x2x128xi32, #tpu.memory_space<vmem>>) target_semaphore(%run_scoped3A : memref<!tpu.dma_semaphore, #tpu.memory_space<semaphore_mem>>)
      %dma_wait3A_361 = arith.constant 0 : i32
      %dma_wait3A_362 = arith.constant 0 : i32
      %dma_wait3A_363 = tpu.memref_slice %arg2[%mul3A_290, %dma_wait3A_361, %dma_wait3A_362] : memref<2560x2x128xi32, #tpu.memory_space<hbm>> -> memref<80x2x128xi32, #tpu.memory_space<hbm>>
      %dma_wait3A_364 = arith.constant 0 : i32
      %dma_wait3A_365 = arith.constant 0 : i32
      %dma_wait3A_366 = tpu.memref_slice %arg2[%mul3A_290, %dma_wait3A_364, %dma_wait3A_365] : memref<2560x2x128xi32, #tpu.memory_space<hbm>> -> memref<80x2x128xi32, #tpu.memory_space<hbm>>
      tpu.wait_dma2 semaphore(%run_scoped3A : memref<!tpu.dma_semaphore, #tpu.memory_space<semaphore_mem>>) src(%dma_wait3A_366 : memref<80x2x128xi32, #tpu.memory_space<hbm>>) dst(%arg4 : memref<80x2x128xi32, #tpu.memory_space<vmem>>)
      tpu.yield
    }) : () -> ()
    %barrier3A = arith.constant 0 : index
    tpu.barrier barrier_id(%barrier3A)
    %scan3A = arith.constant 0 : i32
    %scan3A_291 = arith.constant 0 : i32
    %scan3A_292 = arith.constant 80 : i32
    %scan3A_293 = arith.addi %scan3A_291, %scan3A_292 : i32
    %scan3A_294 = arith.constant 1 : i32
    scf.for %scan3A_356 = %scan3A_291 to %scan3A_293 step %scan3A_294  : i32 {
      %dma_start3A = arith.constant 1 : i32
      %dma_start3A_357 = arith.constant 0 : i32
      %dma_start3A_358 = tpu.memref_slice %arg4[%scan3A_356, %dma_start3A, %dma_start3A_357] : memref<80x2x128xi32, #tpu.memory_space<vmem>> -> memref<1x1x128xi32, #tpu.memory_space<vmem>>
      %dma_start3A_359 = tpu.memref_squeeze %dma_start3A_358 : memref<1x1x128xi32, #tpu.memory_space<vmem>> -> memref<128xi32, #tpu.memory_space<vmem>>
      %dma_start3A_360 = arith.constant 0 : i32
      %dma_start3A_361 = tpu.memref_slice %arg7[%dma_start3A_360] : memref<10240xf32, #tpu.memory_space<vmem_shared>> -> memref<10240xf32, #tpu.memory_space<vmem_shared>>
      tpu.enqueue_indirect_dma source(%arg5 : memref<128xf32, #tpu.memory_space<vmem>>) target(%dma_start3A_361 : memref<10240xf32, #tpu.memory_space<vmem_shared>>) offsets(%dma_start3A_359 : memref<128xi32, #tpu.memory_space<vmem>>) semaphore(%arg8 : memref<!tpu.dma_semaphore, #tpu.memory_space<semaphore_mem>>) {add = true}
      %ge3A = arith.constant 8 : i32
      %ge3A_362 = arith.cmpi sge, %scan3A_356, %ge3A : i32
      %convert_element_type3A = arith.extui %ge3A_362 : i1 to i32
      %cond3A = arith.constant 0 : i32
      %cond3A_363 = arith.cmpi ne, %convert_element_type3A, %cond3A : i32
      scf.if %cond3A_363 {
        %dma_wait3A_364 = arith.constant 1 : i32
        %dma_wait3A_365 = arith.constant 0 : i32
        %dma_wait3A_366 = tpu.memref_slice %arg4[%scan3A_356, %dma_wait3A_364, %dma_wait3A_365] : memref<80x2x128xi32, #tpu.memory_space<vmem>> -> memref<1x1x128xi32, #tpu.memory_space<vmem>>
        %dma_wait3A_367 = tpu.memref_squeeze %dma_wait3A_366 : memref<1x1x128xi32, #tpu.memory_space<vmem>> -> memref<128xi32, #tpu.memory_space<vmem>>
        %dma_wait3A_368 = arith.constant 0 : i32
        %dma_wait3A_369 = tpu.memref_slice %arg7[%dma_wait3A_368] : memref<10240xf32, #tpu.memory_space<vmem_shared>> -> memref<10240xf32, #tpu.memory_space<vmem_shared>>
        tpu.wait_indirect_dma semaphore(%arg8 : memref<!tpu.dma_semaphore, #tpu.memory_space<semaphore_mem>>) src(%arg5 : memref<128xf32, #tpu.memory_space<vmem>>) dst(%dma_wait3A_369 : memref<10240xf32, #tpu.memory_space<vmem_shared>>)
      } else {
      }
    }
    %scan3A_295 = arith.constant 80 : i32
    %dma_wait3A = arith.constant 0 : i32
    %dma_wait3A_296 = arith.constant 1 : i32
    %dma_wait3A_297 = arith.constant 0 : i32
    %dma_wait3A_298 = tpu.memref_slice %arg4[%dma_wait3A, %dma_wait3A_296, %dma_wait3A_297] : memref<80x2x128xi32, #tpu.memory_space<vmem>> -> memref<1x1x128xi32, #tpu.memory_space<vmem>>
    %dma_wait3A_299 = tpu.memref_squeeze %dma_wait3A_298 : memref<1x1x128xi32, #tpu.memory_space<vmem>> -> memref<128xi32, #tpu.memory_space<vmem>>
    %dma_wait3A_300 = arith.constant 0 : i32
    %dma_wait3A_301 = tpu.memref_slice %arg7[%dma_wait3A_300] : memref<10240xf32, #tpu.memory_space<vmem_shared>> -> memref<10240xf32, #tpu.memory_space<vmem_shared>>
    tpu.wait_indirect_dma semaphore(%arg8 : memref<!tpu.dma_semaphore, #tpu.memory_space<semaphore_mem>>) src(%arg5 : memref<128xf32, #tpu.memory_space<vmem>>) dst(%dma_wait3A_301 : memref<10240xf32, #tpu.memory_space<vmem_shared>>)
    %dma_wait3A_302 = arith.constant 0 : i32
    %dma_wait3A_303 = arith.constant 1 : i32
    %dma_wait3A_304 = arith.constant 0 : i32
    %dma_wait3A_305 = tpu.memref_slice %arg4[%dma_wait3A_302, %dma_wait3A_303, %dma_wait3A_304] : memref<80x2x128xi32, #tpu.memory_space<vmem>> -> memref<1x1x128xi32, #tpu.memory_space<vmem>>
    %dma_wait3A_306 = tpu.memref_squeeze %dma_wait3A_305 : memref<1x1x128xi32, #tpu.memory_space<vmem>> -> memref<128xi32, #tpu.memory_space<vmem>>
    %dma_wait3A_307 = arith.constant 0 : i32
    %dma_wait3A_308 = tpu.memref_slice %arg7[%dma_wait3A_307] : memref<10240xf32, #tpu.memory_space<vmem_shared>> -> memref<10240xf32, #tpu.memory_space<vmem_shared>>
    tpu.wait_indirect_dma semaphore(%arg8 : memref<!tpu.dma_semaphore, #tpu.memory_space<semaphore_mem>>) src(%arg5 : memref<128xf32, #tpu.memory_space<vmem>>) dst(%dma_wait3A_308 : memref<10240xf32, #tpu.memory_space<vmem_shared>>)
    %dma_wait3A_309 = arith.constant 0 : i32
    %dma_wait3A_310 = arith.constant 1 : i32
    %dma_wait3A_311 = arith.constant 0 : i32
    %dma_wait3A_312 = tpu.memref_slice %arg4[%dma_wait3A_309, %dma_wait3A_310, %dma_wait3A_311] : memref<80x2x128xi32, #tpu.memory_space<vmem>> -> memref<1x1x128xi32, #tpu.memory_space<vmem>>
    %dma_wait3A_313 = tpu.memref_squeeze %dma_wait3A_312 : memref<1x1x128xi32, #tpu.memory_space<vmem>> -> memref<128xi32, #tpu.memory_space<vmem>>
    %dma_wait3A_314 = arith.constant 0 : i32
    %dma_wait3A_315 = tpu.memref_slice %arg7[%dma_wait3A_314] : memref<10240xf32, #tpu.memory_space<vmem_shared>> -> memref<10240xf32, #tpu.memory_space<vmem_shared>>
    tpu.wait_indirect_dma semaphore(%arg8 : memref<!tpu.dma_semaphore, #tpu.memory_space<semaphore_mem>>) src(%arg5 : memref<128xf32, #tpu.memory_space<vmem>>) dst(%dma_wait3A_315 : memref<10240xf32, #tpu.memory_space<vmem_shared>>)
    %dma_wait3A_316 = arith.constant 0 : i32
    %dma_wait3A_317 = arith.constant 1 : i32
    %dma_wait3A_318 = arith.constant 0 : i32
    %dma_wait3A_319 = tpu.memref_slice %arg4[%dma_wait3A_316, %dma_wait3A_317, %dma_wait3A_318] : memref<80x2x128xi32, #tpu.memory_space<vmem>> -> memref<1x1x128xi32, #tpu.memory_space<vmem>>
    %dma_wait3A_320 = tpu.memref_squeeze %dma_wait3A_319 : memref<1x1x128xi32, #tpu.memory_space<vmem>> -> memref<128xi32, #tpu.memory_space<vmem>>
    %dma_wait3A_321 = arith.constant 0 : i32
    %dma_wait3A_322 = tpu.memref_slice %arg7[%dma_wait3A_321] : memref<10240xf32, #tpu.memory_space<vmem_shared>> -> memref<10240xf32, #tpu.memory_space<vmem_shared>>
    tpu.wait_indirect_dma semaphore(%arg8 : memref<!tpu.dma_semaphore, #tpu.memory_space<semaphore_mem>>) src(%arg5 : memref<128xf32, #tpu.memory_space<vmem>>) dst(%dma_wait3A_322 : memref<10240xf32, #tpu.memory_space<vmem_shared>>)
    %dma_wait3A_323 = arith.constant 0 : i32
    %dma_wait3A_324 = arith.constant 1 : i32
    %dma_wait3A_325 = arith.constant 0 : i32
    %dma_wait3A_326 = tpu.memref_slice %arg4[%dma_wait3A_323, %dma_wait3A_324, %dma_wait3A_325] : memref<80x2x128xi32, #tpu.memory_space<vmem>> -> memref<1x1x128xi32, #tpu.memory_space<vmem>>
    %dma_wait3A_327 = tpu.memref_squeeze %dma_wait3A_326 : memref<1x1x128xi32, #tpu.memory_space<vmem>> -> memref<128xi32, #tpu.memory_space<vmem>>
    %dma_wait3A_328 = arith.constant 0 : i32
    %dma_wait3A_329 = tpu.memref_slice %arg7[%dma_wait3A_328] : memref<10240xf32, #tpu.memory_space<vmem_shared>> -> memref<10240xf32, #tpu.memory_space<vmem_shared>>
    tpu.wait_indirect_dma semaphore(%arg8 : memref<!tpu.dma_semaphore, #tpu.memory_space<semaphore_mem>>) src(%arg5 : memref<128xf32, #tpu.memory_space<vmem>>) dst(%dma_wait3A_329 : memref<10240xf32, #tpu.memory_space<vmem_shared>>)
    %dma_wait3A_330 = arith.constant 0 : i32
    %dma_wait3A_331 = arith.constant 1 : i32
    %dma_wait3A_332 = arith.constant 0 : i32
    %dma_wait3A_333 = tpu.memref_slice %arg4[%dma_wait3A_330, %dma_wait3A_331, %dma_wait3A_332] : memref<80x2x128xi32, #tpu.memory_space<vmem>> -> memref<1x1x128xi32, #tpu.memory_space<vmem>>
    %dma_wait3A_334 = tpu.memref_squeeze %dma_wait3A_333 : memref<1x1x128xi32, #tpu.memory_space<vmem>> -> memref<128xi32, #tpu.memory_space<vmem>>
    %dma_wait3A_335 = arith.constant 0 : i32
    %dma_wait3A_336 = tpu.memref_slice %arg7[%dma_wait3A_335] : memref<10240xf32, #tpu.memory_space<vmem_shared>> -> memref<10240xf32, #tpu.memory_space<vmem_shared>>
    tpu.wait_indirect_dma semaphore(%arg8 : memref<!tpu.dma_semaphore, #tpu.memory_space<semaphore_mem>>) src(%arg5 : memref<128xf32, #tpu.memory_space<vmem>>) dst(%dma_wait3A_336 : memref<10240xf32, #tpu.memory_space<vmem_shared>>)
    %dma_wait3A_337 = arith.constant 0 : i32
    %dma_wait3A_338 = arith.constant 1 : i32
    %dma_wait3A_339 = arith.constant 0 : i32
    %dma_wait3A_340 = tpu.memref_slice %arg4[%dma_wait3A_337, %dma_wait3A_338, %dma_wait3A_339] : memref<80x2x128xi32, #tpu.memory_space<vmem>> -> memref<1x1x128xi32, #tpu.memory_space<vmem>>
    %dma_wait3A_341 = tpu.memref_squeeze %dma_wait3A_340 : memref<1x1x128xi32, #tpu.memory_space<vmem>> -> memref<128xi32, #tpu.memory_space<vmem>>
    %dma_wait3A_342 = arith.constant 0 : i32
    %dma_wait3A_343 = tpu.memref_slice %arg7[%dma_wait3A_342] : memref<10240xf32, #tpu.memory_space<vmem_shared>> -> memref<10240xf32, #tpu.memory_space<vmem_shared>>
    tpu.wait_indirect_dma semaphore(%arg8 : memref<!tpu.dma_semaphore, #tpu.memory_space<semaphore_mem>>) src(%arg5 : memref<128xf32, #tpu.memory_space<vmem>>) dst(%dma_wait3A_343 : memref<10240xf32, #tpu.memory_space<vmem_shared>>)
    %dma_wait3A_344 = arith.constant 0 : i32
    %dma_wait3A_345 = arith.constant 1 : i32
    %dma_wait3A_346 = arith.constant 0 : i32
    %dma_wait3A_347 = tpu.memref_slice %arg4[%dma_wait3A_344, %dma_wait3A_345, %dma_wait3A_346] : memref<80x2x128xi32, #tpu.memory_space<vmem>> -> memref<1x1x128xi32, #tpu.memory_space<vmem>>
    %dma_wait3A_348 = tpu.memref_squeeze %dma_wait3A_347 : memref<1x1x128xi32, #tpu.memory_space<vmem>> -> memref<128xi32, #tpu.memory_space<vmem>>
    %dma_wait3A_349 = arith.constant 0 : i32
    %dma_wait3A_350 = tpu.memref_slice %arg7[%dma_wait3A_349] : memref<10240xf32, #tpu.memory_space<vmem_shared>> -> memref<10240xf32, #tpu.memory_space<vmem_shared>>
    tpu.wait_indirect_dma semaphore(%arg8 : memref<!tpu.dma_semaphore, #tpu.memory_space<semaphore_mem>>) src(%arg5 : memref<128xf32, #tpu.memory_space<vmem>>) dst(%dma_wait3A_350 : memref<10240xf32, #tpu.memory_space<vmem_shared>>)
    %barrier3A_351 = arith.constant 0 : index
    tpu.barrier barrier_id(%barrier3A_351)
    %mul3A_352 = arith.constant 640 : i32
    %mul3A_353 = arith.muli %arg1, %mul3A_352 : i32
    %mul3A_354 = arith.constant 640 : i32
    %mul3A_355 = arith.muli %arg1, %mul3A_354 : i32
    "tpu.region"() ({
      %run_scoped3A = tpu.sem_alloc : memref<!tpu.dma_semaphore, #tpu.memory_space<semaphore_mem>>
      %dma_start3A = tpu.memref_slice %arg3[%arg0, %mul3A_355] : memref<2x10240xf32, #tpu.memory_space<hbm>> -> memref<1x640xf32, #tpu.memory_space<hbm>>
      %dma_start3A_356 = tpu.memref_squeeze %dma_start3A : memref<1x640xf32, #tpu.memory_space<hbm>> -> memref<640xf32, #tpu.memory_space<hbm>>
      %dma_start3A_357 = tpu.memref_slice %arg7[%mul3A_353] : memref<10240xf32, #tpu.memory_space<vmem_shared>> -> memref<640xf32, #tpu.memory_space<vmem_shared>>
      tpu.enqueue_dma source(%dma_start3A_357 : memref<640xf32, #tpu.memory_space<vmem_shared>>) target(%dma_start3A_356 : memref<640xf32, #tpu.memory_space<hbm>>) target_semaphore(%run_scoped3A : memref<!tpu.dma_semaphore, #tpu.memory_space<semaphore_mem>>)
      %dma_wait3A_358 = tpu.memref_slice %arg3[%arg0, %mul3A_355] : memref<2x10240xf32, #tpu.memory_space<hbm>> -> memref<1x640xf32, #tpu.memory_space<hbm>>
      %dma_wait3A_359 = tpu.memref_squeeze %dma_wait3A_358 : memref<1x640xf32, #tpu.memory_space<hbm>> -> memref<640xf32, #tpu.memory_space<hbm>>
      %dma_wait3A_360 = tpu.memref_slice %arg7[%mul3A_353] : memref<10240xf32, #tpu.memory_space<vmem_shared>> -> memref<640xf32, #tpu.memory_space<vmem_shared>>
      tpu.wait_dma2 semaphore(%run_scoped3A : memref<!tpu.dma_semaphore, #tpu.memory_space<semaphore_mem>>) src(%dma_wait3A_360 : memref<640xf32, #tpu.memory_space<vmem_shared>>) dst(%dma_wait3A_359 : memref<640xf32, #tpu.memory_space<hbm>>)
      tpu.yield
    }) : () -> ()
    return
  }
}

#map = affine_map<(d0, d1) -> (0, 0)>
#map1 = affine_map<(d0, d1) -> (0, 0, 0)>
module attributes {stable_mosaic.version = 14 : i64} {
  func.func @_prop_kernel(%arg0: i32, %arg1: i32, %arg2: memref<10240x128xf32, #tpu.memory_space<hbm>>, %arg3: memref<2560x2x128xi32, #tpu.memory_space<hbm>>, %arg4: memref<20480x128xf32, #tpu.memory_space<hbm>>, %arg5: memref<2x128xi32, #tpu.memory_space<vmem>>, %arg6: memref<2x128xi32, #tpu.memory_space<vmem>>, %arg7: memref<2x128xi32, #tpu.memory_space<vmem>>, %arg8: memref<2x128xi32, #tpu.memory_space<vmem>>, %arg9: memref<128x128xf32, #tpu.memory_space<vmem>>, %arg10: memref<128x128xf32, #tpu.memory_space<vmem>>, %arg11: memref<10240x128xf32, #tpu.memory_space<vmem_shared>>, %arg12: memref<!tpu.dma_semaphore, #tpu.memory_space<semaphore_mem>>, %arg13: memref<!tpu.dma_semaphore, #tpu.memory_space<semaphore_mem>>, %arg14: memref<!tpu.dma_semaphore, #tpu.memory_space<semaphore_mem>>) attributes {dimension_semantics = [#tpu.dimension_semantics<core_parallel>, #tpu.dimension_semantics<subcore_parallel>], iteration_bounds = array<i64: 2, 16>, scalar_prefetch = 0 : i64, scratch_operands = 10 : i64, tpu.core_type = #tpu.core_type<sc_vector_subcore>, window_params = [{transform_indices = #map}, {transform_indices = #map1}, {transform_indices = #map}]} {
    %mul3A = arith.constant 2 : i32
    %mul3A_0 = arith.muli %arg1, %mul3A : i32
    %add3A = arith.addi %mul3A_0, %arg0 : i32
    %mul3A_1 = arith.constant 640 : i32
    %mul3A_2 = arith.muli %arg1, %mul3A_1 : i32
    %add3A_3 = arith.constant 0 : i32
    %add3A_4 = arith.addi %mul3A_2, %add3A_3 : i32
    %add3A_5 = arith.constant 0 : i32
    %add3A_6 = arith.addi %mul3A_2, %add3A_5 : i32
    %dma_start3A = arith.constant 0 : i32
    %dma_start3A_7 = tpu.memref_slice %arg11[%add3A_6, %dma_start3A] : memref<10240x128xf32, #tpu.memory_space<vmem_shared>> -> memref<160x128xf32, #tpu.memory_space<vmem_shared>>
    %dma_start3A_8 = arith.constant 0 : i32
    %dma_start3A_9 = tpu.memref_slice %arg2[%add3A_4, %dma_start3A_8] : memref<10240x128xf32, #tpu.memory_space<hbm>> -> memref<160x128xf32, #tpu.memory_space<hbm>>
    tpu.enqueue_dma source(%dma_start3A_9 : memref<160x128xf32, #tpu.memory_space<hbm>>) target(%dma_start3A_7 : memref<160x128xf32, #tpu.memory_space<vmem_shared>>) target_semaphore(%arg14 : memref<!tpu.dma_semaphore, #tpu.memory_space<semaphore_mem>>)
    %add3A_10 = arith.constant 160 : i32
    %add3A_11 = arith.addi %mul3A_2, %add3A_10 : i32
    %add3A_12 = arith.constant 160 : i32
    %add3A_13 = arith.addi %mul3A_2, %add3A_12 : i32
    %dma_start3A_14 = arith.constant 0 : i32
    %dma_start3A_15 = tpu.memref_slice %arg11[%add3A_13, %dma_start3A_14] : memref<10240x128xf32, #tpu.memory_space<vmem_shared>> -> memref<160x128xf32, #tpu.memory_space<vmem_shared>>
    %dma_start3A_16 = arith.constant 0 : i32
    %dma_start3A_17 = tpu.memref_slice %arg2[%add3A_11, %dma_start3A_16] : memref<10240x128xf32, #tpu.memory_space<hbm>> -> memref<160x128xf32, #tpu.memory_space<hbm>>
    tpu.enqueue_dma source(%dma_start3A_17 : memref<160x128xf32, #tpu.memory_space<hbm>>) target(%dma_start3A_15 : memref<160x128xf32, #tpu.memory_space<vmem_shared>>) target_semaphore(%arg14 : memref<!tpu.dma_semaphore, #tpu.memory_space<semaphore_mem>>)
    %add3A_18 = arith.constant 320 : i32
    %add3A_19 = arith.addi %mul3A_2, %add3A_18 : i32
    %add3A_20 = arith.constant 320 : i32
    %add3A_21 = arith.addi %mul3A_2, %add3A_20 : i32
    %dma_start3A_22 = arith.constant 0 : i32
    %dma_start3A_23 = tpu.memref_slice %arg11[%add3A_21, %dma_start3A_22] : memref<10240x128xf32, #tpu.memory_space<vmem_shared>> -> memref<160x128xf32, #tpu.memory_space<vmem_shared>>
    %dma_start3A_24 = arith.constant 0 : i32
    %dma_start3A_25 = tpu.memref_slice %arg2[%add3A_19, %dma_start3A_24] : memref<10240x128xf32, #tpu.memory_space<hbm>> -> memref<160x128xf32, #tpu.memory_space<hbm>>
    tpu.enqueue_dma source(%dma_start3A_25 : memref<160x128xf32, #tpu.memory_space<hbm>>) target(%dma_start3A_23 : memref<160x128xf32, #tpu.memory_space<vmem_shared>>) target_semaphore(%arg14 : memref<!tpu.dma_semaphore, #tpu.memory_space<semaphore_mem>>)
    %add3A_26 = arith.constant 480 : i32
    %add3A_27 = arith.addi %mul3A_2, %add3A_26 : i32
    %add3A_28 = arith.constant 480 : i32
    %add3A_29 = arith.addi %mul3A_2, %add3A_28 : i32
    %dma_start3A_30 = arith.constant 0 : i32
    %dma_start3A_31 = tpu.memref_slice %arg11[%add3A_29, %dma_start3A_30] : memref<10240x128xf32, #tpu.memory_space<vmem_shared>> -> memref<160x128xf32, #tpu.memory_space<vmem_shared>>
    %dma_start3A_32 = arith.constant 0 : i32
    %dma_start3A_33 = tpu.memref_slice %arg2[%add3A_27, %dma_start3A_32] : memref<10240x128xf32, #tpu.memory_space<hbm>> -> memref<160x128xf32, #tpu.memory_space<hbm>>
    tpu.enqueue_dma source(%dma_start3A_33 : memref<160x128xf32, #tpu.memory_space<hbm>>) target(%dma_start3A_31 : memref<160x128xf32, #tpu.memory_space<vmem_shared>>) target_semaphore(%arg14 : memref<!tpu.dma_semaphore, #tpu.memory_space<semaphore_mem>>)
    %dma_wait3A = arith.constant 0 : i32
    %dma_wait3A_34 = tpu.memref_slice %arg11[%add3A_6, %dma_wait3A] : memref<10240x128xf32, #tpu.memory_space<vmem_shared>> -> memref<160x128xf32, #tpu.memory_space<vmem_shared>>
    %dma_wait3A_35 = arith.constant 0 : i32
    %dma_wait3A_36 = tpu.memref_slice %arg2[%add3A_4, %dma_wait3A_35] : memref<10240x128xf32, #tpu.memory_space<hbm>> -> memref<160x128xf32, #tpu.memory_space<hbm>>
    tpu.wait_dma2 semaphore(%arg14 : memref<!tpu.dma_semaphore, #tpu.memory_space<semaphore_mem>>) src(%dma_wait3A_36 : memref<160x128xf32, #tpu.memory_space<hbm>>) dst(%dma_wait3A_34 : memref<160x128xf32, #tpu.memory_space<vmem_shared>>)
    %dma_wait3A_37 = arith.constant 0 : i32
    %dma_wait3A_38 = tpu.memref_slice %arg11[%add3A_13, %dma_wait3A_37] : memref<10240x128xf32, #tpu.memory_space<vmem_shared>> -> memref<160x128xf32, #tpu.memory_space<vmem_shared>>
    %dma_wait3A_39 = arith.constant 0 : i32
    %dma_wait3A_40 = tpu.memref_slice %arg2[%add3A_11, %dma_wait3A_39] : memref<10240x128xf32, #tpu.memory_space<hbm>> -> memref<160x128xf32, #tpu.memory_space<hbm>>
    tpu.wait_dma2 semaphore(%arg14 : memref<!tpu.dma_semaphore, #tpu.memory_space<semaphore_mem>>) src(%dma_wait3A_40 : memref<160x128xf32, #tpu.memory_space<hbm>>) dst(%dma_wait3A_38 : memref<160x128xf32, #tpu.memory_space<vmem_shared>>)
    %dma_wait3A_41 = arith.constant 0 : i32
    %dma_wait3A_42 = tpu.memref_slice %arg11[%add3A_21, %dma_wait3A_41] : memref<10240x128xf32, #tpu.memory_space<vmem_shared>> -> memref<160x128xf32, #tpu.memory_space<vmem_shared>>
    %dma_wait3A_43 = arith.constant 0 : i32
    %dma_wait3A_44 = tpu.memref_slice %arg2[%add3A_19, %dma_wait3A_43] : memref<10240x128xf32, #tpu.memory_space<hbm>> -> memref<160x128xf32, #tpu.memory_space<hbm>>
    tpu.wait_dma2 semaphore(%arg14 : memref<!tpu.dma_semaphore, #tpu.memory_space<semaphore_mem>>) src(%dma_wait3A_44 : memref<160x128xf32, #tpu.memory_space<hbm>>) dst(%dma_wait3A_42 : memref<160x128xf32, #tpu.memory_space<vmem_shared>>)
    %dma_wait3A_45 = arith.constant 0 : i32
    %dma_wait3A_46 = tpu.memref_slice %arg11[%add3A_29, %dma_wait3A_45] : memref<10240x128xf32, #tpu.memory_space<vmem_shared>> -> memref<160x128xf32, #tpu.memory_space<vmem_shared>>
    %dma_wait3A_47 = arith.constant 0 : i32
    %dma_wait3A_48 = tpu.memref_slice %arg2[%add3A_27, %dma_wait3A_47] : memref<10240x128xf32, #tpu.memory_space<hbm>> -> memref<160x128xf32, #tpu.memory_space<hbm>>
    tpu.wait_dma2 semaphore(%arg14 : memref<!tpu.dma_semaphore, #tpu.memory_space<semaphore_mem>>) src(%dma_wait3A_48 : memref<160x128xf32, #tpu.memory_space<hbm>>) dst(%dma_wait3A_46 : memref<160x128xf32, #tpu.memory_space<vmem_shared>>)
    %barrier3A = arith.constant 0 : index
    tpu.barrier barrier_id(%barrier3A)
    %mul3A_49 = arith.constant 80 : i32
    %mul3A_50 = arith.muli %add3A, %mul3A_49 : i32
    %add3A_51 = arith.constant 0 : i32
    %add3A_52 = arith.addi %mul3A_50, %add3A_51 : i32
    %dma_start3A_53 = arith.constant 0 : i32
    %dma_start3A_54 = arith.constant 0 : i32
    %dma_start3A_55 = tpu.memref_slice %arg3[%add3A_52, %dma_start3A_53, %dma_start3A_54] : memref<2560x2x128xi32, #tpu.memory_space<hbm>> -> memref<1x2x128xi32, #tpu.memory_space<hbm>>
    %dma_start3A_56 = tpu.memref_squeeze %dma_start3A_55 : memref<1x2x128xi32, #tpu.memory_space<hbm>> -> memref<2x128xi32, #tpu.memory_space<hbm>>
    %dma_start3A_57 = arith.constant 0 : i32
    %dma_start3A_58 = arith.constant 0 : i32
    %dma_start3A_59 = tpu.memref_slice %arg3[%add3A_52, %dma_start3A_57, %dma_start3A_58] : memref<2560x2x128xi32, #tpu.memory_space<hbm>> -> memref<1x2x128xi32, #tpu.memory_space<hbm>>
    %dma_start3A_60 = tpu.memref_squeeze %dma_start3A_59 : memref<1x2x128xi32, #tpu.memory_space<hbm>> -> memref<2x128xi32, #tpu.memory_space<hbm>>
    tpu.enqueue_dma source(%dma_start3A_60 : memref<2x128xi32, #tpu.memory_space<hbm>>) target(%arg5 : memref<2x128xi32, #tpu.memory_space<vmem>>) target_semaphore(%arg12 : memref<!tpu.dma_semaphore, #tpu.memory_space<semaphore_mem>>)
    %mul3A_61 = arith.constant 80 : i32
    %mul3A_62 = arith.muli %add3A, %mul3A_61 : i32
    %add3A_63 = arith.constant 1 : i32
    %add3A_64 = arith.addi %mul3A_62, %add3A_63 : i32
    %dma_start3A_65 = arith.constant 0 : i32
    %dma_start3A_66 = arith.constant 0 : i32
    %dma_start3A_67 = tpu.memref_slice %arg3[%add3A_64, %dma_start3A_65, %dma_start3A_66] : memref<2560x2x128xi32, #tpu.memory_space<hbm>> -> memref<1x2x128xi32, #tpu.memory_space<hbm>>
    %dma_start3A_68 = tpu.memref_squeeze %dma_start3A_67 : memref<1x2x128xi32, #tpu.memory_space<hbm>> -> memref<2x128xi32, #tpu.memory_space<hbm>>
    %dma_start3A_69 = arith.constant 0 : i32
    %dma_start3A_70 = arith.constant 0 : i32
    %dma_start3A_71 = tpu.memref_slice %arg3[%add3A_64, %dma_start3A_69, %dma_start3A_70] : memref<2560x2x128xi32, #tpu.memory_space<hbm>> -> memref<1x2x128xi32, #tpu.memory_space<hbm>>
    %dma_start3A_72 = tpu.memref_squeeze %dma_start3A_71 : memref<1x2x128xi32, #tpu.memory_space<hbm>> -> memref<2x128xi32, #tpu.memory_space<hbm>>
    tpu.enqueue_dma source(%dma_start3A_72 : memref<2x128xi32, #tpu.memory_space<hbm>>) target(%arg6 : memref<2x128xi32, #tpu.memory_space<vmem>>) target_semaphore(%arg12 : memref<!tpu.dma_semaphore, #tpu.memory_space<semaphore_mem>>)
    %scan3A = arith.constant 0 : i32
    %scan3A_73 = arith.constant 0 : i32
    %scan3A_74 = arith.constant 20 : i32
    %scan3A_75 = arith.addi %scan3A_73, %scan3A_74 : i32
    %scan3A_76 = arith.constant 1 : i32
    scf.for %scan3A_167 = %scan3A_73 to %scan3A_75 step %scan3A_76  : i32 {
      %mul3A_168 = arith.constant 4 : i32
      %mul3A_169 = arith.muli %scan3A_167, %mul3A_168 : i32
      %add3A_170 = arith.constant 0 : i32
      %add3A_171 = arith.addi %mul3A_169, %add3A_170 : i32
      %lt3A = arith.constant 80 : i32
      %lt3A_172 = arith.cmpi slt, %add3A_171, %lt3A : i32
      %convert_element_type3A = arith.extui %lt3A_172 : i1 to i32
      %cond3A = arith.constant 0 : i32
      %cond3A_173 = arith.cmpi ne, %convert_element_type3A, %cond3A : i32
      scf.if %cond3A_173 {
        %ge3A = arith.constant 2 : i32
        %ge3A_201 = arith.cmpi sge, %add3A_171, %ge3A : i32
        %convert_element_type3A_202 = arith.extui %ge3A_201 : i1 to i32
        %cond3A_203 = arith.constant 0 : i32
        %cond3A_204 = arith.cmpi ne, %convert_element_type3A_202, %cond3A_203 : i32
        scf.if %cond3A_204 {
          %dma_wait3A_233 = arith.constant 1 : i32
          %dma_wait3A_234 = arith.constant 0 : i32
          %dma_wait3A_235 = tpu.memref_slice %arg5[%dma_wait3A_233, %dma_wait3A_234] : memref<2x128xi32, #tpu.memory_space<vmem>> -> memref<1x128xi32, #tpu.memory_space<vmem>>
          %dma_wait3A_236 = tpu.memref_squeeze %dma_wait3A_235 : memref<1x128xi32, #tpu.memory_space<vmem>> -> memref<128xi32, #tpu.memory_space<vmem>>
          %dma_wait3A_237 = arith.constant 0 : i32
          %dma_wait3A_238 = arith.constant 0 : i32
          %dma_wait3A_239 = tpu.memref_slice %arg11[%dma_wait3A_237, %dma_wait3A_238] : memref<10240x128xf32, #tpu.memory_space<vmem_shared>> -> memref<10240x128xf32, #tpu.memory_space<vmem_shared>>
          tpu.wait_indirect_dma semaphore(%arg14 : memref<!tpu.dma_semaphore, #tpu.memory_space<semaphore_mem>>) src(%arg9 : memref<128x128xf32, #tpu.memory_space<vmem>>) dst(%dma_wait3A_239 : memref<10240x128xf32, #tpu.memory_space<vmem_shared>>)
        } else {
        }
        %dma_wait3A_205 = arith.constant 0 : i32
        %dma_wait3A_206 = arith.constant 0 : i32
        %dma_wait3A_207 = arith.constant 0 : i32
        %dma_wait3A_208 = tpu.memref_slice %arg3[%dma_wait3A_205, %dma_wait3A_206, %dma_wait3A_207] : memref<2560x2x128xi32, #tpu.memory_space<hbm>> -> memref<1x2x128xi32, #tpu.memory_space<hbm>>
        %dma_wait3A_209 = tpu.memref_squeeze %dma_wait3A_208 : memref<1x2x128xi32, #tpu.memory_space<hbm>> -> memref<2x128xi32, #tpu.memory_space<hbm>>
        %dma_wait3A_210 = arith.constant 0 : i32
        %dma_wait3A_211 = arith.constant 0 : i32
        %dma_wait3A_212 = tpu.memref_slice %arg3[%dma_wait3A_205, %dma_wait3A_210, %dma_wait3A_211] : memref<2560x2x128xi32, #tpu.memory_space<hbm>> -> memref<1x2x128xi32, #tpu.memory_space<hbm>>
        %dma_wait3A_213 = tpu.memref_squeeze %dma_wait3A_212 : memref<1x2x128xi32, #tpu.memory_space<hbm>> -> memref<2x128xi32, #tpu.memory_space<hbm>>
        tpu.wait_dma2 semaphore(%arg12 : memref<!tpu.dma_semaphore, #tpu.memory_space<semaphore_mem>>) src(%dma_wait3A_213 : memref<2x128xi32, #tpu.memory_space<hbm>>) dst(%arg5 : memref<2x128xi32, #tpu.memory_space<vmem>>)
        %dma_start3A_214 = arith.constant 0 : i32
        %dma_start3A_215 = arith.constant 0 : i32
        %dma_start3A_216 = tpu.memref_slice %arg5[%dma_start3A_214, %dma_start3A_215] : memref<2x128xi32, #tpu.memory_space<vmem>> -> memref<1x128xi32, #tpu.memory_space<vmem>>
        %dma_start3A_217 = tpu.memref_squeeze %dma_start3A_216 : memref<1x128xi32, #tpu.memory_space<vmem>> -> memref<128xi32, #tpu.memory_space<vmem>>
        %dma_start3A_218 = arith.constant 0 : i32
        %dma_start3A_219 = arith.constant 0 : i32
        %dma_start3A_220 = tpu.memref_slice %arg2[%dma_start3A_218, %dma_start3A_219] : memref<10240x128xf32, #tpu.memory_space<hbm>> -> memref<10240x128xf32, #tpu.memory_space<hbm>>
        tpu.enqueue_indirect_dma source(%dma_start3A_220 : memref<10240x128xf32, #tpu.memory_space<hbm>>) target(%arg9 : memref<128x128xf32, #tpu.memory_space<vmem>>) offsets(%dma_start3A_217 : memref<128xi32, #tpu.memory_space<vmem>>) semaphore(%arg13 : memref<!tpu.dma_semaphore, #tpu.memory_space<semaphore_mem>>)
        %ge3A_221 = arith.constant 1 : i32
        %ge3A_222 = arith.cmpi sge, %add3A_171, %ge3A_221 : i32
        %convert_element_type3A_223 = arith.extui %ge3A_222 : i1 to i32
        %cond3A_224 = arith.constant 0 : i32
        %cond3A_225 = arith.cmpi ne, %convert_element_type3A_223, %cond3A_224 : i32
        scf.if %cond3A_225 {
          %dma_wait3A_233 = arith.constant 0 : i32
          %dma_wait3A_234 = arith.constant 0 : i32
          %dma_wait3A_235 = tpu.memref_slice %arg5[%dma_wait3A_233, %dma_wait3A_234] : memref<2x128xi32, #tpu.memory_space<vmem>> -> memref<1x128xi32, #tpu.memory_space<vmem>>
          %dma_wait3A_236 = tpu.memref_squeeze %dma_wait3A_235 : memref<1x128xi32, #tpu.memory_space<vmem>> -> memref<128xi32, #tpu.memory_space<vmem>>
          %dma_wait3A_237 = arith.constant 0 : i32
          %dma_wait3A_238 = arith.constant 0 : i32
          %dma_wait3A_239 = tpu.memref_slice %arg2[%dma_wait3A_237, %dma_wait3A_238] : memref<10240x128xf32, #tpu.memory_space<hbm>> -> memref<10240x128xf32, #tpu.memory_space<hbm>>
          tpu.wait_indirect_dma semaphore(%arg13 : memref<!tpu.dma_semaphore, #tpu.memory_space<semaphore_mem>>) src(%dma_wait3A_239 : memref<10240x128xf32, #tpu.memory_space<hbm>>) dst(%arg10 : memref<128x128xf32, #tpu.memory_space<vmem>>)
          %dma_start3A_240 = arith.constant 1 : i32
          %dma_start3A_241 = arith.constant 0 : i32
          %dma_start3A_242 = tpu.memref_slice %arg8[%dma_start3A_240, %dma_start3A_241] : memref<2x128xi32, #tpu.memory_space<vmem>> -> memref<1x128xi32, #tpu.memory_space<vmem>>
          %dma_start3A_243 = tpu.memref_squeeze %dma_start3A_242 : memref<1x128xi32, #tpu.memory_space<vmem>> -> memref<128xi32, #tpu.memory_space<vmem>>
          %dma_start3A_244 = arith.constant 0 : i32
          %dma_start3A_245 = arith.constant 0 : i32
          %dma_start3A_246 = tpu.memref_slice %arg11[%dma_start3A_244, %dma_start3A_245] : memref<10240x128xf32, #tpu.memory_space<vmem_shared>> -> memref<10240x128xf32, #tpu.memory_space<vmem_shared>>
          tpu.enqueue_indirect_dma source(%arg10 : memref<128x128xf32, #tpu.memory_space<vmem>>) target(%dma_start3A_246 : memref<10240x128xf32, #tpu.memory_space<vmem_shared>>) offsets(%dma_start3A_243 : memref<128xi32, #tpu.memory_space<vmem>>) semaphore(%arg14 : memref<!tpu.dma_semaphore, #tpu.memory_space<semaphore_mem>>) {add = true}
        } else {
        }
        %add3A_226 = arith.constant 2 : i32
        %add3A_227 = arith.addi %add3A_171, %add3A_226 : i32
        %lt3A_228 = arith.constant 80 : i32
        %lt3A_229 = arith.cmpi slt, %add3A_227, %lt3A_228 : i32
        %convert_element_type3A_230 = arith.extui %lt3A_229 : i1 to i32
        %cond3A_231 = arith.constant 0 : i32
        %cond3A_232 = arith.cmpi ne, %convert_element_type3A_230, %cond3A_231 : i32
        scf.if %cond3A_232 {
          %add3A_233 = arith.constant 2 : i32
          %add3A_234 = arith.addi %add3A_171, %add3A_233 : i32
          %mul3A_235 = arith.constant 80 : i32
          %mul3A_236 = arith.muli %add3A, %mul3A_235 : i32
          %add3A_237 = arith.addi %mul3A_236, %add3A_234 : i32
          %dma_start3A_238 = arith.constant 0 : i32
          %dma_start3A_239 = arith.constant 0 : i32
          %dma_start3A_240 = tpu.memref_slice %arg3[%add3A_237, %dma_start3A_238, %dma_start3A_239] : memref<2560x2x128xi32, #tpu.memory_space<hbm>> -> memref<1x2x128xi32, #tpu.memory_space<hbm>>
          %dma_start3A_241 = tpu.memref_squeeze %dma_start3A_240 : memref<1x2x128xi32, #tpu.memory_space<hbm>> -> memref<2x128xi32, #tpu.memory_space<hbm>>
          %dma_start3A_242 = arith.constant 0 : i32
          %dma_start3A_243 = arith.constant 0 : i32
          %dma_start3A_244 = tpu.memref_slice %arg3[%add3A_237, %dma_start3A_242, %dma_start3A_243] : memref<2560x2x128xi32, #tpu.memory_space<hbm>> -> memref<1x2x128xi32, #tpu.memory_space<hbm>>
          %dma_start3A_245 = tpu.memref_squeeze %dma_start3A_244 : memref<1x2x128xi32, #tpu.memory_space<hbm>> -> memref<2x128xi32, #tpu.memory_space<hbm>>
          tpu.enqueue_dma source(%dma_start3A_245 : memref<2x128xi32, #tpu.memory_space<hbm>>) target(%arg7 : memref<2x128xi32, #tpu.memory_space<vmem>>) target_semaphore(%arg12 : memref<!tpu.dma_semaphore, #tpu.memory_space<semaphore_mem>>)
        } else {
        }
      } else {
      }
      %mul3A_174 = arith.constant 4 : i32
      %mul3A_175 = arith.muli %scan3A_167, %mul3A_174 : i32
      %add3A_176 = arith.constant 1 : i32
      %add3A_177 = arith.addi %mul3A_175, %add3A_176 : i32
      %lt3A_178 = arith.constant 80 : i32
      %lt3A_179 = arith.cmpi slt, %add3A_177, %lt3A_178 : i32
      %convert_element_type3A_180 = arith.extui %lt3A_179 : i1 to i32
      %cond3A_181 = arith.constant 0 : i32
      %cond3A_182 = arith.cmpi ne, %convert_element_type3A_180, %cond3A_181 : i32
      scf.if %cond3A_182 {
        %ge3A = arith.constant 2 : i32
        %ge3A_201 = arith.cmpi sge, %add3A_177, %ge3A : i32
        %convert_element_type3A_202 = arith.extui %ge3A_201 : i1 to i32
        %cond3A_203 = arith.constant 0 : i32
        %cond3A_204 = arith.cmpi ne, %convert_element_type3A_202, %cond3A_203 : i32
        scf.if %cond3A_204 {
          %dma_wait3A_233 = arith.constant 1 : i32
          %dma_wait3A_234 = arith.constant 0 : i32
          %dma_wait3A_235 = tpu.memref_slice %arg5[%dma_wait3A_233, %dma_wait3A_234] : memref<2x128xi32, #tpu.memory_space<vmem>> -> memref<1x128xi32, #tpu.memory_space<vmem>>
          %dma_wait3A_236 = tpu.memref_squeeze %dma_wait3A_235 : memref<1x128xi32, #tpu.memory_space<vmem>> -> memref<128xi32, #tpu.memory_space<vmem>>
          %dma_wait3A_237 = arith.constant 0 : i32
          %dma_wait3A_238 = arith.constant 0 : i32
          %dma_wait3A_239 = tpu.memref_slice %arg11[%dma_wait3A_237, %dma_wait3A_238] : memref<10240x128xf32, #tpu.memory_space<vmem_shared>> -> memref<10240x128xf32, #tpu.memory_space<vmem_shared>>
          tpu.wait_indirect_dma semaphore(%arg14 : memref<!tpu.dma_semaphore, #tpu.memory_space<semaphore_mem>>) src(%arg9 : memref<128x128xf32, #tpu.memory_space<vmem>>) dst(%dma_wait3A_239 : memref<10240x128xf32, #tpu.memory_space<vmem_shared>>)
        } else {
        }
        %dma_wait3A_205 = arith.constant 0 : i32
        %dma_wait3A_206 = arith.constant 0 : i32
        %dma_wait3A_207 = arith.constant 0 : i32
        %dma_wait3A_208 = tpu.memref_slice %arg3[%dma_wait3A_205, %dma_wait3A_206, %dma_wait3A_207] : memref<2560x2x128xi32, #tpu.memory_space<hbm>> -> memref<1x2x128xi32, #tpu.memory_space<hbm>>
        %dma_wait3A_209 = tpu.memref_squeeze %dma_wait3A_208 : memref<1x2x128xi32, #tpu.memory_space<hbm>> -> memref<2x128xi32, #tpu.memory_space<hbm>>
        %dma_wait3A_210 = arith.constant 0 : i32
        %dma_wait3A_211 = arith.constant 0 : i32
        %dma_wait3A_212 = tpu.memref_slice %arg3[%dma_wait3A_205, %dma_wait3A_210, %dma_wait3A_211] : memref<2560x2x128xi32, #tpu.memory_space<hbm>> -> memref<1x2x128xi32, #tpu.memory_space<hbm>>
        %dma_wait3A_213 = tpu.memref_squeeze %dma_wait3A_212 : memref<1x2x128xi32, #tpu.memory_space<hbm>> -> memref<2x128xi32, #tpu.memory_space<hbm>>
        tpu.wait_dma2 semaphore(%arg12 : memref<!tpu.dma_semaphore, #tpu.memory_space<semaphore_mem>>) src(%dma_wait3A_213 : memref<2x128xi32, #tpu.memory_space<hbm>>) dst(%arg6 : memref<2x128xi32, #tpu.memory_space<vmem>>)
        %dma_start3A_214 = arith.constant 0 : i32
        %dma_start3A_215 = arith.constant 0 : i32
        %dma_start3A_216 = tpu.memref_slice %arg6[%dma_start3A_214, %dma_start3A_215] : memref<2x128xi32, #tpu.memory_space<vmem>> -> memref<1x128xi32, #tpu.memory_space<vmem>>
        %dma_start3A_217 = tpu.memref_squeeze %dma_start3A_216 : memref<1x128xi32, #tpu.memory_space<vmem>> -> memref<128xi32, #tpu.memory_space<vmem>>
        %dma_start3A_218 = arith.constant 0 : i32
        %dma_start3A_219 = arith.constant 0 : i32
        %dma_start3A_220 = tpu.memref_slice %arg2[%dma_start3A_218, %dma_start3A_219] : memref<10240x128xf32, #tpu.memory_space<hbm>> -> memref<10240x128xf32, #tpu.memory_space<hbm>>
        tpu.enqueue_indirect_dma source(%dma_start3A_220 : memref<10240x128xf32, #tpu.memory_space<hbm>>) target(%arg10 : memref<128x128xf32, #tpu.memory_space<vmem>>) offsets(%dma_start3A_217 : memref<128xi32, #tpu.memory_space<vmem>>) semaphore(%arg13 : memref<!tpu.dma_semaphore, #tpu.memory_space<semaphore_mem>>)
        %ge3A_221 = arith.constant 1 : i32
        %ge3A_222 = arith.cmpi sge, %add3A_177, %ge3A_221 : i32
        %convert_element_type3A_223 = arith.extui %ge3A_222 : i1 to i32
        %cond3A_224 = arith.constant 0 : i32
        %cond3A_225 = arith.cmpi ne, %convert_element_type3A_223, %cond3A_224 : i32
        scf.if %cond3A_225 {
          %dma_wait3A_233 = arith.constant 0 : i32
          %dma_wait3A_234 = arith.constant 0 : i32
          %dma_wait3A_235 = tpu.memref_slice %arg5[%dma_wait3A_233, %dma_wait3A_234] : memref<2x128xi32, #tpu.memory_space<vmem>> -> memref<1x128xi32, #tpu.memory_space<vmem>>
          %dma_wait3A_236 = tpu.memref_squeeze %dma_wait3A_235 : memref<1x128xi32, #tpu.memory_space<vmem>> -> memref<128xi32, #tpu.memory_space<vmem>>
          %dma_wait3A_237 = arith.constant 0 : i32
          %dma_wait3A_238 = arith.constant 0 : i32
          %dma_wait3A_239 = tpu.memref_slice %arg2[%dma_wait3A_237, %dma_wait3A_238] : memref<10240x128xf32, #tpu.memory_space<hbm>> -> memref<10240x128xf32, #tpu.memory_space<hbm>>
          tpu.wait_indirect_dma semaphore(%arg13 : memref<!tpu.dma_semaphore, #tpu.memory_space<semaphore_mem>>) src(%dma_wait3A_239 : memref<10240x128xf32, #tpu.memory_space<hbm>>) dst(%arg9 : memref<128x128xf32, #tpu.memory_space<vmem>>)
          %dma_start3A_240 = arith.constant 1 : i32
          %dma_start3A_241 = arith.constant 0 : i32
          %dma_start3A_242 = tpu.memref_slice %arg5[%dma_start3A_240, %dma_start3A_241] : memref<2x128xi32, #tpu.memory_space<vmem>> -> memref<1x128xi32, #tpu.memory_space<vmem>>
          %dma_start3A_243 = tpu.memref_squeeze %dma_start3A_242 : memref<1x128xi32, #tpu.memory_space<vmem>> -> memref<128xi32, #tpu.memory_space<vmem>>
          %dma_start3A_244 = arith.constant 0 : i32
          %dma_start3A_245 = arith.constant 0 : i32
          %dma_start3A_246 = tpu.memref_slice %arg11[%dma_start3A_244, %dma_start3A_245] : memref<10240x128xf32, #tpu.memory_space<vmem_shared>> -> memref<10240x128xf32, #tpu.memory_space<vmem_shared>>
          tpu.enqueue_indirect_dma source(%arg9 : memref<128x128xf32, #tpu.memory_space<vmem>>) target(%dma_start3A_246 : memref<10240x128xf32, #tpu.memory_space<vmem_shared>>) offsets(%dma_start3A_243 : memref<128xi32, #tpu.memory_space<vmem>>) semaphore(%arg14 : memref<!tpu.dma_semaphore, #tpu.memory_space<semaphore_mem>>) {add = true}
        } else {
        }
        %add3A_226 = arith.constant 2 : i32
        %add3A_227 = arith.addi %add3A_177, %add3A_226 : i32
        %lt3A_228 = arith.constant 80 : i32
        %lt3A_229 = arith.cmpi slt, %add3A_227, %lt3A_228 : i32
        %convert_element_type3A_230 = arith.extui %lt3A_229 : i1 to i32
        %cond3A_231 = arith.constant 0 : i32
        %cond3A_232 = arith.cmpi ne, %convert_element_type3A_230, %cond3A_231 : i32
        scf.if %cond3A_232 {
          %add3A_233 = arith.constant 2 : i32
          %add3A_234 = arith.addi %add3A_177, %add3A_233 : i32
          %mul3A_235 = arith.constant 80 : i32
          %mul3A_236 = arith.muli %add3A, %mul3A_235 : i32
          %add3A_237 = arith.addi %mul3A_236, %add3A_234 : i32
          %dma_start3A_238 = arith.constant 0 : i32
          %dma_start3A_239 = arith.constant 0 : i32
          %dma_start3A_240 = tpu.memref_slice %arg3[%add3A_237, %dma_start3A_238, %dma_start3A_239] : memref<2560x2x128xi32, #tpu.memory_space<hbm>> -> memref<1x2x128xi32, #tpu.memory_space<hbm>>
          %dma_start3A_241 = tpu.memref_squeeze %dma_start3A_240 : memref<1x2x128xi32, #tpu.memory_space<hbm>> -> memref<2x128xi32, #tpu.memory_space<hbm>>
          %dma_start3A_242 = arith.constant 0 : i32
          %dma_start3A_243 = arith.constant 0 : i32
          %dma_start3A_244 = tpu.memref_slice %arg3[%add3A_237, %dma_start3A_242, %dma_start3A_243] : memref<2560x2x128xi32, #tpu.memory_space<hbm>> -> memref<1x2x128xi32, #tpu.memory_space<hbm>>
          %dma_start3A_245 = tpu.memref_squeeze %dma_start3A_244 : memref<1x2x128xi32, #tpu.memory_space<hbm>> -> memref<2x128xi32, #tpu.memory_space<hbm>>
          tpu.enqueue_dma source(%dma_start3A_245 : memref<2x128xi32, #tpu.memory_space<hbm>>) target(%arg8 : memref<2x128xi32, #tpu.memory_space<vmem>>) target_semaphore(%arg12 : memref<!tpu.dma_semaphore, #tpu.memory_space<semaphore_mem>>)
        } else {
        }
      } else {
      }
      %mul3A_183 = arith.constant 4 : i32
      %mul3A_184 = arith.muli %scan3A_167, %mul3A_183 : i32
      %add3A_185 = arith.constant 2 : i32
      %add3A_186 = arith.addi %mul3A_184, %add3A_185 : i32
      %lt3A_187 = arith.constant 80 : i32
      %lt3A_188 = arith.cmpi slt, %add3A_186, %lt3A_187 : i32
      %convert_element_type3A_189 = arith.extui %lt3A_188 : i1 to i32
      %cond3A_190 = arith.constant 0 : i32
      %cond3A_191 = arith.cmpi ne, %convert_element_type3A_189, %cond3A_190 : i32
      scf.if %cond3A_191 {
        %ge3A = arith.constant 2 : i32
        %ge3A_201 = arith.cmpi sge, %add3A_186, %ge3A : i32
        %convert_element_type3A_202 = arith.extui %ge3A_201 : i1 to i32
        %cond3A_203 = arith.constant 0 : i32
        %cond3A_204 = arith.cmpi ne, %convert_element_type3A_202, %cond3A_203 : i32
        scf.if %cond3A_204 {
          %dma_wait3A_233 = arith.constant 1 : i32
          %dma_wait3A_234 = arith.constant 0 : i32
          %dma_wait3A_235 = tpu.memref_slice %arg5[%dma_wait3A_233, %dma_wait3A_234] : memref<2x128xi32, #tpu.memory_space<vmem>> -> memref<1x128xi32, #tpu.memory_space<vmem>>
          %dma_wait3A_236 = tpu.memref_squeeze %dma_wait3A_235 : memref<1x128xi32, #tpu.memory_space<vmem>> -> memref<128xi32, #tpu.memory_space<vmem>>
          %dma_wait3A_237 = arith.constant 0 : i32
          %dma_wait3A_238 = arith.constant 0 : i32
          %dma_wait3A_239 = tpu.memref_slice %arg11[%dma_wait3A_237, %dma_wait3A_238] : memref<10240x128xf32, #tpu.memory_space<vmem_shared>> -> memref<10240x128xf32, #tpu.memory_space<vmem_shared>>
          tpu.wait_indirect_dma semaphore(%arg14 : memref<!tpu.dma_semaphore, #tpu.memory_space<semaphore_mem>>) src(%arg9 : memref<128x128xf32, #tpu.memory_space<vmem>>) dst(%dma_wait3A_239 : memref<10240x128xf32, #tpu.memory_space<vmem_shared>>)
        } else {
        }
        %dma_wait3A_205 = arith.constant 0 : i32
        %dma_wait3A_206 = arith.constant 0 : i32
        %dma_wait3A_207 = arith.constant 0 : i32
        %dma_wait3A_208 = tpu.memref_slice %arg3[%dma_wait3A_205, %dma_wait3A_206, %dma_wait3A_207] : memref<2560x2x128xi32, #tpu.memory_space<hbm>> -> memref<1x2x128xi32, #tpu.memory_space<hbm>>
        %dma_wait3A_209 = tpu.memref_squeeze %dma_wait3A_208 : memref<1x2x128xi32, #tpu.memory_space<hbm>> -> memref<2x128xi32, #tpu.memory_space<hbm>>
        %dma_wait3A_210 = arith.constant 0 : i32
        %dma_wait3A_211 = arith.constant 0 : i32
        %dma_wait3A_212 = tpu.memref_slice %arg3[%dma_wait3A_205, %dma_wait3A_210, %dma_wait3A_211] : memref<2560x2x128xi32, #tpu.memory_space<hbm>> -> memref<1x2x128xi32, #tpu.memory_space<hbm>>
        %dma_wait3A_213 = tpu.memref_squeeze %dma_wait3A_212 : memref<1x2x128xi32, #tpu.memory_space<hbm>> -> memref<2x128xi32, #tpu.memory_space<hbm>>
        tpu.wait_dma2 semaphore(%arg12 : memref<!tpu.dma_semaphore, #tpu.memory_space<semaphore_mem>>) src(%dma_wait3A_213 : memref<2x128xi32, #tpu.memory_space<hbm>>) dst(%arg7 : memref<2x128xi32, #tpu.memory_space<vmem>>)
        %dma_start3A_214 = arith.constant 0 : i32
        %dma_start3A_215 = arith.constant 0 : i32
        %dma_start3A_216 = tpu.memref_slice %arg7[%dma_start3A_214, %dma_start3A_215] : memref<2x128xi32, #tpu.memory_space<vmem>> -> memref<1x128xi32, #tpu.memory_space<vmem>>
        %dma_start3A_217 = tpu.memref_squeeze %dma_start3A_216 : memref<1x128xi32, #tpu.memory_space<vmem>> -> memref<128xi32, #tpu.memory_space<vmem>>
        %dma_start3A_218 = arith.constant 0 : i32
        %dma_start3A_219 = arith.constant 0 : i32
        %dma_start3A_220 = tpu.memref_slice %arg2[%dma_start3A_218, %dma_start3A_219] : memref<10240x128xf32, #tpu.memory_space<hbm>> -> memref<10240x128xf32, #tpu.memory_space<hbm>>
        tpu.enqueue_indirect_dma source(%dma_start3A_220 : memref<10240x128xf32, #tpu.memory_space<hbm>>) target(%arg9 : memref<128x128xf32, #tpu.memory_space<vmem>>) offsets(%dma_start3A_217 : memref<128xi32, #tpu.memory_space<vmem>>) semaphore(%arg13 : memref<!tpu.dma_semaphore, #tpu.memory_space<semaphore_mem>>)
        %ge3A_221 = arith.constant 1 : i32
        %ge3A_222 = arith.cmpi sge, %add3A_186, %ge3A_221 : i32
        %convert_element_type3A_223 = arith.extui %ge3A_222 : i1 to i32
        %cond3A_224 = arith.constant 0 : i32
        %cond3A_225 = arith.cmpi ne, %convert_element_type3A_223, %cond3A_224 : i32
        scf.if %cond3A_225 {
          %dma_wait3A_233 = arith.constant 0 : i32
          %dma_wait3A_234 = arith.constant 0 : i32
          %dma_wait3A_235 = tpu.memref_slice %arg5[%dma_wait3A_233, %dma_wait3A_234] : memref<2x128xi32, #tpu.memory_space<vmem>> -> memref<1x128xi32, #tpu.memory_space<vmem>>
          %dma_wait3A_236 = tpu.memref_squeeze %dma_wait3A_235 : memref<1x128xi32, #tpu.memory_space<vmem>> -> memref<128xi32, #tpu.memory_space<vmem>>
          %dma_wait3A_237 = arith.constant 0 : i32
          %dma_wait3A_238 = arith.constant 0 : i32
          %dma_wait3A_239 = tpu.memref_slice %arg2[%dma_wait3A_237, %dma_wait3A_238] : memref<10240x128xf32, #tpu.memory_space<hbm>> -> memref<10240x128xf32, #tpu.memory_space<hbm>>
          tpu.wait_indirect_dma semaphore(%arg13 : memref<!tpu.dma_semaphore, #tpu.memory_space<semaphore_mem>>) src(%dma_wait3A_239 : memref<10240x128xf32, #tpu.memory_space<hbm>>) dst(%arg10 : memref<128x128xf32, #tpu.memory_space<vmem>>)
          %dma_start3A_240 = arith.constant 1 : i32
          %dma_start3A_241 = arith.constant 0 : i32
          %dma_start3A_242 = tpu.memref_slice %arg6[%dma_start3A_240, %dma_start3A_241] : memref<2x128xi32, #tpu.memory_space<vmem>> -> memref<1x128xi32, #tpu.memory_space<vmem>>
          %dma_start3A_243 = tpu.memref_squeeze %dma_start3A_242 : memref<1x128xi32, #tpu.memory_space<vmem>> -> memref<128xi32, #tpu.memory_space<vmem>>
          %dma_start3A_244 = arith.constant 0 : i32
          %dma_start3A_245 = arith.constant 0 : i32
          %dma_start3A_246 = tpu.memref_slice %arg11[%dma_start3A_244, %dma_start3A_245] : memref<10240x128xf32, #tpu.memory_space<vmem_shared>> -> memref<10240x128xf32, #tpu.memory_space<vmem_shared>>
          tpu.enqueue_indirect_dma source(%arg10 : memref<128x128xf32, #tpu.memory_space<vmem>>) target(%dma_start3A_246 : memref<10240x128xf32, #tpu.memory_space<vmem_shared>>) offsets(%dma_start3A_243 : memref<128xi32, #tpu.memory_space<vmem>>) semaphore(%arg14 : memref<!tpu.dma_semaphore, #tpu.memory_space<semaphore_mem>>) {add = true}
        } else {
        }
        %add3A_226 = arith.constant 2 : i32
        %add3A_227 = arith.addi %add3A_186, %add3A_226 : i32
        %lt3A_228 = arith.constant 80 : i32
        %lt3A_229 = arith.cmpi slt, %add3A_227, %lt3A_228 : i32
        %convert_element_type3A_230 = arith.extui %lt3A_229 : i1 to i32
        %cond3A_231 = arith.constant 0 : i32
        %cond3A_232 = arith.cmpi ne, %convert_element_type3A_230, %cond3A_231 : i32
        scf.if %cond3A_232 {
          %add3A_233 = arith.constant 2 : i32
          %add3A_234 = arith.addi %add3A_186, %add3A_233 : i32
          %mul3A_235 = arith.constant 80 : i32
          %mul3A_236 = arith.muli %add3A, %mul3A_235 : i32
          %add3A_237 = arith.addi %mul3A_236, %add3A_234 : i32
          %dma_start3A_238 = arith.constant 0 : i32
          %dma_start3A_239 = arith.constant 0 : i32
          %dma_start3A_240 = tpu.memref_slice %arg3[%add3A_237, %dma_start3A_238, %dma_start3A_239] : memref<2560x2x128xi32, #tpu.memory_space<hbm>> -> memref<1x2x128xi32, #tpu.memory_space<hbm>>
          %dma_start3A_241 = tpu.memref_squeeze %dma_start3A_240 : memref<1x2x128xi32, #tpu.memory_space<hbm>> -> memref<2x128xi32, #tpu.memory_space<hbm>>
          %dma_start3A_242 = arith.constant 0 : i32
          %dma_start3A_243 = arith.constant 0 : i32
          %dma_start3A_244 = tpu.memref_slice %arg3[%add3A_237, %dma_start3A_242, %dma_start3A_243] : memref<2560x2x128xi32, #tpu.memory_space<hbm>> -> memref<1x2x128xi32, #tpu.memory_space<hbm>>
          %dma_start3A_245 = tpu.memref_squeeze %dma_start3A_244 : memref<1x2x128xi32, #tpu.memory_space<hbm>> -> memref<2x128xi32, #tpu.memory_space<hbm>>
          tpu.enqueue_dma source(%dma_start3A_245 : memref<2x128xi32, #tpu.memory_space<hbm>>) target(%arg5 : memref<2x128xi32, #tpu.memory_space<vmem>>) target_semaphore(%arg12 : memref<!tpu.dma_semaphore, #tpu.memory_space<semaphore_mem>>)
        } else {
        }
      } else {
      }
      %mul3A_192 = arith.constant 4 : i32
      %mul3A_193 = arith.muli %scan3A_167, %mul3A_192 : i32
      %add3A_194 = arith.constant 3 : i32
      %add3A_195 = arith.addi %mul3A_193, %add3A_194 : i32
      %lt3A_196 = arith.constant 80 : i32
      %lt3A_197 = arith.cmpi slt, %add3A_195, %lt3A_196 : i32
      %convert_element_type3A_198 = arith.extui %lt3A_197 : i1 to i32
      %cond3A_199 = arith.constant 0 : i32
      %cond3A_200 = arith.cmpi ne, %convert_element_type3A_198, %cond3A_199 : i32
      scf.if %cond3A_200 {
        %ge3A = arith.constant 2 : i32
        %ge3A_201 = arith.cmpi sge, %add3A_195, %ge3A : i32
        %convert_element_type3A_202 = arith.extui %ge3A_201 : i1 to i32
        %cond3A_203 = arith.constant 0 : i32
        %cond3A_204 = arith.cmpi ne, %convert_element_type3A_202, %cond3A_203 : i32
        scf.if %cond3A_204 {
          %dma_wait3A_233 = arith.constant 1 : i32
          %dma_wait3A_234 = arith.constant 0 : i32
          %dma_wait3A_235 = tpu.memref_slice %arg5[%dma_wait3A_233, %dma_wait3A_234] : memref<2x128xi32, #tpu.memory_space<vmem>> -> memref<1x128xi32, #tpu.memory_space<vmem>>
          %dma_wait3A_236 = tpu.memref_squeeze %dma_wait3A_235 : memref<1x128xi32, #tpu.memory_space<vmem>> -> memref<128xi32, #tpu.memory_space<vmem>>
          %dma_wait3A_237 = arith.constant 0 : i32
          %dma_wait3A_238 = arith.constant 0 : i32
          %dma_wait3A_239 = tpu.memref_slice %arg11[%dma_wait3A_237, %dma_wait3A_238] : memref<10240x128xf32, #tpu.memory_space<vmem_shared>> -> memref<10240x128xf32, #tpu.memory_space<vmem_shared>>
          tpu.wait_indirect_dma semaphore(%arg14 : memref<!tpu.dma_semaphore, #tpu.memory_space<semaphore_mem>>) src(%arg9 : memref<128x128xf32, #tpu.memory_space<vmem>>) dst(%dma_wait3A_239 : memref<10240x128xf32, #tpu.memory_space<vmem_shared>>)
        } else {
        }
        %dma_wait3A_205 = arith.constant 0 : i32
        %dma_wait3A_206 = arith.constant 0 : i32
        %dma_wait3A_207 = arith.constant 0 : i32
        %dma_wait3A_208 = tpu.memref_slice %arg3[%dma_wait3A_205, %dma_wait3A_206, %dma_wait3A_207] : memref<2560x2x128xi32, #tpu.memory_space<hbm>> -> memref<1x2x128xi32, #tpu.memory_space<hbm>>
        %dma_wait3A_209 = tpu.memref_squeeze %dma_wait3A_208 : memref<1x2x128xi32, #tpu.memory_space<hbm>> -> memref<2x128xi32, #tpu.memory_space<hbm>>
        %dma_wait3A_210 = arith.constant 0 : i32
        %dma_wait3A_211 = arith.constant 0 : i32
        %dma_wait3A_212 = tpu.memref_slice %arg3[%dma_wait3A_205, %dma_wait3A_210, %dma_wait3A_211] : memref<2560x2x128xi32, #tpu.memory_space<hbm>> -> memref<1x2x128xi32, #tpu.memory_space<hbm>>
        %dma_wait3A_213 = tpu.memref_squeeze %dma_wait3A_212 : memref<1x2x128xi32, #tpu.memory_space<hbm>> -> memref<2x128xi32, #tpu.memory_space<hbm>>
        tpu.wait_dma2 semaphore(%arg12 : memref<!tpu.dma_semaphore, #tpu.memory_space<semaphore_mem>>) src(%dma_wait3A_213 : memref<2x128xi32, #tpu.memory_space<hbm>>) dst(%arg8 : memref<2x128xi32, #tpu.memory_space<vmem>>)
        %dma_start3A_214 = arith.constant 0 : i32
        %dma_start3A_215 = arith.constant 0 : i32
        %dma_start3A_216 = tpu.memref_slice %arg8[%dma_start3A_214, %dma_start3A_215] : memref<2x128xi32, #tpu.memory_space<vmem>> -> memref<1x128xi32, #tpu.memory_space<vmem>>
        %dma_start3A_217 = tpu.memref_squeeze %dma_start3A_216 : memref<1x128xi32, #tpu.memory_space<vmem>> -> memref<128xi32, #tpu.memory_space<vmem>>
        %dma_start3A_218 = arith.constant 0 : i32
        %dma_start3A_219 = arith.constant 0 : i32
        %dma_start3A_220 = tpu.memref_slice %arg2[%dma_start3A_218, %dma_start3A_219] : memref<10240x128xf32, #tpu.memory_space<hbm>> -> memref<10240x128xf32, #tpu.memory_space<hbm>>
        tpu.enqueue_indirect_dma source(%dma_start3A_220 : memref<10240x128xf32, #tpu.memory_space<hbm>>) target(%arg10 : memref<128x128xf32, #tpu.memory_space<vmem>>) offsets(%dma_start3A_217 : memref<128xi32, #tpu.memory_space<vmem>>) semaphore(%arg13 : memref<!tpu.dma_semaphore, #tpu.memory_space<semaphore_mem>>)
        %ge3A_221 = arith.constant 1 : i32
        %ge3A_222 = arith.cmpi sge, %add3A_195, %ge3A_221 : i32
        %convert_element_type3A_223 = arith.extui %ge3A_222 : i1 to i32
        %cond3A_224 = arith.constant 0 : i32
        %cond3A_225 = arith.cmpi ne, %convert_element_type3A_223, %cond3A_224 : i32
        scf.if %cond3A_225 {
          %dma_wait3A_233 = arith.constant 0 : i32
          %dma_wait3A_234 = arith.constant 0 : i32
          %dma_wait3A_235 = tpu.memref_slice %arg5[%dma_wait3A_233, %dma_wait3A_234] : memref<2x128xi32, #tpu.memory_space<vmem>> -> memref<1x128xi32, #tpu.memory_space<vmem>>
          %dma_wait3A_236 = tpu.memref_squeeze %dma_wait3A_235 : memref<1x128xi32, #tpu.memory_space<vmem>> -> memref<128xi32, #tpu.memory_space<vmem>>
          %dma_wait3A_237 = arith.constant 0 : i32
          %dma_wait3A_238 = arith.constant 0 : i32
          %dma_wait3A_239 = tpu.memref_slice %arg2[%dma_wait3A_237, %dma_wait3A_238] : memref<10240x128xf32, #tpu.memory_space<hbm>> -> memref<10240x128xf32, #tpu.memory_space<hbm>>
          tpu.wait_indirect_dma semaphore(%arg13 : memref<!tpu.dma_semaphore, #tpu.memory_space<semaphore_mem>>) src(%dma_wait3A_239 : memref<10240x128xf32, #tpu.memory_space<hbm>>) dst(%arg9 : memref<128x128xf32, #tpu.memory_space<vmem>>)
          %dma_start3A_240 = arith.constant 1 : i32
          %dma_start3A_241 = arith.constant 0 : i32
          %dma_start3A_242 = tpu.memref_slice %arg7[%dma_start3A_240, %dma_start3A_241] : memref<2x128xi32, #tpu.memory_space<vmem>> -> memref<1x128xi32, #tpu.memory_space<vmem>>
          %dma_start3A_243 = tpu.memref_squeeze %dma_start3A_242 : memref<1x128xi32, #tpu.memory_space<vmem>> -> memref<128xi32, #tpu.memory_space<vmem>>
          %dma_start3A_244 = arith.constant 0 : i32
          %dma_start3A_245 = arith.constant 0 : i32
          %dma_start3A_246 = tpu.memref_slice %arg11[%dma_start3A_244, %dma_start3A_245] : memref<10240x128xf32, #tpu.memory_space<vmem_shared>> -> memref<10240x128xf32, #tpu.memory_space<vmem_shared>>
          tpu.enqueue_indirect_dma source(%arg9 : memref<128x128xf32, #tpu.memory_space<vmem>>) target(%dma_start3A_246 : memref<10240x128xf32, #tpu.memory_space<vmem_shared>>) offsets(%dma_start3A_243 : memref<128xi32, #tpu.memory_space<vmem>>) semaphore(%arg14 : memref<!tpu.dma_semaphore, #tpu.memory_space<semaphore_mem>>) {add = true}
        } else {
        }
        %add3A_226 = arith.constant 2 : i32
        %add3A_227 = arith.addi %add3A_195, %add3A_226 : i32
        %lt3A_228 = arith.constant 80 : i32
        %lt3A_229 = arith.cmpi slt, %add3A_227, %lt3A_228 : i32
        %convert_element_type3A_230 = arith.extui %lt3A_229 : i1 to i32
        %cond3A_231 = arith.constant 0 : i32
        %cond3A_232 = arith.cmpi ne, %convert_element_type3A_230, %cond3A_231 : i32
        scf.if %cond3A_232 {
          %add3A_233 = arith.constant 2 : i32
          %add3A_234 = arith.addi %add3A_195, %add3A_233 : i32
          %mul3A_235 = arith.constant 80 : i32
          %mul3A_236 = arith.muli %add3A, %mul3A_235 : i32
          %add3A_237 = arith.addi %mul3A_236, %add3A_234 : i32
          %dma_start3A_238 = arith.constant 0 : i32
          %dma_start3A_239 = arith.constant 0 : i32
          %dma_start3A_240 = tpu.memref_slice %arg3[%add3A_237, %dma_start3A_238, %dma_start3A_239] : memref<2560x2x128xi32, #tpu.memory_space<hbm>> -> memref<1x2x128xi32, #tpu.memory_space<hbm>>
          %dma_start3A_241 = tpu.memref_squeeze %dma_start3A_240 : memref<1x2x128xi32, #tpu.memory_space<hbm>> -> memref<2x128xi32, #tpu.memory_space<hbm>>
          %dma_start3A_242 = arith.constant 0 : i32
          %dma_start3A_243 = arith.constant 0 : i32
          %dma_start3A_244 = tpu.memref_slice %arg3[%add3A_237, %dma_start3A_242, %dma_start3A_243] : memref<2560x2x128xi32, #tpu.memory_space<hbm>> -> memref<1x2x128xi32, #tpu.memory_space<hbm>>
          %dma_start3A_245 = tpu.memref_squeeze %dma_start3A_244 : memref<1x2x128xi32, #tpu.memory_space<hbm>> -> memref<2x128xi32, #tpu.memory_space<hbm>>
          tpu.enqueue_dma source(%dma_start3A_245 : memref<2x128xi32, #tpu.memory_space<hbm>>) target(%arg6 : memref<2x128xi32, #tpu.memory_space<vmem>>) target_semaphore(%arg12 : memref<!tpu.dma_semaphore, #tpu.memory_space<semaphore_mem>>)
        } else {
        }
      } else {
      }
    }
    %scan3A_77 = arith.constant 20 : i32
    %dma_wait3A_78 = arith.constant 1 : i32
    %dma_wait3A_79 = arith.constant 0 : i32
    %dma_wait3A_80 = tpu.memref_slice %arg5[%dma_wait3A_78, %dma_wait3A_79] : memref<2x128xi32, #tpu.memory_space<vmem>> -> memref<1x128xi32, #tpu.memory_space<vmem>>
    %dma_wait3A_81 = tpu.memref_squeeze %dma_wait3A_80 : memref<1x128xi32, #tpu.memory_space<vmem>> -> memref<128xi32, #tpu.memory_space<vmem>>
    %dma_wait3A_82 = arith.constant 0 : i32
    %dma_wait3A_83 = arith.constant 0 : i32
    %dma_wait3A_84 = tpu.memref_slice %arg11[%dma_wait3A_82, %dma_wait3A_83] : memref<10240x128xf32, #tpu.memory_space<vmem_shared>> -> memref<10240x128xf32, #tpu.memory_space<vmem_shared>>
    tpu.wait_indirect_dma semaphore(%arg14 : memref<!tpu.dma_semaphore, #tpu.memory_space<semaphore_mem>>) src(%arg9 : memref<128x128xf32, #tpu.memory_space<vmem>>) dst(%dma_wait3A_84 : memref<10240x128xf32, #tpu.memory_space<vmem_shared>>)
    %dma_wait3A_85 = arith.constant 0 : i32
    %dma_wait3A_86 = arith.constant 0 : i32
    %dma_wait3A_87 = tpu.memref_slice %arg5[%dma_wait3A_85, %dma_wait3A_86] : memref<2x128xi32, #tpu.memory_space<vmem>> -> memref<1x128xi32, #tpu.memory_space<vmem>>
    %dma_wait3A_88 = tpu.memref_squeeze %dma_wait3A_87 : memref<1x128xi32, #tpu.memory_space<vmem>> -> memref<128xi32, #tpu.memory_space<vmem>>
    %dma_wait3A_89 = arith.constant 0 : i32
    %dma_wait3A_90 = arith.constant 0 : i32
    %dma_wait3A_91 = tpu.memref_slice %arg2[%dma_wait3A_89, %dma_wait3A_90] : memref<10240x128xf32, #tpu.memory_space<hbm>> -> memref<10240x128xf32, #tpu.memory_space<hbm>>
    tpu.wait_indirect_dma semaphore(%arg13 : memref<!tpu.dma_semaphore, #tpu.memory_space<semaphore_mem>>) src(%dma_wait3A_91 : memref<10240x128xf32, #tpu.memory_space<hbm>>) dst(%arg10 : memref<128x128xf32, #tpu.memory_space<vmem>>)
    %dma_start3A_92 = arith.constant 1 : i32
    %dma_start3A_93 = arith.constant 0 : i32
    %dma_start3A_94 = tpu.memref_slice %arg8[%dma_start3A_92, %dma_start3A_93] : memref<2x128xi32, #tpu.memory_space<vmem>> -> memref<1x128xi32, #tpu.memory_space<vmem>>
    %dma_start3A_95 = tpu.memref_squeeze %dma_start3A_94 : memref<1x128xi32, #tpu.memory_space<vmem>> -> memref<128xi32, #tpu.memory_space<vmem>>
    %dma_start3A_96 = arith.constant 0 : i32
    %dma_start3A_97 = arith.constant 0 : i32
    %dma_start3A_98 = tpu.memref_slice %arg11[%dma_start3A_96, %dma_start3A_97] : memref<10240x128xf32, #tpu.memory_space<vmem_shared>> -> memref<10240x128xf32, #tpu.memory_space<vmem_shared>>
    tpu.enqueue_indirect_dma source(%arg10 : memref<128x128xf32, #tpu.memory_space<vmem>>) target(%dma_start3A_98 : memref<10240x128xf32, #tpu.memory_space<vmem_shared>>) offsets(%dma_start3A_95 : memref<128xi32, #tpu.memory_space<vmem>>) semaphore(%arg14 : memref<!tpu.dma_semaphore, #tpu.memory_space<semaphore_mem>>) {add = true}
    %dma_wait3A_99 = arith.constant 1 : i32
    %dma_wait3A_100 = arith.constant 0 : i32
    %dma_wait3A_101 = tpu.memref_slice %arg5[%dma_wait3A_99, %dma_wait3A_100] : memref<2x128xi32, #tpu.memory_space<vmem>> -> memref<1x128xi32, #tpu.memory_space<vmem>>
    %dma_wait3A_102 = tpu.memref_squeeze %dma_wait3A_101 : memref<1x128xi32, #tpu.memory_space<vmem>> -> memref<128xi32, #tpu.memory_space<vmem>>
    %dma_wait3A_103 = arith.constant 0 : i32
    %dma_wait3A_104 = arith.constant 0 : i32
    %dma_wait3A_105 = tpu.memref_slice %arg11[%dma_wait3A_103, %dma_wait3A_104] : memref<10240x128xf32, #tpu.memory_space<vmem_shared>> -> memref<10240x128xf32, #tpu.memory_space<vmem_shared>>
    tpu.wait_indirect_dma semaphore(%arg14 : memref<!tpu.dma_semaphore, #tpu.memory_space<semaphore_mem>>) src(%arg9 : memref<128x128xf32, #tpu.memory_space<vmem>>) dst(%dma_wait3A_105 : memref<10240x128xf32, #tpu.memory_space<vmem_shared>>)
    %barrier3A_106 = arith.constant 0 : index
    tpu.barrier barrier_id(%barrier3A_106)
    %add3A_107 = arith.constant 0 : i32
    %add3A_108 = arith.addi %mul3A_2, %add3A_107 : i32
    %mul3A_109 = arith.constant 10240 : i32
    %mul3A_110 = arith.muli %arg0, %mul3A_109 : i32
    %add3A_111 = arith.addi %mul3A_110, %mul3A_2 : i32
    %add3A_112 = arith.constant 0 : i32
    %add3A_113 = arith.addi %add3A_111, %add3A_112 : i32
    %dma_start3A_114 = arith.constant 0 : i32
    %dma_start3A_115 = tpu.memref_slice %arg4[%add3A_113, %dma_start3A_114] : memref<20480x128xf32, #tpu.memory_space<hbm>> -> memref<160x128xf32, #tpu.memory_space<hbm>>
    %dma_start3A_116 = arith.constant 0 : i32
    %dma_start3A_117 = tpu.memref_slice %arg11[%add3A_108, %dma_start3A_116] : memref<10240x128xf32, #tpu.memory_space<vmem_shared>> -> memref<160x128xf32, #tpu.memory_space<vmem_shared>>
    tpu.enqueue_dma source(%dma_start3A_117 : memref<160x128xf32, #tpu.memory_space<vmem_shared>>) target(%dma_start3A_115 : memref<160x128xf32, #tpu.memory_space<hbm>>) target_semaphore(%arg14 : memref<!tpu.dma_semaphore, #tpu.memory_space<semaphore_mem>>)
    %add3A_118 = arith.constant 160 : i32
    %add3A_119 = arith.addi %mul3A_2, %add3A_118 : i32
    %mul3A_120 = arith.constant 10240 : i32
    %mul3A_121 = arith.muli %arg0, %mul3A_120 : i32
    %add3A_122 = arith.addi %mul3A_121, %mul3A_2 : i32
    %add3A_123 = arith.constant 160 : i32
    %add3A_124 = arith.addi %add3A_122, %add3A_123 : i32
    %dma_start3A_125 = arith.constant 0 : i32
    %dma_start3A_126 = tpu.memref_slice %arg4[%add3A_124, %dma_start3A_125] : memref<20480x128xf32, #tpu.memory_space<hbm>> -> memref<160x128xf32, #tpu.memory_space<hbm>>
    %dma_start3A_127 = arith.constant 0 : i32
    %dma_start3A_128 = tpu.memref_slice %arg11[%add3A_119, %dma_start3A_127] : memref<10240x128xf32, #tpu.memory_space<vmem_shared>> -> memref<160x128xf32, #tpu.memory_space<vmem_shared>>
    tpu.enqueue_dma source(%dma_start3A_128 : memref<160x128xf32, #tpu.memory_space<vmem_shared>>) target(%dma_start3A_126 : memref<160x128xf32, #tpu.memory_space<hbm>>) target_semaphore(%arg14 : memref<!tpu.dma_semaphore, #tpu.memory_space<semaphore_mem>>)
    %add3A_129 = arith.constant 320 : i32
    %add3A_130 = arith.addi %mul3A_2, %add3A_129 : i32
    %mul3A_131 = arith.constant 10240 : i32
    %mul3A_132 = arith.muli %arg0, %mul3A_131 : i32
    %add3A_133 = arith.addi %mul3A_132, %mul3A_2 : i32
    %add3A_134 = arith.constant 320 : i32
    %add3A_135 = arith.addi %add3A_133, %add3A_134 : i32
    %dma_start3A_136 = arith.constant 0 : i32
    %dma_start3A_137 = tpu.memref_slice %arg4[%add3A_135, %dma_start3A_136] : memref<20480x128xf32, #tpu.memory_space<hbm>> -> memref<160x128xf32, #tpu.memory_space<hbm>>
    %dma_start3A_138 = arith.constant 0 : i32
    %dma_start3A_139 = tpu.memref_slice %arg11[%add3A_130, %dma_start3A_138] : memref<10240x128xf32, #tpu.memory_space<vmem_shared>> -> memref<160x128xf32, #tpu.memory_space<vmem_shared>>
    tpu.enqueue_dma source(%dma_start3A_139 : memref<160x128xf32, #tpu.memory_space<vmem_shared>>) target(%dma_start3A_137 : memref<160x128xf32, #tpu.memory_space<hbm>>) target_semaphore(%arg14 : memref<!tpu.dma_semaphore, #tpu.memory_space<semaphore_mem>>)
    %add3A_140 = arith.constant 480 : i32
    %add3A_141 = arith.addi %mul3A_2, %add3A_140 : i32
    %mul3A_142 = arith.constant 10240 : i32
    %mul3A_143 = arith.muli %arg0, %mul3A_142 : i32
    %add3A_144 = arith.addi %mul3A_143, %mul3A_2 : i32
    %add3A_145 = arith.constant 480 : i32
    %add3A_146 = arith.addi %add3A_144, %add3A_145 : i32
    %dma_start3A_147 = arith.constant 0 : i32
    %dma_start3A_148 = tpu.memref_slice %arg4[%add3A_146, %dma_start3A_147] : memref<20480x128xf32, #tpu.memory_space<hbm>> -> memref<160x128xf32, #tpu.memory_space<hbm>>
    %dma_start3A_149 = arith.constant 0 : i32
    %dma_start3A_150 = tpu.memref_slice %arg11[%add3A_141, %dma_start3A_149] : memref<10240x128xf32, #tpu.memory_space<vmem_shared>> -> memref<160x128xf32, #tpu.memory_space<vmem_shared>>
    tpu.enqueue_dma source(%dma_start3A_150 : memref<160x128xf32, #tpu.memory_space<vmem_shared>>) target(%dma_start3A_148 : memref<160x128xf32, #tpu.memory_space<hbm>>) target_semaphore(%arg14 : memref<!tpu.dma_semaphore, #tpu.memory_space<semaphore_mem>>)
    %dma_wait3A_151 = arith.constant 0 : i32
    %dma_wait3A_152 = tpu.memref_slice %arg4[%add3A_113, %dma_wait3A_151] : memref<20480x128xf32, #tpu.memory_space<hbm>> -> memref<160x128xf32, #tpu.memory_space<hbm>>
    %dma_wait3A_153 = arith.constant 0 : i32
    %dma_wait3A_154 = tpu.memref_slice %arg11[%add3A_108, %dma_wait3A_153] : memref<10240x128xf32, #tpu.memory_space<vmem_shared>> -> memref<160x128xf32, #tpu.memory_space<vmem_shared>>
    tpu.wait_dma2 semaphore(%arg14 : memref<!tpu.dma_semaphore, #tpu.memory_space<semaphore_mem>>) src(%dma_wait3A_154 : memref<160x128xf32, #tpu.memory_space<vmem_shared>>) dst(%dma_wait3A_152 : memref<160x128xf32, #tpu.memory_space<hbm>>)
    %dma_wait3A_155 = arith.constant 0 : i32
    %dma_wait3A_156 = tpu.memref_slice %arg4[%add3A_124, %dma_wait3A_155] : memref<20480x128xf32, #tpu.memory_space<hbm>> -> memref<160x128xf32, #tpu.memory_space<hbm>>
    %dma_wait3A_157 = arith.constant 0 : i32
    %dma_wait3A_158 = tpu.memref_slice %arg11[%add3A_119, %dma_wait3A_157] : memref<10240x128xf32, #tpu.memory_space<vmem_shared>> -> memref<160x128xf32, #tpu.memory_space<vmem_shared>>
    tpu.wait_dma2 semaphore(%arg14 : memref<!tpu.dma_semaphore, #tpu.memory_space<semaphore_mem>>) src(%dma_wait3A_158 : memref<160x128xf32, #tpu.memory_space<vmem_shared>>) dst(%dma_wait3A_156 : memref<160x128xf32, #tpu.memory_space<hbm>>)
    %dma_wait3A_159 = arith.constant 0 : i32
    %dma_wait3A_160 = tpu.memref_slice %arg4[%add3A_135, %dma_wait3A_159] : memref<20480x128xf32, #tpu.memory_space<hbm>> -> memref<160x128xf32, #tpu.memory_space<hbm>>
    %dma_wait3A_161 = arith.constant 0 : i32
    %dma_wait3A_162 = tpu.memref_slice %arg11[%add3A_130, %dma_wait3A_161] : memref<10240x128xf32, #tpu.memory_space<vmem_shared>> -> memref<160x128xf32, #tpu.memory_space<vmem_shared>>
    tpu.wait_dma2 semaphore(%arg14 : memref<!tpu.dma_semaphore, #tpu.memory_space<semaphore_mem>>) src(%dma_wait3A_162 : memref<160x128xf32, #tpu.memory_space<vmem_shared>>) dst(%dma_wait3A_160 : memref<160x128xf32, #tpu.memory_space<hbm>>)
    %dma_wait3A_163 = arith.constant 0 : i32
    %dma_wait3A_164 = tpu.memref_slice %arg4[%add3A_146, %dma_wait3A_163] : memref<20480x128xf32, #tpu.memory_space<hbm>> -> memref<160x128xf32, #tpu.memory_space<hbm>>
    %dma_wait3A_165 = arith.constant 0 : i32
    %dma_wait3A_166 = tpu.memref_slice %arg11[%add3A_141, %dma_wait3A_165] : memref<10240x128xf32, #tpu.memory_space<vmem_shared>> -> memref<160x128xf32, #tpu.memory_space<vmem_shared>>
    tpu.wait_dma2 semaphore(%arg14 : memref<!tpu.dma_semaphore, #tpu.memory_space<semaphore_mem>>) src(%dma_wait3A_166 : memref<160x128xf32, #tpu.memory_space<vmem_shared>>) dst(%dma_wait3A_164 : memref<160x128xf32, #tpu.memory_space<hbm>>)
    return
  }
}

module attributes {stable_mosaic.version = 14 : i64} {
  func.func @_tc_mm_body(%arg0: i32, %arg1: memref<2000x128xf32, #tpu.memory_space<vmem>>, %arg2: memref<128x128xf32, #tpu.memory_space<vmem>>, %arg3: memref<2000x128xf32, #tpu.memory_space<vmem>>) attributes {dimension_semantics = [#tpu.dimension_semantics<arbitrary>], iteration_bounds = array<i64: 5>, scalar_prefetch = 0 : i64, scratch_operands = 0 : i64, tpu.core_type = #tpu.core_type<tc>, window_params = [{transform_indices = @transform_0, window_bounds = array<i64: 2000, 128>}, {pipeline_mode = #tpu.pipeline_mode<synchronous>, transform_indices = @transform_1, window_bounds = array<i64: 128, 128>}, {transform_indices = @transform_2, window_bounds = array<i64: 2000, 128>}]} {
    %get3A = arith.constant 0 : index
    %get3A_0 = arith.constant 0 : index
    %get3A_1 = vector.load %arg1[%get3A, %get3A_0] : memref<2000x128xf32, #tpu.memory_space<vmem>>, vector<2000x128xf32>
    %get3A_2 = arith.constant 0 : index
    %get3A_3 = arith.constant 0 : index
    %get3A_4 = vector.load %arg2[%get3A_2, %get3A_3] : memref<128x128xf32, #tpu.memory_space<vmem>>, vector<128x128xf32>
    %dot_general3A = arith.constant dense<0.000000e+00> : vector<2000x128xf32>
    %dot_general3A_5 = tpu.matmul %get3A_1, %get3A_4, %dot_general3A {dimension_numbers = #tpu.dot_dimension_numbers<[1], [0], [0], [1], [0, 0, 1, 1], [], []>, transpose_lhs_hint = false} : vector<2000x128xf32>, vector<128x128xf32>, vector<2000x128xf32> -> vector<2000x128xf32>
    %swap3A = arith.constant 0 : index
    %swap3A_6 = arith.constant 0 : index
    %swap3A_7 = vector.load %arg3[%swap3A, %swap3A_6] : memref<2000x128xf32, #tpu.memory_space<vmem>>, vector<2000x128xf32>
    tpu.vector_store %arg3[%swap3A, %swap3A_6], %dot_general3A_5 {strides = array<i32>} : memref<2000x128xf32, #tpu.memory_space<vmem>>, vector<2000x128xf32>,
    return
  }
  func.func @transform_0(%arg0: i32) -> (i32, i32) {
    %c0_i32 = arith.constant 0 : i32
    %c0_i32_0 = arith.constant 0 : i32
    return %arg0, %c0_i32 : i32, i32
  }
  func.func @transform_1(%arg0: i32) -> (i32, i32) {
    %c0_i32 = arith.constant 0 : i32
    %c0_i32_0 = arith.constant 0 : i32
    %c0_i32_1 = arith.constant 0 : i32
    return %c0_i32, %c0_i32_0 : i32, i32
  }
  func.func @transform_2(%arg0: i32) -> (i32, i32) {
    %c0_i32 = arith.constant 0 : i32
    %c0_i32_0 = arith.constant 0 : i32
    return %arg0, %c0_i32 : i32, i32
  }
}

module attributes {stable_mosaic.version = 14 : i64} {
  func.func @_tc_scale_body(%arg0: i32, %arg1: memref<2560x128xf32, #tpu.memory_space<vmem>>, %arg2: memref<2x2560x1xf32, #tpu.memory_space<vmem>>, %arg3: memref<2560x128xf32, #tpu.memory_space<vmem>>) attributes {dimension_semantics = [#tpu.dimension_semantics<arbitrary>], iteration_bounds = array<i64: 4>, scalar_prefetch = 0 : i64, scratch_operands = 0 : i64, tpu.core_type = #tpu.core_type<tc>, window_params = [{transform_indices = @transform_0, window_bounds = array<i64: 2560, 128>}, {transform_indices = @transform_1, window_bounds = array<i64: 2, 2560, 1>}, {transform_indices = @transform_2, window_bounds = array<i64: 2560, 128>}]} {
    %get3A = arith.constant 0 : index
    %get3A_0 = arith.constant 0 : index
    %get3A_1 = vector.load %arg1[%get3A, %get3A_0] : memref<2560x128xf32, #tpu.memory_space<vmem>>, vector<2560x128xf32>
    %get3A_2 = arith.constant 0 : index
    %get3A_3 = arith.constant 0 : index
    %get3A_4 = arith.constant 0 : index
    %get3A_5 = vector.load %arg2[%get3A_2, %get3A_3, %get3A_4] : memref<2x2560x1xf32, #tpu.memory_space<vmem>>, vector<1x2560x1xf32>
    %get3A_6 = vector.shape_cast %get3A_5 : vector<1x2560x1xf32> to vector<2560x1xf32>
    %get3A_7 = arith.constant 1 : index
    %get3A_8 = arith.constant 0 : index
    %get3A_9 = arith.constant 0 : index
    %get3A_10 = vector.load %arg2[%get3A_7, %get3A_8, %get3A_9] : memref<2x2560x1xf32, #tpu.memory_space<vmem>>, vector<1x2560x1xf32>
    %get3A_11 = vector.shape_cast %get3A_10 : vector<1x2560x1xf32> to vector<2560x1xf32>
    %add3A = arith.addf %get3A_6, %get3A_11 : vector<2560x1xf32>
    %add3A_12 = arith.constant 1.000000e+00 : f32
    %add3A_13 = vector.broadcast %add3A_12 : f32 to vector<2560x1xf32>
    %add3A_14 = arith.addf %add3A, %add3A_13 : vector<2560x1xf32>
    %rsqrt3A = math.rsqrt %add3A_14 : vector<2560x1xf32>
    %mul3A = vector.broadcast %rsqrt3A : vector<2560x1xf32> to vector<2560x128xf32>
    %mul3A_15 = arith.mulf %get3A_1, %mul3A : vector<2560x128xf32>
    %swap3A = arith.constant 0 : index
    %swap3A_16 = arith.constant 0 : index
    %swap3A_17 = vector.load %arg3[%swap3A, %swap3A_16] : memref<2560x128xf32, #tpu.memory_space<vmem>>, vector<2560x128xf32>
    tpu.vector_store %arg3[%swap3A, %swap3A_16], %mul3A_15 {strides = array<i32>} : memref<2560x128xf32, #tpu.memory_space<vmem>>, vector<2560x128xf32>,
    return
  }
  func.func @transform_0(%arg0: i32) -> (i32, i32) {
    %c0_i32 = arith.constant 0 : i32
    %c0_i32_0 = arith.constant 0 : i32
    return %arg0, %c0_i32 : i32, i32
  }
  func.func @transform_1(%arg0: i32) -> (i32, i32, i32) {
    %c0_i32 = arith.constant 0 : i32
    %c0_i32_0 = arith.constant 0 : i32
    %c0_i32_1 = arith.constant 0 : i32
    return %c0_i32, %arg0, %c0_i32_0 : i32, i32, i32
  }
  func.func @transform_2(%arg0: i32) -> (i32, i32) {
    %c0_i32 = arith.constant 0 : i32
    %c0_i32_0 = arith.constant 0 : i32
    return %arg0, %c0_i32 : i32, i32
  }
}

module attributes {stable_mosaic.version = 14 : i64} {
  func.func @_tc_mid_body(%arg0: i32, %arg1: memref<2x2560x128xf32, #tpu.memory_space<vmem>>, %arg2: memref<2560x128xf32, #tpu.memory_space<vmem>>, %arg3: memref<128x128xf32, #tpu.memory_space<vmem>>, %arg4: memref<1x128xf32, #tpu.memory_space<vmem>>, %arg5: memref<2x2560x1xf32, #tpu.memory_space<vmem>>, %arg6: memref<2560x128xf32, #tpu.memory_space<vmem>>) attributes {dimension_semantics = [#tpu.dimension_semantics<arbitrary>], iteration_bounds = array<i64: 4>, scalar_prefetch = 0 : i64, scratch_operands = 0 : i64, tpu.core_type = #tpu.core_type<tc>, window_params = [{transform_indices = @transform_0, window_bounds = array<i64: 2, 2560, 128>}, {transform_indices = @transform_1, window_bounds = array<i64: 2560, 128>}, {pipeline_mode = #tpu.pipeline_mode<synchronous>, transform_indices = @transform_2, window_bounds = array<i64: 128, 128>}, {pipeline_mode = #tpu.pipeline_mode<synchronous>, transform_indices = @transform_3, window_bounds = array<i64: 1, 128>}, {transform_indices = @transform_4, window_bounds = array<i64: 2, 2560, 1>}, {transform_indices = @transform_5, window_bounds = array<i64: 2560, 128>}]} {
    %get3A = arith.constant 0 : index
    %get3A_0 = arith.constant 0 : index
    %get3A_1 = arith.constant 0 : index
    %get3A_2 = vector.load %arg5[%get3A, %get3A_0, %get3A_1] : memref<2x2560x1xf32, #tpu.memory_space<vmem>>, vector<1x2560x1xf32>
    %get3A_3 = vector.shape_cast %get3A_2 : vector<1x2560x1xf32> to vector<2560x1xf32>
    %get3A_4 = arith.constant 1 : index
    %get3A_5 = arith.constant 0 : index
    %get3A_6 = arith.constant 0 : index
    %get3A_7 = vector.load %arg5[%get3A_4, %get3A_5, %get3A_6] : memref<2x2560x1xf32, #tpu.memory_space<vmem>>, vector<1x2560x1xf32>
    %get3A_8 = vector.shape_cast %get3A_7 : vector<1x2560x1xf32> to vector<2560x1xf32>
    %add3A = arith.addf %get3A_3, %get3A_8 : vector<2560x1xf32>
    %add3A_9 = arith.constant 1.000000e+00 : f32
    %add3A_10 = vector.broadcast %add3A_9 : f32 to vector<2560x1xf32>
    %add3A_11 = arith.addf %add3A, %add3A_10 : vector<2560x1xf32>
    %rsqrt3A = math.rsqrt %add3A_11 : vector<2560x1xf32>
    %get3A_12 = arith.constant 0 : index
    %get3A_13 = arith.constant 0 : index
    %get3A_14 = arith.constant 0 : index
    %get3A_15 = vector.load %arg1[%get3A_12, %get3A_13, %get3A_14] : memref<2x2560x128xf32, #tpu.memory_space<vmem>>, vector<1x2560x128xf32>
    %get3A_16 = vector.shape_cast %get3A_15 : vector<1x2560x128xf32> to vector<2560x128xf32>
    %get3A_17 = arith.constant 1 : index
    %get3A_18 = arith.constant 0 : index
    %get3A_19 = arith.constant 0 : index
    %get3A_20 = vector.load %arg1[%get3A_17, %get3A_18, %get3A_19] : memref<2x2560x128xf32, #tpu.memory_space<vmem>>, vector<1x2560x128xf32>
    %get3A_21 = vector.shape_cast %get3A_20 : vector<1x2560x128xf32> to vector<2560x128xf32>
    %add3A_22 = arith.addf %get3A_16, %get3A_21 : vector<2560x128xf32>
    %get3A_23 = arith.constant 0 : index
    %get3A_24 = arith.constant 0 : index
    %get3A_25 = vector.load %arg2[%get3A_23, %get3A_24] : memref<2560x128xf32, #tpu.memory_space<vmem>>, vector<2560x128xf32>
    %sub3A = arith.subf %add3A_22, %get3A_25 : vector<2560x128xf32>
    %mul3A = vector.broadcast %rsqrt3A : vector<2560x1xf32> to vector<2560x128xf32>
    %mul3A_26 = arith.mulf %sub3A, %mul3A : vector<2560x128xf32>
    %get3A_27 = arith.constant 0 : index
    %get3A_28 = arith.constant 0 : index
    %get3A_29 = vector.load %arg4[%get3A_27, %get3A_28] : memref<1x128xf32, #tpu.memory_space<vmem>>, vector<1x128xf32>
    %add3A_30 = vector.broadcast %get3A_29 : vector<1x128xf32> to vector<2560x128xf32>
    %add3A_31 = arith.addf %mul3A_26, %add3A_30 : vector<2560x128xf32>
    %max3A = arith.constant 0.000000e+00 : f32
    %max3A_32 = vector.broadcast %max3A : f32 to vector<2560x128xf32>
    %max3A_33 = arith.maximumf %add3A_31, %max3A_32 : vector<2560x128xf32>
    %get3A_34 = arith.constant 0 : index
    %get3A_35 = arith.constant 0 : index
    %get3A_36 = vector.load %arg3[%get3A_34, %get3A_35] : memref<128x128xf32, #tpu.memory_space<vmem>>, vector<128x128xf32>
    %dot_general3A = arith.constant dense<0.000000e+00> : vector<2560x128xf32>
    %dot_general3A_37 = tpu.matmul %max3A_33, %get3A_36, %dot_general3A {dimension_numbers = #tpu.dot_dimension_numbers<[1], [0], [0], [1], [0, 0, 1, 1], [], []>, transpose_lhs_hint = false} : vector<2560x128xf32>, vector<128x128xf32>, vector<2560x128xf32> -> vector<2560x128xf32>
    %mul3A_38 = vector.broadcast %rsqrt3A : vector<2560x1xf32> to vector<2560x128xf32>
    %mul3A_39 = arith.mulf %dot_general3A_37, %mul3A_38 : vector<2560x128xf32>
    %swap3A = arith.constant 0 : index
    %swap3A_40 = arith.constant 0 : index
    %swap3A_41 = vector.load %arg6[%swap3A, %swap3A_40] : memref<2560x128xf32, #tpu.memory_space<vmem>>, vector<2560x128xf32>
    tpu.vector_store %arg6[%swap3A, %swap3A_40], %mul3A_39 {strides = array<i32>} : memref<2560x128xf32, #tpu.memory_space<vmem>>, vector<2560x128xf32>,
    return
  }
  func.func @transform_0(%arg0: i32) -> (i32, i32, i32) {
    %c0_i32 = arith.constant 0 : i32
    %c0_i32_0 = arith.constant 0 : i32
    %c0_i32_1 = arith.constant 0 : i32
    return %c0_i32, %arg0, %c0_i32_0 : i32, i32, i32
  }
  func.func @transform_1(%arg0: i32) -> (i32, i32) {
    %c0_i32 = arith.constant 0 : i32
    %c0_i32_0 = arith.constant 0 : i32
    return %arg0, %c0_i32 : i32, i32
  }
  func.func @transform_2(%arg0: i32) -> (i32, i32) {
    %c0_i32 = arith.constant 0 : i32
    %c0_i32_0 = arith.constant 0 : i32
    %c0_i32_1 = arith.constant 0 : i32
    return %c0_i32, %c0_i32_0 : i32, i32
  }
  func.func @transform_3(%arg0: i32) -> (i32, i32) {
    %c0_i32 = arith.constant 0 : i32
    %c0_i32_0 = arith.constant 0 : i32
    %c0_i32_1 = arith.constant 0 : i32
    return %c0_i32, %c0_i32_0 : i32, i32
  }
  func.func @transform_4(%arg0: i32) -> (i32, i32, i32) {
    %c0_i32 = arith.constant 0 : i32
    %c0_i32_0 = arith.constant 0 : i32
    %c0_i32_1 = arith.constant 0 : i32
    return %c0_i32, %arg0, %c0_i32_0 : i32, i32, i32
  }
  func.func @transform_5(%arg0: i32) -> (i32, i32) {
    %c0_i32 = arith.constant 0 : i32
    %c0_i32_0 = arith.constant 0 : i32
    return %arg0, %c0_i32 : i32, i32
  }
}

module attributes {stable_mosaic.version = 14 : i64} {
  func.func @_tc3_body(%arg0: i32, %arg1: memref<2x2000x128xf32, #tpu.memory_space<vmem>>, %arg2: memref<2000x128xf32, #tpu.memory_space<vmem>>, %arg3: memref<128x1xf32, #tpu.memory_space<vmem>>, %arg4: memref<1x128xf32, #tpu.memory_space<vmem>>, %arg5: memref<1x1xf32, #tpu.memory_space<vmem>>, %arg6: memref<2x2000x1xf32, #tpu.memory_space<vmem>>, %arg7: memref<2000x1xf32, #tpu.memory_space<vmem>>) attributes {dimension_semantics = [#tpu.dimension_semantics<arbitrary>], iteration_bounds = array<i64: 5>, scalar_prefetch = 0 : i64, scratch_operands = 0 : i64, tpu.core_type = #tpu.core_type<tc>, window_params = [{transform_indices = @transform_0, window_bounds = array<i64: 2, 2000, 128>}, {transform_indices = @transform_1, window_bounds = array<i64: 2000, 128>}, {pipeline_mode = #tpu.pipeline_mode<synchronous>, transform_indices = @transform_2, window_bounds = array<i64: 128, 1>}, {pipeline_mode = #tpu.pipeline_mode<synchronous>, transform_indices = @transform_3, window_bounds = array<i64: 1, 128>}, {pipeline_mode = #tpu.pipeline_mode<synchronous>, transform_indices = @transform_4, window_bounds = array<i64: 1, 1>}, {transform_indices = @transform_5, window_bounds = array<i64: 2, 2000, 1>}, {transform_indices = @transform_6, window_bounds = array<i64: 2000, 1>}]} {
    %get3A = arith.constant 0 : index
    %get3A_0 = arith.constant 0 : index
    %get3A_1 = arith.constant 0 : index
    %get3A_2 = vector.load %arg6[%get3A, %get3A_0, %get3A_1] : memref<2x2000x1xf32, #tpu.memory_space<vmem>>, vector<1x2000x1xf32>
    %get3A_3 = vector.shape_cast %get3A_2 : vector<1x2000x1xf32> to vector<2000x1xf32>
    %get3A_4 = arith.constant 1 : index
    %get3A_5 = arith.constant 0 : index
    %get3A_6 = arith.constant 0 : index
    %get3A_7 = vector.load %arg6[%get3A_4, %get3A_5, %get3A_6] : memref<2x2000x1xf32, #tpu.memory_space<vmem>>, vector<1x2000x1xf32>
    %get3A_8 = vector.shape_cast %get3A_7 : vector<1x2000x1xf32> to vector<2000x1xf32>
    %add3A = arith.addf %get3A_3, %get3A_8 : vector<2000x1xf32>
    %add3A_9 = arith.constant 1.000000e+00 : f32
    %add3A_10 = vector.broadcast %add3A_9 : f32 to vector<2000x1xf32>
    %add3A_11 = arith.addf %add3A, %add3A_10 : vector<2000x1xf32>
    %rsqrt3A = math.rsqrt %add3A_11 : vector<2000x1xf32>
    %get3A_12 = arith.constant 0 : index
    %get3A_13 = arith.constant 0 : index
    %get3A_14 = arith.constant 0 : index
    %get3A_15 = vector.load %arg1[%get3A_12, %get3A_13, %get3A_14] : memref<2x2000x128xf32, #tpu.memory_space<vmem>>, vector<1x2000x128xf32>
    %get3A_16 = vector.shape_cast %get3A_15 : vector<1x2000x128xf32> to vector<2000x128xf32>
    %get3A_17 = arith.constant 1 : index
    %get3A_18 = arith.constant 0 : index
    %get3A_19 = arith.constant 0 : index
    %get3A_20 = vector.load %arg1[%get3A_17, %get3A_18, %get3A_19] : memref<2x2000x128xf32, #tpu.memory_space<vmem>>, vector<1x2000x128xf32>
    %get3A_21 = vector.shape_cast %get3A_20 : vector<1x2000x128xf32> to vector<2000x128xf32>
    %add3A_22 = arith.addf %get3A_16, %get3A_21 : vector<2000x128xf32>
    %get3A_23 = arith.constant 0 : index
    %get3A_24 = arith.constant 0 : index
    %get3A_25 = vector.load %arg2[%get3A_23, %get3A_24] : memref<2000x128xf32, #tpu.memory_space<vmem>>, vector<2000x128xf32>
    %sub3A = arith.subf %add3A_22, %get3A_25 : vector<2000x128xf32>
    %mul3A = vector.broadcast %rsqrt3A : vector<2000x1xf32> to vector<2000x128xf32>
    %mul3A_26 = arith.mulf %sub3A, %mul3A : vector<2000x128xf32>
    %get3A_27 = arith.constant 0 : index
    %get3A_28 = arith.constant 0 : index
    %get3A_29 = vector.load %arg4[%get3A_27, %get3A_28] : memref<1x128xf32, #tpu.memory_space<vmem>>, vector<1x128xf32>
    %add3A_30 = vector.broadcast %get3A_29 : vector<1x128xf32> to vector<2000x128xf32>
    %add3A_31 = arith.addf %mul3A_26, %add3A_30 : vector<2000x128xf32>
    %max3A = arith.constant 0.000000e+00 : f32
    %max3A_32 = vector.broadcast %max3A : f32 to vector<2000x128xf32>
    %max3A_33 = arith.maximumf %add3A_31, %max3A_32 : vector<2000x128xf32>
    %get3A_34 = arith.constant 0 : index
    %get3A_35 = arith.constant 0 : index
    %get3A_36 = vector.load %arg3[%get3A_34, %get3A_35] : memref<128x1xf32, #tpu.memory_space<vmem>>, vector<128x1xf32>
    %dot_general3A = arith.constant dense<0.000000e+00> : vector<2000x1xf32>
    %dot_general3A_37 = tpu.matmul %max3A_33, %get3A_36, %dot_general3A {dimension_numbers = #tpu.dot_dimension_numbers<[1], [0], [0], [1], [0, 0, 1, 1], [], []>, transpose_lhs_hint = false} : vector<2000x128xf32>, vector<128x1xf32>, vector<2000x1xf32> -> vector<2000x1xf32>
    %get3A_38 = arith.constant 0 : index
    %get3A_39 = arith.constant 0 : index
    %get3A_40 = vector.load %arg5[%get3A_38, %get3A_39] : memref<1x1xf32, #tpu.memory_space<vmem>>, vector<1x1xf32>
    %add3A_41 = vector.broadcast %get3A_40 : vector<1x1xf32> to vector<2000x1xf32>
    %add3A_42 = arith.addf %dot_general3A_37, %add3A_41 : vector<2000x1xf32>
    %swap3A = arith.constant 0 : index
    %swap3A_43 = arith.constant 0 : index
    %swap3A_44 = vector.load %arg7[%swap3A, %swap3A_43] : memref<2000x1xf32, #tpu.memory_space<vmem>>, vector<2000x1xf32>
    tpu.vector_store %arg7[%swap3A, %swap3A_43], %add3A_42 {strides = array<i32>} : memref<2000x1xf32, #tpu.memory_space<vmem>>, vector<2000x1xf32>,
    return
  }
  func.func @transform_0(%arg0: i32) -> (i32, i32, i32) {
    %c0_i32 = arith.constant 0 : i32
    %c0_i32_0 = arith.constant 0 : i32
    %c0_i32_1 = arith.constant 0 : i32
    return %c0_i32, %arg0, %c0_i32_0 : i32, i32, i32
  }
  func.func @transform_1(%arg0: i32) -> (i32, i32) {
    %c0_i32 = arith.constant 0 : i32
    %c0_i32_0 = arith.constant 0 : i32
    return %arg0, %c0_i32 : i32, i32
  }
  func.func @transform_2(%arg0: i32) -> (i32, i32) {
    %c0_i32 = arith.constant 0 : i32
    %c0_i32_0 = arith.constant 0 : i32
    %c0_i32_1 = arith.constant 0 : i32
    return %c0_i32, %c0_i32_0 : i32, i32
  }
  func.func @transform_3(%arg0: i32) -> (i32, i32) {
    %c0_i32 = arith.constant 0 : i32
    %c0_i32_0 = arith.constant 0 : i32
    %c0_i32_1 = arith.constant 0 : i32
    return %c0_i32, %c0_i32_0 : i32, i32
  }
  func.func @transform_4(%arg0: i32) -> (i32, i32) {
    %c0_i32 = arith.constant 0 : i32
    %c0_i32_0 = arith.constant 0 : i32
    %c0_i32_1 = arith.constant 0 : i32
    return %c0_i32, %c0_i32_0 : i32, i32
  }
  func.func @transform_5(%arg0: i32) -> (i32, i32, i32) {
    %c0_i32 = arith.constant 0 : i32
    %c0_i32_0 = arith.constant 0 : i32
    %c0_i32_1 = arith.constant 0 : i32
    return %c0_i32, %arg0, %c0_i32_0 : i32, i32, i32
  }
  func.func @transform_6(%arg0: i32) -> (i32, i32) {
    %c0_i32 = arith.constant 0 : i32
    %c0_i32_0 = arith.constant 0 : i32
    return %arg0, %c0_i32 : i32, i32
  }
}

</mosaic_0001>

<sc_bundles>
// kernel: kernel.12.cloned.1.call-start
scs
__scs_entry_jumppad:
0x0: {  	(pc) =	sbr.rel $0x88, $3  }
0x1: {  	(tag) =	ssettag $0x0;
	lr =	simm.s32 $0x1  }
0x2: {  	[smem:$0x3F99] =	sst lr;
	_ =	strace $0xD0000000  }
0x3: {  	_ = 	snop  }
0x4: {  	_ = 	snop  }
0x5: {  	_ = 	snop  }
0x6: {  	_ = 	snop  }
0x7: {  	_ = 	snop  }
__scs_overlays_trampoline_lowered:
0x8: {  	[smem:$0x3FA8] =	sst s0  }
0x9: {  	[smem:$0x3FA9] =	sst s1  }
0xa: {  	[smem:$0x3FAA] =	sst s2  }
0xb: {  	[smem:$0x3FAB] =	sst s3  }
0xc: {  	[smem:$0x3FAC] =	sst s4  }
0xd: {  	[smem:$0x3FAD] =	sst s5  }
0xe: {  	[smem:$0x3FAE] =	sst s6  }
0xf: {  	[smem:$0x3FAF] =	sst s7  }
0x10: {  	[smem:$0x3FB0] =	sst s8  }
0x11: {  	[smem:$0x3FB1] =	sst s9;
	s0 =	simm.s32 @!p0 $0x0  }
0x12: {  	s1 =	sld [smem:$0x3F97];
	s0 =	simm.s32 @p0 $0x1  }
0x13: {  	[smem:$0x3FB2] =	sst s0;
	s0 =	simm.s32 @!p1 $0x0  }
0x14: {  	s2 =	sld [smem:$0x3F96];
	s0 =	simm.s32 @p1 $0x1  }
0x15: {  	[smem:$0x3FB3] =	sst s0;
	s0 =	simm.s32 @!p2 $0x0  }
0x16: {  	s3 =	sld [smem:$0x3FDB];
	s0 =	simm.s32 @p2 $0x1  }
0x17: {  	s4 =	simm.s32 $0x1BF5;
	[smem:$0x3FB5] =	sst s0  }
0x18: {  	s0 =	sld [smem:$0x3F98];
	_ =	swait.ge [sflag:s4], $0x0  }
0x19: {  	s7 =	sld [smem:$0x3F99]  }
0x1a: {  	s8 =	sadd.s32 $0xFFFFE003, lr  }
0x1b: {  	s9 =	sadd.s32 $0xFFFFFEF7, lr;
	s5 =	simm.s32 $0xFFFFFFFF;
	p2 =	slt.u32 s8, $0xFFFFF086  }
0x1c: {  	p1 =	slt.u32 s9, $0xF7A;
	s5 =	simm.s32 @!p2 $0x0  }
0x1d: {  	s5 =	simm.s32 @p1 $0x1;
	p0 =	seq.s32 s7, s2  }
0x1e: {  	s7 =	smul.u32 @!p0 $0xF7A, s2;
	p2 =	seq.s32 @!p0 s5, $0x0  }
0x1f: {  	s9 =	smul.u32 $0xF7A, s1;
	s8 =	simm.s32 @!p0 $0x1BF5;
	p2 =	por !p2, p0  }
0x20: {  	[sflag:s8] =	ssyncset.s32 @!p0 $0xFFFFF086;
	s6 =	sadd.s32 @!p0 s3, s7;
	s7 =	simm.s32 @!p0 $0x108  }
0x21: {  	s3 =	sadd.s32 s3, s9;
	s6 =	sadd.s32 @!p0 $0x88, s6;
	s7 =	simm.s32 @p2 $0x1082  }
0x22: {  	[simem:s7], [sflag:s8] =	dma.local @!p0 [hbm:s6], $0xF7A  }
0x23: {  	s9 =	sor.u32 $0xD0000000, s2;
	s6 =	simm.s32 $0x108;
	_ =	swait.ge @!p0 [sflag:s8], $0x0  }
0x24: {  	s3 =	sadd.s32 $0x88, s3;
	s6 =	simm.s32 @!p1 $0x1082;
	[sflag:s4] =	ssyncset.s32 $0xFFFFF086  }
0x25: {  	[simem:s6], [sflag:s4] =	dma.local [hbm:s3], $0xF7A  }
0x26: {  	[smem:$0x3F99] =	sst s1;
	(tag) =	ssettag s2;
	_ =	strace s9  }
0x27: {  	s1 =	sld [smem:$0x3FA9]  }
0x28: {  	s2 =	sld [smem:$0x3FAA]  }
0x29: {  	s4 =	sld [smem:$0x3FAC]  }
0x2a: {  	p0 =	seq.s32 s5, $0x0;
	s5 =	sld [smem:$0x3FAD]  }
0x2b: {  	s6 =	sld [smem:$0x3FAE]  }
0x2c: {  	s7 =	sld [smem:$0x3FAF]  }
0x2d: {  	s3 =	simm.s32 $0x108;
	s8 =	sld [smem:$0x3FB0]  }
0x2e: {  	s3 =	simm.s32 @!p0 $0x1082;
	s9 =	sld [smem:$0x3FB1]  }
0x2f: {  	lr =	sadd.s32 s0, s3;
	s0 =	sld [smem:$0x3FA8]  }
0x30: {  	s3 =	sld [smem:$0x3FAB]  }
0x31: {  	[smem:$0x3FB4] =	sst s10  }
0x32: {  	s10 =	sld [smem:$0x3FB2];
	_ =	sdelay $0x3  }
0x33: {  	p0 =	seq.s32 s10, $0x1;
	s10 =	sld [smem:$0x3FB4];
	_ =	sdelay $0x3  }
0x34: {  	[smem:$0x3FB4] =	sst s10  }
0x35: {  	s10 =	sld [smem:$0x3FB3];
	_ =	sdelay $0x3  }
0x36: {  	p1 =	seq.s32 s10, $0x1;
	s10 =	sld [smem:$0x3FB4];
	_ =	sdelay $0x3  }
0x37: {  	[smem:$0x3FB4] =	sst s10  }
0x38: {  	s10 =	sld [smem:$0x3FB5]  }
0x39: {  	_ = 	snop;
	(pc) =	sbr.ind lr, $3  }
0x3a: {  	_ = 	snop  }
0x3b: {  	_ = 	snop  }
0x3c: {  	p2 =	seq.s32 s10, $0x1;
	s10 =	sld [smem:$0x3FB4]  }
0x3d: {  	_ =	shalt  }
0x3e: {  	_ =	shalt  }
0x3f: {  	_ =	shalt  }
0x40: {  	_ =	shalt  }
0x41: {  	_ =	shalt  }
0x42: {  	_ =	shalt  }
0x43: {  	_ =	shalt  }
0x44: {  	_ =	shalt  }
0x45: {  	_ =	shalt  }
0x46: {  	_ =	shalt  }
0x47: {  	_ =	shalt  }
0x48: {  	_ =	shalt  }
0x49: {  	_ =	shalt  }
0x4a: {  	_ =	shalt  }
0x4b: {  	_ =	shalt  }
0x4c: {  	_ =	shalt  }
0x4d: {  	_ =	shalt  }
0x4e: {  	_ =	shalt  }
0x4f: {  	_ =	shalt  }
0x50: {  	_ =	shalt  }
0x51: {  	_ =	shalt  }
0x52: {  	_ =	shalt  }
0x53: {  	_ =	shalt  }
0x54: {  	_ =	shalt  }
0x55: {  	_ =	shalt  }
0x56: {  	_ =	shalt  }
0x57: {  	_ =	shalt  }
0x58: {  	_ =	shalt  }
0x59: {  	_ =	shalt  }
0x5a: {  	_ =	shalt  }
0x5b: {  	_ =	shalt  }
0x5c: {  	_ =	shalt  }
0x5d: {  	_ =	shalt  }
0x5e: {  	_ =	shalt  }
0x5f: {  	_ =	shalt  }
0x60: {  	_ =	shalt  }
0x61: {  	_ =	shalt  }
0x62: {  	_ =	shalt  }
0x63: {  	_ =	shalt  }
0x64: {  	_ =	shalt  }
0x65: {  	_ =	shalt  }
0x66: {  	_ =	shalt  }
0x67: {  	_ =	shalt  }
0x68: {  	_ =	shalt  }
0x69: {  	_ =	shalt  }
0x6a: {  	_ =	shalt  }
0x6b: {  	_ =	shalt  }
0x6c: {  	_ =	shalt  }
0x6d: {  	_ =	shalt  }
0x6e: {  	_ =	shalt  }
0x6f: {  	_ =	shalt  }
0x70: {  	_ =	shalt  }
0x71: {  	_ =	shalt  }
0x72: {  	_ =	shalt  }
0x73: {  	_ =	shalt  }
0x74: {  	_ =	shalt  }
0x75: {  	_ =	shalt  }
0x76: {  	_ =	shalt  }
0x77: {  	_ =	shalt  }
0x78: {  	_ =	shalt  }
0x79: {  	_ =	shalt  }
0x7a: {  	_ =	shalt  }
0x7b: {  	_ =	shalt  }
0x7c: {  	_ =	shalt  }
0x7d: {  	_ =	shalt  }
0x7e: {  	_ =	shalt  }
0x7f: {  	_ =	shalt  }
0x80: {  	_ =	shalt  }
0x81: {  	_ =	shalt  }
0x82: {  	_ =	shalt  }
0x83: {  	_ =	shalt  }
0x84: {  	_ =	shalt  }
0x85: {  	_ =	shalt  }
0x86: {  	_ =	shalt  }
0x87: {  	_ =	shalt  }
.Lfunc_end0:
.L_simem_size_0:
called_computation.1_lowered:
.L_overlay_start_0:
0x88: {  	s2 =	sld [smem:$0x3FD9]  }
0x89: {  	s3 =	sld [smem:$0x3FFE];
	_ =	sdelay $0x1  }
0x8a: {  	s1 =	srdreg.scid  }
0x8b: {  	s0 =	sand.u32 $0x1, s1  }
0x8c: {  	s16 =	sshll.u32 s0, $0xA;
	s2 =	sadd.s32 s3, s2  }
0x8d: {  	s2 =	sadd.s32 s2, s16  }
0x8e: {  	[smem:$0x3FC0] =	sst s2  }
0x8f: {  	_ = 	snop  }
0x90: {  	(tm) =	ssettm $0x1  }
0x91: {  	s17 =	sld [smem:$0x3FFB];
	_ =	sdelay $0x3  }
0x92: {  	_ =	strace s17  }
0x93: {  	s2 =	sld [smem:$0x3FFC];
	_ =	sdelay $0x3  }
0x94: {  	_ =	strace s2  }
0x95: {  	s2 =	sld [smem:$0x3FFD];
	_ =	sdelay $0x3  }
0x96: {  	_ =	strace s2  }
0x97: {  	_ =	strace $0x8FFFFFFF  }
0x98: {  	s18 =	sld [smem:$0x3FDB];
	_ =	sdelay $0x1  }
0x99: {  	s19 =	simm.s32 $_scs_section_size  }
0x9a: {  	s4 =	simm.s32 $_size__tile_overlayer_lowered;
	s5 =	simm.s32 $_tile_overlayer_lowered  }
0x9b: {  	s22 =	simm.s32 $0x1BFF;
	s21 =	sshll.u32 s5, $0x1;
	s2 =	sadd.s32 s19, s18  }
0x9c: {  	s6 =	simm.s32 $0x0;
	s20 =	sshll.u32 s4, $0x1;
	s4 =	sadd.s32 s21, s2  }
0x9d: {  	[timem:s6], [sflag:s22] =	dma.local [hbm:s4], s20  }
0x9e: {  	_ =	swait.ge [sflag:s22], s20  }
0x9f: {  	s3 =	ssub.s32 $0x0, s20;
	[sflag:s22] =	ssyncset.done $0x0  }
0xa0: {  	[sflag:s22] =	ssyncadd.s32 s3;
	_ =	sdelay $0x1  }
0xa1: {  	s23 =	simm.s32 $0x1B8B  }
0xa2: {  	_ =	swait.ge [sflag:s23], $0x1  }
0xa3: {  	[sflag:s23] =	ssyncset.done $0x0  }
0xa4: {  	s25 =	simm.s32 $0x1B8E;
	s24 =	sld [smem:$0x3FFE];
	[sflag:s23] =	ssyncadd.s32 $0xFFFFFFFF  }
0xa5: {  	s26 =	simm.s32 $execute0_lowered;
	[smem:$0x3FD2] =	sst s25  }
0xa6: {  	s4 =	sshll.u32 s26, $0x1;
	_ =	strace $0x80000049;
	[dreg:$0x1] =	wrdreg $0xFFFFFFFF  }
0xa7: {  	s28 =	simm.s32 $_size_execute0_lowered;
	s2 =	sadd.s32 s2, s4;
	[dreg:$0x0] =	wrdreg $0x0  }
0xa8: {  	s4 =	sshll.u32 s28, $0x1;
	[dreg:$0x2] =	wrdreg s2  }
0xa9: {  	[dreg:$0x3] =	wrdreg s4  }
0xaa: {  	[dreg:$0x4] =	wrdreg $0xC0  }
0xab: {  	_ =	task [dreg:s6], $0x5FFFF  }
0xac: {  	[dreg:$0x1] =	wrdreg $0xFFFFFFFF  }
0xad: {  	[dreg:$0x0] =	wrdreg $0x60  }
0xae: {  	[dreg:$0x2] =	wrdreg s24  }
0xaf: {  	[dreg:$0x3] =	wrdreg $0x84000  }
0xb0: {  	[dreg:$0x4] =	wrdreg $0x9  }
0xb1: {  	_ =	task.clear_ibuf [dreg:s6], $0x5FFFF;
	_ =	strace $0x90000049  }
0xb2: {  	s29 =	simm.s32 $0x9;
	_ =	strace $0x8000004B  }
0xb3: {  	_ =	swait.ge [sflag:s29], $0x1  }
0xb4: {  	[sflag:s29] =	ssyncadd.s32 $0xFFFFFFFF  }
0xb5: {  	_ =	strace $0x9000004B  }
0xb6: {  	_ =	sfence  }
0xb7: {  	s30 =	sld [smem:$0x0];
	_ =	sdelay $0x2  }
0xb8: {  	s31 =	sshll.u32 s1, $0xD;
	s1 =	sshrl.u32 s1, $0x2  }
0xb9: {  	s3 =	sand.u32 $0x4000, s31;
	s1 =	sadd.s32 s1, s30  }
0xba: {  	s0 =	sor.u32 s3, s0;
	s1 =	sshll.u32 s1, $0x11  }
0xbb: {  	s0 =	sor.u32 s1, s0  }
0xbc: {  	s0 =	sadd.s32 $0x8F2B, s0  }
0xbd: {  	[sflag:s0] =	ssyncadd.remote.s32 $0x1  }
0xbe: {  	_ =	sfence.sel $0xFFFF  }
0xbf: {  	[dreg:$0x0] =	wrdreg $0xFFFFFFFF;
	(pc) =	sbr.abs _section_cstart, $3  }
0xc0: {  	[dreg:$0x1] =	wrdreg $0xFFFFFFFF  }
0xc1: {  	_ =	task.clear_ibuf [dreg:s6], $0x2FFFF;
	_ =	strace $0x9FFFFFFF  }
0xc2: {  	(tm) =	ssettm $0x7FFFFFFF  }
0xc3: {  	_ =	shalt  }
tec
execute0_lowered:
.L_overlay_start_1:
0x0: {  	(tag) =	ssettag $0x1  }
0x1: {  	s0 =	rddreg [dreg:$0x0]  }
0x2: {  	s2 =	rddreg [dreg:$0x1]  }
0x3: {  	s1 =	srdreg.scid;
	s13 =	stileid.u32  }
0x4: {  	s3 =	simm.s32 $0x0;
	s28 =	simm.s32 $0x1;
	s29 =	simm.s32 $0x80  }
0x5: {  	s30 =	simm.s32 $0x4400;
	s31 =	simm.s32 $0x2;
	s5 =	smul.u32 $0x280, s13  }
0x6: {  	s1 =	sand.u32 $0x1, s1;
	[smem:$0x7FF] =	sst s3;
	s9 =	smul.u32 $0x50000, s13  }
0x7: {  	s4 =	sadd.s32 $0x66C00, s0;
	s10 =	sadd.s32 $0x2C00, s0;
	s26 =	smul.u32 $0x2800, s13  }
0x8: {  	s24 =	sshll.u32 s13, $0x1;
	s14 =	sshll.u32 s13, $0x6;
	s21 =	smul.u32 $0xA0, s13  }
0x9: {  	s6 =	smul.u32 $0x2800, s1;
	_ =	strace $0x8000004A;
	s7 =	ssub.s32 $0x2, s1  }
0xa: {  	s11 =	sor.u32 s1, s24;
	s1 =	smul.u32 $0x50, s1;
	s8 =	sshrl.u32 s7, $0x1  }
0xb: {  	s25 =	sshrl.u32 s9, $0x2;
	s15 =	sadd.s32 s4, s26;
	s16 =	sadd.s32 $0xA0, s5  }
0xc: {  	s20 =	smul.u32 $0xA00, s11;
	s6 =	sadd.s32 s5, s6;
	s12 =	sadd.s32 s25, s2  }
0xd: {  	[dreg:$0x4] =	wrdreg s15;
	s17 =	sshll.u32 s16, $0x7;
	s1 =	sadd.s32 s1, s21  }
0xe: {  	s6 =	sshll.u32 s6, $0x4;
	[dreg:$0x3] =	wrdreg s12;
	s12 =	sadd.s32 $0x140, s5  }
0xf: {  	s9 =	sadd.s32 s17, s2;
	s5 =	sadd.s32 $0x1E0, s5;
	s1 =	sshll.u32 s1, $0x5  }
0x10: {  	s0 =	sadd.s32 s6, s0;
	s6 =	ssub.s32 s7, s8;
	s7 =	sor.u32 $0x1C03, s14  }
0x11: {  	s8 =	sshll.u32 s16, $0x4;
	[dreg:$0x5] =	wrdreg s9;
	s18 =	sshll.u32 s12, $0x7  }
0x12: {  	s19 =	sshll.u32 s12, $0x4;
	s22 =	sshll.u32 s5, $0x7;
	s5 =	sshll.u32 s5, $0x4  }
0x13: {  	s14 =	sadd.s32 s10, s20;
	s21 =	sadd.s32 s1, s10;
	s8 =	sadd.s32 s4, s8  }
0x14: {  	s1 =	simm.s32 $0x300;
	s11 =	sadd.s32 s22, s2;
	[dreg:$0x6] =	wrdreg s8  }
0x15: {  	s5 =	sadd.s32 s4, s5;
	s23 =	sadd.s32 $0x20, s14;
	[dreg:$0x9] =	wrdreg s11  }
0x16: {  	s24 =	sadd.s32 $0x8EC00, s0;
	s25 =	sadd.s32 $0x8F600, s0;
	[dreg:$0xa] =	wrdreg s5  }
0x17: {  	s26 =	sadd.s32 $0x90000, s0;
	s20 =	smax.u32 s6, $0x1;
	[dreg:$0xb] =	wrdreg s23  }
0x18: {  	s22 =	sadd.s32 $0x80, s21;
	s6 =	simm.s32 $0x280;
	[dreg:$0xc] =	wrdreg s24  }
.Ltmp0:
0x19: {  	s8 =	sadd.s32 s18, s2;
	[dreg:$0xd] =	wrdreg s25;
	(pc) =	sbr.rel .LBB2_1-.Ltmp0, $4  }
0x1a: {  	[dreg:$0xe] =	wrdreg s26;
	s23 =	sadd.s32 $0x40, s21;
	s24 =	simm.s32 $0x3  }
0x1b: {  	s25 =	simm.s32 $0x100;
	s26 =	simm.s32 $0x200;
	s5 =	simm.s32 $0x180  }
0x1c: {  	[dreg:$0x7] =	wrdreg s8;
	s8 =	sadd.s32 s4, s19;
	s19 =	sadd.s32 $0x90A00, s0  }
0x1d: {  	s0 =	simm.s32 $0x400;
	[dreg:$0x8] =	wrdreg s8;
	s8 =	simm.s32 $0x0  }
.LBB2_4:
0x1e: {  	_ =	swait.ge [sflag:s24], $0x4000  }
0x1f: {  	[sflag:s24] =	ssyncset.done $0x0  }
0x20: {  	[sflag:s24] =	ssyncadd.s32 $0xFFFFC000  }
0x21: {  	_ =	swait.ge [sflag:s31], $0x4000  }
0x22: {  	[sflag:s31] =	ssyncset.done $0x0  }
0x23: {  	s13 =	simm.s32 $0x380;
	[sflag:s31] =	ssyncadd.s32 $0xFFFFC000  }
0x24: {  	[spmem:s2] =	stream.indirect.scatter.add.f32 [tilespmem:s30], [sflag:$0x3], $0x80, s13, s29, $0xb8;
	[tilespmem:$0x1C400] =	vst v63  }
0x25: {  	_ =	swait.ge [sflag:s24], $0x4000  }
0x26: {  	[sflag:s24] =	ssyncset.done $0x0  }
0x27: {  	[sflag:s24] =	ssyncadd.s32 $0xFFFFC000  }
0x28: {  	[bflag:$0x0] =	sbarrier.arrive $0xFFFF  }
0x29: {  	s18 =	rddreg [dreg:$0xc]  }
0x2a: {  	[hbm:s18], [sflag:s7] =	dma.local [spmem:s9], $0xA00  }
0x2b: {  	s9 =	rddreg [dreg:$0xd]  }
0x2c: {  	[hbm:s9], [sflag:s7] =	dma.local [spmem:s10], $0xA00  }
0x2d: {  	s9 =	rddreg [dreg:$0xe]  }
0x2e: {  	[hbm:s9], [sflag:s7] =	dma.local [spmem:s11], $0xA00  }
0x2f: {  	[hbm:s19], [sflag:s7] =	dma.local [spmem:s12], $0xA00  }
0x30: {  	_ =	swait.ge [sflag:s24], $0xA00  }
0x31: {  	[sflag:s24] =	ssyncset.done $0x0  }
0x32: {  	[sflag:s24] =	ssyncadd.s32 $0xFFFFF600  }
0x33: {  	_ =	swait.ge [sflag:s24], $0xA00  }
0x34: {  	[sflag:s24] =	ssyncset.done $0x0  }
0x35: {  	s8 =	sadd.s32 $0x1, s8;
	[sflag:s24] =	ssyncadd.s32 $0xFFFFF600  }
0x36: {  	p0 =	sne.s32 s8, s20;
	_ =	swait.ge [sflag:s24], $0xA00  }
.Ltmp1:
0x37: {  	[sflag:s24] =	ssyncset.done $0x0;
	(pc) =	sbr.rel @!p0 .LBB2_5-.Ltmp1, $4  }
0x38: {  	[sflag:s24] =	ssyncadd.s32 $0xFFFFF600  }
0x39: {  	_ =	swait.ge [sflag:s24], $0xA00  }
0x3a: {  	[sflag:s24] =	ssyncset.done $0x0  }
0x3b: {  	[sflag:s24] =	ssyncadd.s32 $0xFFFFF600  }
.LBB2_1:
0x3c: {  	s9 =	rddreg [dreg:$0x3]  }
0x3d: {  	s10 =	rddreg [dreg:$0x4];
	s9 =	sshrl.u32 s9, $0x3  }
0x3e: {  	[spmem:s9], [sflag:s7] =	dma.local [hbm:s10], $0xA00  }
0x3f: {  	s10 =	rddreg [dreg:$0x5]  }
0x40: {  	s11 =	rddreg [dreg:$0x6];
	s10 =	sshrl.u32 s10, $0x3  }
0x41: {  	[spmem:s10], [sflag:s7] =	dma.local [hbm:s11], $0xA00  }
0x42: {  	s11 =	rddreg [dreg:$0x7]  }
0x43: {  	s12 =	rddreg [dreg:$0x8];
	s11 =	sshrl.u32 s11, $0x3  }
0x44: {  	[spmem:s11], [sflag:s7] =	dma.local [hbm:s12], $0xA00  }
0x45: {  	s12 =	rddreg [dreg:$0x9]  }
0x46: {  	s13 =	rddreg [dreg:$0xa];
	s12 =	sshrl.u32 s12, $0x3  }
0x47: {  	[spmem:s12], [sflag:s7] =	dma.local [hbm:s13], $0xA00  }
0x48: {  	_ =	swait.ge [sflag:s24], $0xA00  }
0x49: {  	[sflag:s24] =	ssyncset.done $0x0  }
0x4a: {  	[sflag:s24] =	ssyncadd.s32 $0xFFFFF600  }
0x4b: {  	_ =	swait.ge [sflag:s24], $0xA00  }
0x4c: {  	[sflag:s24] =	ssyncset.done $0x0  }
0x4d: {  	[sflag:s24] =	ssyncadd.s32 $0xFFFFF600  }
0x4e: {  	_ =	swait.ge [sflag:s24], $0xA00  }
0x4f: {  	[sflag:s24] =	ssyncset.done $0x0  }
0x50: {  	[sflag:s24] =	ssyncadd.s32 $0xFFFFF600  }
0x51: {  	_ =	swait.ge [sflag:s24], $0xA00  }
0x52: {  	[sflag:s24] =	ssyncset.done $0x0  }
0x53: {  	[sflag:s24] =	ssyncadd.s32 $0xFFFFF600  }
0x54: {  	[bflag:$0x0] =	sbarrier.arrive $0xFFFF  }
0x55: {  	[tilespmem:s3], [sflag:$0x1] =	stream.linear.gather [hbm4b:s14+s3], $0x100, $0x38;
	[tilespmem:$0x1C400] =	vst v63  }
0x56: {  	s13 =	simm.s32 $0x0;
	s18 =	rddreg [dreg:$0xb]  }
0x57: {  	[tilespmem:s25], [sflag:$0x1] =	stream.linear.gather [hbm4b:s18+s3], $0x100, $0x38;
	[tilespmem:$0x1C400] =	vst v63  }
.LBB2_2:
0x58: {  	p0 =	seq.s32 s13, $0x0  }
0x59: {  	s15 =	simm.s32 @p0 $0x1  }
0x5a: {  	_ =	swait.ge @p0 [sflag:s15], $0x100  }
0x5b: {  	s16 =	simm.s32 @p0 $0x0;
	[sflag:s15] =	ssyncset.done @p0 $0x0  }
0x5c: {  	s17 =	simm.s32 @p0 $0x400;
	[sflag:s15] =	ssyncadd.s32 @p0 $0xFFFFFF00;
	s15 =	simm.s32 @p0 $0x80  }
0x5d: {  	[tilespmem:s17], [sflag:$0x2] =	stream.indirect.gather @p0 [hbm4b:s4+s15], $0x80, s16, s15, $0xb8;
	[tilespmem:$0x1C400] =	vst v63  }
0x5e: {  	s15 =	simm.s32 @!p0 $0x3  }
0x5f: {  	_ =	swait.ge @!p0 [sflag:s15], $0x4000  }
0x60: {  	[sflag:s15] =	ssyncset.done @!p0 $0x0  }
0x61: {  	s16 =	simm.s32 @!p0 $0x1;
	[sflag:s15] =	ssyncadd.s32 @!p0 $0xFFFFC000  }
0x62: {  	_ =	swait.ge @!p0 [sflag:s16], $0x100  }
0x63: {  	s18 =	simm.s32 @!p0 $0x400;
	[sflag:s16] =	ssyncset.done @!p0 $0x0  }
0x64: {  	s17 =	simm.s32 @!p0 $0x0;
	[sflag:s16] =	ssyncadd.s32 @!p0 $0xFFFFFF00;
	s16 =	simm.s32 @!p0 $0x80  }
0x65: {  	[tilespmem:s18], [sflag:$0x2] =	stream.indirect.gather @!p0 [hbm4b:s4+s16], $0x80, s17, s16, $0xb8;
	[tilespmem:$0x1C400] =	vst v63  }
0x66: {  	s17 =	simm.s32 @!p0 $0x2  }
0x67: {  	_ =	swait.ge @!p0 [sflag:s17], $0x4000  }
0x68: {  	[sflag:s17] =	ssyncset.done @!p0 $0x0  }
0x69: {  	s18 =	simm.s32 @!p0 $0x4400;
	[sflag:s17] =	ssyncadd.s32 @!p0 $0xFFFFC000;
	s17 =	simm.s32 @!p0 $0x380  }
0x6a: {  	[spmem:s2] =	stream.indirect.scatter.add.f32 @!p0 [tilespmem:s18], [sflag:$0x3], $0x80, s17, s16, $0xb8;
	[tilespmem:$0x1C400] =	vst v63  }
0x6b: {  	s17 =	sadd.s32 s13, s23  }
0x6c: {  	[tilespmem:s26], [sflag:$0x1] =	stream.linear.gather [hbm4b:s17+s3], $0x100, $0x38;
	[tilespmem:$0x1C400] =	vst v63  }
0x6d: {  	_ =	swait.ge @!p0 [sflag:s15], $0x4000  }
0x6e: {  	[sflag:s15] =	ssyncset.done @!p0 $0x0  }
0x6f: {  	[sflag:s15] =	ssyncadd.s32 @!p0 $0xFFFFC000  }
0x70: {  	_ =	swait.ge [sflag:s28], $0x100  }
0x71: {  	[sflag:s28] =	ssyncset.done $0x0  }
0x72: {  	[sflag:s28] =	ssyncadd.s32 $0xFFFFFF00  }
0x73: {  	[tilespmem:s30], [sflag:$0x2] =	stream.indirect.gather [hbm4b:s4+s29], $0x80, s25, s29, $0xb8;
	[tilespmem:$0x1C400] =	vst v63  }
0x74: {  	_ =	swait.ge [sflag:s31], $0x4000  }
0x75: {  	[sflag:s31] =	ssyncset.done $0x0  }
0x76: {  	s15 =	sadd.s32 s13, s21;
	[sflag:s31] =	ssyncadd.s32 $0xFFFFC000  }
0x77: {  	[spmem:s2] =	stream.indirect.scatter.add.f32 [tilespmem:s0], [sflag:$0x3], $0x80, s29, s29, $0xb8;
	[tilespmem:$0x1C400] =	vst v63  }
0x78: {  	s18 =	sadd.s32 $0x60, s15  }
0x79: {  	[tilespmem:s1], [sflag:$0x1] =	stream.linear.gather [hbm4b:s18+s3], $0x100, $0x38;
	[tilespmem:$0x1C400] =	vst v63  }
0x7a: {  	_ =	swait.ge [sflag:s24], $0x4000  }
0x7b: {  	[sflag:s24] =	ssyncset.done $0x0  }
0x7c: {  	[sflag:s24] =	ssyncadd.s32 $0xFFFFC000  }
0x7d: {  	_ =	swait.ge [sflag:s28], $0x100  }
0x7e: {  	[sflag:s28] =	ssyncset.done $0x0  }
0x7f: {  	[sflag:s28] =	ssyncadd.s32 $0xFFFFFF00  }
0x80: {  	[tilespmem:s0], [sflag:$0x2] =	stream.indirect.gather [hbm4b:s4+s29], $0x80, s26, s29, $0xb8;
	[tilespmem:$0x1C400] =	vst v63  }
0x81: {  	_ =	swait.ge [sflag:s31], $0x4000  }
0x82: {  	[sflag:s31] =	ssyncset.done $0x0  }
0x83: {  	p0 =	seq.s32 s13, $0x980;
	[sflag:s31] =	ssyncadd.s32 $0xFFFFC000  }
0x84: {  	[spmem:s2] =	stream.indirect.scatter.add.f32 [tilespmem:s30], [sflag:$0x3], $0x80, s5, s29, $0xb8;
	[tilespmem:$0x1C400] =	vst v63  }
0x85: {  	s16 =	sadd.s32 @!p0 s13, s22;
	s17 =	simm.s32 @!p0 $0x0  }
0x86: {  	[tilespmem:s17], [sflag:$0x1] =	stream.linear.gather @!p0 [hbm4b:s16+s17], $0x100, $0x38;
	[tilespmem:$0x1C400] =	vst v63  }
0x87: {  	_ =	swait.ge [sflag:s24], $0x4000  }
0x88: {  	[sflag:s24] =	ssyncset.done $0x0  }
0x89: {  	[sflag:s24] =	ssyncadd.s32 $0xFFFFC000  }
0x8a: {  	_ =	swait.ge [sflag:s28], $0x100  }
0x8b: {  	[sflag:s28] =	ssyncset.done $0x0  }
0x8c: {  	[sflag:s28] =	ssyncadd.s32 $0xFFFFFF00  }
0x8d: {  	[tilespmem:s30], [sflag:$0x2] =	stream.indirect.gather [hbm4b:s4+s29], $0x80, s1, s29, $0xb8;
	[tilespmem:$0x1C400] =	vst v63  }
.Ltmp2:
0x8e: {  	_ = 	snop;
	(pc) =	sbr.rel @p0 .LBB2_4-.Ltmp2, $4  }
0x8f: {  	_ =	swait.ge [sflag:s31], $0x4000  }
0x90: {  	[sflag:s31] =	ssyncset.done $0x0  }
0x91: {  	[sflag:s31] =	ssyncadd.s32 $0xFFFFC000  }
0x92: {  	[spmem:s2] =	stream.indirect.scatter.add.f32 [tilespmem:s0], [sflag:$0x3], $0x80, s6, s29, $0xb8;
	[tilespmem:$0x1C400] =	vst v63  }
.Ltmp3:
0x93: {  	(pc) =	sbr.rel .LBB2_2-.Ltmp3, $3  }
0x94: {  	_ =	sdelay $0x1  }
0x95: {  	s15 =	sadd.s32 $0xA0, s15;
	s13 =	sadd.s32 $0x80, s13  }
0x96: {  	[tilespmem:s25], [sflag:$0x1] =	stream.linear.gather [hbm4b:s15+s3], $0x100, $0x38;
	[tilespmem:$0x1C400] =	vst v63  }
.LBB2_5:
0x97: {  	_ =	sfence.sel $0x180000  }
0x98: {  	[bflag:$0x0] =	sbarrier.arrive $0xFFFF  }
0x99: {  	_ =	strace $0x9000004A  }
0x9a: {  	s0 =	stileid.u32;
	[bflag:$0x2] =	sbarrier.arrive $0xFFFF  }
0x9b: {  	p0 =	sne.s32 s0, $0x0;
	s0 =	rddreg [dreg:$0x2]  }
0x9c: {  	s0 =	sadd.s32 @!p0 $0x100000, s0  }
0x9d: {  	[sflag:s0] =	ssyncadd.tile.s32 @!p0 $0x1;
	_ =	shalt  }
.Lfunc_end2:
_tile_overlayer_lowered:
.L_overlay_start_2:
0x9e: {  	(tag) =	ssettag $0x2  }
0x9f: {  	s0 =	rddreg [dreg:$0x0];
	s2 =	stileid.u32  }
0xa0: {  	s1 =	rddreg [dreg:$0x1];
	p0 =	sne.s32 s2, $0x0  }
0xa1: {  	s3 =	rddreg [dreg:$0x2];
	[bflag:$0x3] =	sbarrier.arrive $0xFFFF;
	s2 =	simm.s32 @!p0 $0x1C04  }
0xa2: {  	[timem:s3], [sflag:s2] =	dma.local @!p0 [hbm:s0], s1  }
0xa3: {  	s0 =	simm.s32 @!p0 $0x4  }
0xa4: {  	_ =	swait.ge @!p0 [sflag:s0], s1  }
0xa5: {  	s1 =	ssub.s32 @!p0 $0x0, s1;
	[sflag:s0] =	ssyncset.done @!p0 $0x0  }
0xa6: {  	[sflag:s0] =	ssyncadd.s32 @!p0 s1  }
0xa7: {  	[bflag:$0x3] =	sbarrier.arrive $0xFFFF  }
0xa8: {  	_ =	shalt  }

// kernel: kernel.15.cloned.1.call-start
scs
__scs_entry_jumppad:
0x0: {  	(pc) =	sbr.rel $0x88, $3  }
0x1: {  	(tag) =	ssettag $0x0;
	lr =	simm.s32 $0x1  }
0x2: {  	[smem:$0x3F99] =	sst lr;
	_ =	strace $0xD0000000  }
0x3: {  	_ = 	snop  }
0x4: {  	_ = 	snop  }
0x5: {  	_ = 	snop  }
0x6: {  	_ = 	snop  }
0x7: {  	_ = 	snop  }
__scs_overlays_trampoline_lowered:
0x8: {  	[smem:$0x3FA8] =	sst s0  }
0x9: {  	[smem:$0x3FA9] =	sst s1  }
0xa: {  	[smem:$0x3FAA] =	sst s2  }
0xb: {  	[smem:$0x3FAB] =	sst s3  }
0xc: {  	[smem:$0x3FAC] =	sst s4  }
0xd: {  	[smem:$0x3FAD] =	sst s5  }
0xe: {  	[smem:$0x3FAE] =	sst s6  }
0xf: {  	[smem:$0x3FAF] =	sst s7  }
0x10: {  	[smem:$0x3FB0] =	sst s8  }
0x11: {  	[smem:$0x3FB1] =	sst s9;
	s0 =	simm.s32 @!p0 $0x0  }
0x12: {  	s1 =	sld [smem:$0x3F97];
	s0 =	simm.s32 @p0 $0x1  }
0x13: {  	[smem:$0x3FB2] =	sst s0;
	s0 =	simm.s32 @!p1 $0x0  }
0x14: {  	s2 =	sld [smem:$0x3F96];
	s0 =	simm.s32 @p1 $0x1  }
0x15: {  	[smem:$0x3FB3] =	sst s0;
	s0 =	simm.s32 @!p2 $0x0  }
0x16: {  	s3 =	sld [smem:$0x3FDB];
	s0 =	simm.s32 @p2 $0x1  }
0x17: {  	s4 =	simm.s32 $0x1BF5;
	[smem:$0x3FB5] =	sst s0  }
0x18: {  	s0 =	sld [smem:$0x3F98];
	_ =	swait.ge [sflag:s4], $0x0  }
0x19: {  	s7 =	sld [smem:$0x3F99]  }
0x1a: {  	s8 =	sadd.s32 $0xFFFFE003, lr  }
0x1b: {  	s9 =	sadd.s32 $0xFFFFFEF7, lr;
	s5 =	simm.s32 $0xFFFFFFFF;
	p2 =	slt.u32 s8, $0xFFFFF086  }
0x1c: {  	p1 =	slt.u32 s9, $0xF7A;
	s5 =	simm.s32 @!p2 $0x0  }
0x1d: {  	s5 =	simm.s32 @p1 $0x1;
	p0 =	seq.s32 s7, s2  }
0x1e: {  	s7 =	smul.u32 @!p0 $0xF7A, s2;
	p2 =	seq.s32 @!p0 s5, $0x0  }
0x1f: {  	s9 =	smul.u32 $0xF7A, s1;
	s8 =	simm.s32 @!p0 $0x1BF5;
	p2 =	por !p2, p0  }
0x20: {  	[sflag:s8] =	ssyncset.s32 @!p0 $0xFFFFF086;
	s6 =	sadd.s32 @!p0 s3, s7;
	s7 =	simm.s32 @!p0 $0x108  }
0x21: {  	s3 =	sadd.s32 s3, s9;
	s6 =	sadd.s32 @!p0 $0x88, s6;
	s7 =	simm.s32 @p2 $0x1082  }
0x22: {  	[simem:s7], [sflag:s8] =	dma.local @!p0 [hbm:s6], $0xF7A  }
0x23: {  	s9 =	sor.u32 $0xD0000000, s2;
	s6 =	simm.s32 $0x108;
	_ =	swait.ge @!p0 [sflag:s8], $0x0  }
0x24: {  	s3 =	sadd.s32 $0x88, s3;
	s6 =	simm.s32 @!p1 $0x1082;
	[sflag:s4] =	ssyncset.s32 $0xFFFFF086  }
0x25: {  	[simem:s6], [sflag:s4] =	dma.local [hbm:s3], $0xF7A  }
0x26: {  	[smem:$0x3F99] =	sst s1;
	(tag) =	ssettag s2;
	_ =	strace s9  }
0x27: {  	s1 =	sld [smem:$0x3FA9]  }
0x28: {  	s2 =	sld [smem:$0x3FAA]  }
0x29: {  	s4 =	sld [smem:$0x3FAC]  }
0x2a: {  	p0 =	seq.s32 s5, $0x0;
	s5 =	sld [smem:$0x3FAD]  }
0x2b: {  	s6 =	sld [smem:$0x3FAE]  }
0x2c: {  	s7 =	sld [smem:$0x3FAF]  }
0x2d: {  	s3 =	simm.s32 $0x108;
	s8 =	sld [smem:$0x3FB0]  }
0x2e: {  	s3 =	simm.s32 @!p0 $0x1082;
	s9 =	sld [smem:$0x3FB1]  }
0x2f: {  	lr =	sadd.s32 s0, s3;
	s0 =	sld [smem:$0x3FA8]  }
0x30: {  	s3 =	sld [smem:$0x3FAB]  }
0x31: {  	[smem:$0x3FB4] =	sst s10  }
0x32: {  	s10 =	sld [smem:$0x3FB2];
	_ =	sdelay $0x3  }
0x33: {  	p0 =	seq.s32 s10, $0x1;
	s10 =	sld [smem:$0x3FB4];
	_ =	sdelay $0x3  }
0x34: {  	[smem:$0x3FB4] =	sst s10  }
0x35: {  	s10 =	sld [smem:$0x3FB3];
	_ =	sdelay $0x3  }
0x36: {  	p1 =	seq.s32 s10, $0x1;
	s10 =	sld [smem:$0x3FB4];
	_ =	sdelay $0x3  }
0x37: {  	[smem:$0x3FB4] =	sst s10  }
0x38: {  	s10 =	sld [smem:$0x3FB5]  }
0x39: {  	_ = 	snop;
	(pc) =	sbr.ind lr, $3  }
0x3a: {  	_ = 	snop  }
0x3b: {  	_ = 	snop  }
0x3c: {  	p2 =	seq.s32 s10, $0x1;
	s10 =	sld [smem:$0x3FB4]  }
0x3d: {  	_ =	shalt  }
0x3e: {  	_ =	shalt  }
0x3f: {  	_ =	shalt  }
0x40: {  	_ =	shalt  }
0x41: {  	_ =	shalt  }
0x42: {  	_ =	shalt  }
0x43: {  	_ =	shalt  }
0x44: {  	_ =	shalt  }
0x45: {  	_ =	shalt  }
0x46: {  	_ =	shalt  }
0x47: {  	_ =	shalt  }
0x48: {  	_ =	shalt  }
0x49: {  	_ =	shalt  }
0x4a: {  	_ =	shalt  }
0x4b: {  	_ =	shalt  }
0x4c: {  	_ =	shalt  }
0x4d: {  	_ =	shalt  }
0x4e: {  	_ =	shalt  }
0x4f: {  	_ =	shalt  }
0x50: {  	_ =	shalt  }
0x51: {  	_ =	shalt  }
0x52: {  	_ =	shalt  }
0x53: {  	_ =	shalt  }
0x54: {  	_ =	shalt  }
0x55: {  	_ =	shalt  }
0x56: {  	_ =	shalt  }
0x57: {  	_ =	shalt  }
0x58: {  	_ =	shalt  }
0x59: {  	_ =	shalt  }
0x5a: {  	_ =	shalt  }
0x5b: {  	_ =	shalt  }
0x5c: {  	_ =	shalt  }
0x5d: {  	_ =	shalt  }
0x5e: {  	_ =	shalt  }
0x5f: {  	_ =	shalt  }
0x60: {  	_ =	shalt  }
0x61: {  	_ =	shalt  }
0x62: {  	_ =	shalt  }
0x63: {  	_ =	shalt  }
0x64: {  	_ =	shalt  }
0x65: {  	_ =	shalt  }
0x66: {  	_ =	shalt  }
0x67: {  	_ =	shalt  }
0x68: {  	_ =	shalt  }
0x69: {  	_ =	shalt  }
0x6a: {  	_ =	shalt  }
0x6b: {  	_ =	shalt  }
0x6c: {  	_ =	shalt  }
0x6d: {  	_ =	shalt  }
0x6e: {  	_ =	shalt  }
0x6f: {  	_ =	shalt  }
0x70: {  	_ =	shalt  }
0x71: {  	_ =	shalt  }
0x72: {  	_ =	shalt  }
0x73: {  	_ =	shalt  }
0x74: {  	_ =	shalt  }
0x75: {  	_ =	shalt  }
0x76: {  	_ =	shalt  }
0x77: {  	_ =	shalt  }
0x78: {  	_ =	shalt  }
0x79: {  	_ =	shalt  }
0x7a: {  	_ =	shalt  }
0x7b: {  	_ =	shalt  }
0x7c: {  	_ =	shalt  }
0x7d: {  	_ =	shalt  }
0x7e: {  	_ =	shalt  }
0x7f: {  	_ =	shalt  }
0x80: {  	_ =	shalt  }
0x81: {  	_ =	shalt  }
0x82: {  	_ =	shalt  }
0x83: {  	_ =	shalt  }
0x84: {  	_ =	shalt  }
0x85: {  	_ =	shalt  }
0x86: {  	_ =	shalt  }
0x87: {  	_ =	shalt  }
.Lfunc_end0:
.L_simem_size_0:
called_computation.2_lowered:
.L_overlay_start_0:
0x88: {  	s2 =	sld [smem:$0x3FD9]  }
0x89: {  	s3 =	sld [smem:$0x3FFE];
	_ =	sdelay $0x1  }
0x8a: {  	s1 =	srdreg.scid  }
0x8b: {  	s0 =	sand.u32 $0x1, s1  }
0x8c: {  	s16 =	sshll.u32 s0, $0xA;
	s2 =	sadd.s32 s3, s2  }
0x8d: {  	s2 =	sadd.s32 s2, s16  }
0x8e: {  	[smem:$0x3FC0] =	sst s2  }
0x8f: {  	_ = 	snop  }
0x90: {  	(tm) =	ssettm $0x1  }
0x91: {  	s17 =	sld [smem:$0x3FFB];
	_ =	sdelay $0x3  }
0x92: {  	_ =	strace s17  }
0x93: {  	s2 =	sld [smem:$0x3FFC];
	_ =	sdelay $0x3  }
0x94: {  	_ =	strace s2  }
0x95: {  	s2 =	sld [smem:$0x3FFD];
	_ =	sdelay $0x3  }
0x96: {  	_ =	strace s2  }
0x97: {  	_ =	strace $0x8FFFFFFF  }
0x98: {  	s18 =	sld [smem:$0x3FDB];
	_ =	sdelay $0x1  }
0x99: {  	s19 =	simm.s32 $_scs_section_size  }
0x9a: {  	s4 =	simm.s32 $_size__tile_overlayer_lowered;
	s5 =	simm.s32 $_tile_overlayer_lowered  }
0x9b: {  	s22 =	simm.s32 $0x1BFF;
	s21 =	sshll.u32 s5, $0x1;
	s2 =	sadd.s32 s19, s18  }
0x9c: {  	s6 =	simm.s32 $0x0;
	s20 =	sshll.u32 s4, $0x1;
	s4 =	sadd.s32 s21, s2  }
0x9d: {  	[timem:s6], [sflag:s22] =	dma.local [hbm:s4], s20  }
0x9e: {  	_ =	swait.ge [sflag:s22], s20  }
0x9f: {  	s3 =	ssub.s32 $0x0, s20;
	[sflag:s22] =	ssyncset.done $0x0  }
0xa0: {  	[sflag:s22] =	ssyncadd.s32 s3;
	_ =	sdelay $0x1  }
0xa1: {  	s23 =	simm.s32 $0x1B8B  }
0xa2: {  	_ =	swait.ge [sflag:s23], $0x1  }
0xa3: {  	[sflag:s23] =	ssyncset.done $0x0  }
0xa4: {  	s25 =	simm.s32 $0x1B8E;
	s24 =	sld [smem:$0x3FFE];
	[sflag:s23] =	ssyncadd.s32 $0xFFFFFFFF  }
0xa5: {  	s26 =	simm.s32 $execute0_lowered;
	[smem:$0x3FD2] =	sst s25  }
0xa6: {  	s4 =	sshll.u32 s26, $0x1;
	_ =	strace $0x8000004C;
	[dreg:$0x1] =	wrdreg $0xFFFFFFFF  }
0xa7: {  	s28 =	simm.s32 $_size_execute0_lowered;
	s2 =	sadd.s32 s2, s4;
	[dreg:$0x0] =	wrdreg $0x0  }
0xa8: {  	s4 =	sshll.u32 s28, $0x1;
	[dreg:$0x2] =	wrdreg s2  }
0xa9: {  	[dreg:$0x3] =	wrdreg s4  }
0xaa: {  	[dreg:$0x4] =	wrdreg $0xC0  }
0xab: {  	_ =	task [dreg:s6], $0x5FFFF  }
0xac: {  	[dreg:$0x1] =	wrdreg $0xFFFFFFFF  }
0xad: {  	[dreg:$0x0] =	wrdreg $0x60  }
0xae: {  	[dreg:$0x2] =	wrdreg s24  }
0xaf: {  	[dreg:$0x3] =	wrdreg $0x84000  }
0xb0: {  	[dreg:$0x4] =	wrdreg $0x9  }
0xb1: {  	_ =	task.clear_ibuf [dreg:s6], $0x5FFFF;
	_ =	strace $0x9000004C  }
0xb2: {  	s29 =	simm.s32 $0x9;
	_ =	strace $0x8000004E  }
0xb3: {  	_ =	swait.ge [sflag:s29], $0x1  }
0xb4: {  	[sflag:s29] =	ssyncadd.s32 $0xFFFFFFFF  }
0xb5: {  	_ =	strace $0x9000004E  }
0xb6: {  	_ =	sfence  }
0xb7: {  	s30 =	sld [smem:$0x0];
	_ =	sdelay $0x2  }
0xb8: {  	s31 =	sshll.u32 s1, $0xD;
	s1 =	sshrl.u32 s1, $0x2  }
0xb9: {  	s3 =	sand.u32 $0x4000, s31;
	s1 =	sadd.s32 s1, s30  }
0xba: {  	s0 =	sor.u32 s3, s0;
	s1 =	sshll.u32 s1, $0x11  }
0xbb: {  	s0 =	sor.u32 s1, s0  }
0xbc: {  	s0 =	sadd.s32 $0x8F2B, s0  }
0xbd: {  	[sflag:s0] =	ssyncadd.remote.s32 $0x1  }
0xbe: {  	_ =	sfence.sel $0xFFFF  }
0xbf: {  	[dreg:$0x0] =	wrdreg $0xFFFFFFFF;
	(pc) =	sbr.abs _section_cstart, $3  }
0xc0: {  	[dreg:$0x1] =	wrdreg $0xFFFFFFFF  }
0xc1: {  	_ =	task.clear_ibuf [dreg:s6], $0x2FFFF;
	_ =	strace $0x9FFFFFFF  }
0xc2: {  	(tm) =	ssettm $0x7FFFFFFF  }
0xc3: {  	_ =	shalt  }
tec
execute0_lowered:
.L_overlay_start_1:
0x0: {  	(tag) =	ssettag $0x1  }
0x1: {  	s0 =	rddreg [dreg:$0x0]  }
0x2: {  	s2 =	rddreg [dreg:$0x1]  }
0x3: {  	s1 =	srdreg.scid;
	s13 =	stileid.u32  }
0x4: {  	s3 =	simm.s32 $0x0;
	s28 =	simm.s32 $0x1;
	s29 =	simm.s32 $0x80  }
0x5: {  	s30 =	simm.s32 $0x4400;
	s31 =	simm.s32 $0x2;
	s5 =	smul.u32 $0x280, s13  }
0x6: {  	s1 =	sand.u32 $0x1, s1;
	[smem:$0x7FF] =	sst s3;
	s9 =	smul.u32 $0x50000, s13  }
0x7: {  	s4 =	sadd.s32 $0x66C00, s0;
	s10 =	sadd.s32 $0x2C00, s0;
	s26 =	smul.u32 $0x2800, s13  }
0x8: {  	s24 =	sshll.u32 s13, $0x1;
	s14 =	sshll.u32 s13, $0x6;
	s21 =	smul.u32 $0xA0, s13  }
0x9: {  	s6 =	smul.u32 $0x2800, s1;
	_ =	strace $0x8000004D;
	s7 =	ssub.s32 $0x2, s1  }
0xa: {  	s11 =	sor.u32 s1, s24;
	s1 =	smul.u32 $0x50, s1;
	s8 =	sshrl.u32 s7, $0x1  }
0xb: {  	s25 =	sshrl.u32 s9, $0x2;
	s15 =	sadd.s32 s4, s26;
	s16 =	sadd.s32 $0xA0, s5  }
0xc: {  	s20 =	smul.u32 $0xA00, s11;
	s6 =	sadd.s32 s5, s6;
	s12 =	sadd.s32 s25, s2  }
0xd: {  	[dreg:$0x4] =	wrdreg s15;
	s17 =	sshll.u32 s16, $0x7;
	s1 =	sadd.s32 s1, s21  }
0xe: {  	s6 =	sshll.u32 s6, $0x4;
	[dreg:$0x3] =	wrdreg s12;
	s12 =	sadd.s32 $0x140, s5  }
0xf: {  	s9 =	sadd.s32 s17, s2;
	s5 =	sadd.s32 $0x1E0, s5;
	s1 =	sshll.u32 s1, $0x5  }
0x10: {  	s0 =	sadd.s32 s6, s0;
	s6 =	ssub.s32 s7, s8;
	s7 =	sor.u32 $0x1C03, s14  }
0x11: {  	s8 =	sshll.u32 s16, $0x4;
	[dreg:$0x5] =	wrdreg s9;
	s18 =	sshll.u32 s12, $0x7  }
0x12: {  	s19 =	sshll.u32 s12, $0x4;
	s22 =	sshll.u32 s5, $0x7;
	s5 =	sshll.u32 s5, $0x4  }
0x13: {  	s14 =	sadd.s32 s10, s20;
	s21 =	sadd.s32 s1, s10;
	s8 =	sadd.s32 s4, s8  }
0x14: {  	s1 =	simm.s32 $0x300;
	s11 =	sadd.s32 s22, s2;
	[dreg:$0x6] =	wrdreg s8  }
0x15: {  	s5 =	sadd.s32 s4, s5;
	s23 =	sadd.s32 $0x20, s14;
	[dreg:$0x9] =	wrdreg s11  }
0x16: {  	s24 =	sadd.s32 $0x8EC00, s0;
	s25 =	sadd.s32 $0x8F600, s0;
	[dreg:$0xa] =	wrdreg s5  }
0x17: {  	s26 =	sadd.s32 $0x90000, s0;
	s20 =	smax.u32 s6, $0x1;
	[dreg:$0xb] =	wrdreg s23  }
0x18: {  	s22 =	sadd.s32 $0x80, s21;
	s6 =	simm.s32 $0x280;
	[dreg:$0xc] =	wrdreg s24  }
.Ltmp0:
0x19: {  	s8 =	sadd.s32 s18, s2;
	[dreg:$0xd] =	wrdreg s25;
	(pc) =	sbr.rel .LBB2_1-.Ltmp0, $4  }
0x1a: {  	[dreg:$0xe] =	wrdreg s26;
	s23 =	sadd.s32 $0x40, s21;
	s24 =	simm.s32 $0x3  }
0x1b: {  	s25 =	simm.s32 $0x100;
	s26 =	simm.s32 $0x200;
	s5 =	simm.s32 $0x180  }
0x1c: {  	[dreg:$0x7] =	wrdreg s8;
	s8 =	sadd.s32 s4, s19;
	s19 =	sadd.s32 $0x90A00, s0  }
0x1d: {  	s0 =	simm.s32 $0x400;
	[dreg:$0x8] =	wrdreg s8;
	s8 =	simm.s32 $0x0  }
.LBB2_4:
0x1e: {  	_ =	swait.ge [sflag:s24], $0x4000  }
0x1f: {  	[sflag:s24] =	ssyncset.done $0x0  }
0x20: {  	[sflag:s24] =	ssyncadd.s32 $0xFFFFC000  }
0x21: {  	_ =	swait.ge [sflag:s31], $0x4000  }
0x22: {  	[sflag:s31] =	ssyncset.done $0x0  }
0x23: {  	s13 =	simm.s32 $0x380;
	[sflag:s31] =	ssyncadd.s32 $0xFFFFC000  }
0x24: {  	[spmem:s2] =	stream.indirect.scatter.add.f32 [tilespmem:s30], [sflag:$0x3], $0x80, s13, s29, $0xb8;
	[tilespmem:$0x1C400] =	vst v63  }
0x25: {  	_ =	swait.ge [sflag:s24], $0x4000  }
0x26: {  	[sflag:s24] =	ssyncset.done $0x0  }
0x27: {  	[sflag:s24] =	ssyncadd.s32 $0xFFFFC000  }
0x28: {  	[bflag:$0x0] =	sbarrier.arrive $0xFFFF  }
0x29: {  	s18 =	rddreg [dreg:$0xc]  }
0x2a: {  	[hbm:s18], [sflag:s7] =	dma.local [spmem:s9], $0xA00  }
0x2b: {  	s9 =	rddreg [dreg:$0xd]  }
0x2c: {  	[hbm:s9], [sflag:s7] =	dma.local [spmem:s10], $0xA00  }
0x2d: {  	s9 =	rddreg [dreg:$0xe]  }
0x2e: {  	[hbm:s9], [sflag:s7] =	dma.local [spmem:s11], $0xA00  }
0x2f: {  	[hbm:s19], [sflag:s7] =	dma.local [spmem:s12], $0xA00  }
0x30: {  	_ =	swait.ge [sflag:s24], $0xA00  }
0x31: {  	[sflag:s24] =	ssyncset.done $0x0  }
0x32: {  	[sflag:s24] =	ssyncadd.s32 $0xFFFFF600  }
0x33: {  	_ =	swait.ge [sflag:s24], $0xA00  }
0x34: {  	[sflag:s24] =	ssyncset.done $0x0  }
0x35: {  	s8 =	sadd.s32 $0x1, s8;
	[sflag:s24] =	ssyncadd.s32 $0xFFFFF600  }
0x36: {  	p0 =	sne.s32 s8, s20;
	_ =	swait.ge [sflag:s24], $0xA00  }
.Ltmp1:
0x37: {  	[sflag:s24] =	ssyncset.done $0x0;
	(pc) =	sbr.rel @!p0 .LBB2_5-.Ltmp1, $4  }
0x38: {  	[sflag:s24] =	ssyncadd.s32 $0xFFFFF600  }
0x39: {  	_ =	swait.ge [sflag:s24], $0xA00  }
0x3a: {  	[sflag:s24] =	ssyncset.done $0x0  }
0x3b: {  	[sflag:s24] =	ssyncadd.s32 $0xFFFFF600  }
.LBB2_1:
0x3c: {  	s9 =	rddreg [dreg:$0x3]  }
0x3d: {  	s10 =	rddreg [dreg:$0x4];
	s9 =	sshrl.u32 s9, $0x3  }
0x3e: {  	[spmem:s9], [sflag:s7] =	dma.local [hbm:s10], $0xA00  }
0x3f: {  	s10 =	rddreg [dreg:$0x5]  }
0x40: {  	s11 =	rddreg [dreg:$0x6];
	s10 =	sshrl.u32 s10, $0x3  }
0x41: {  	[spmem:s10], [sflag:s7] =	dma.local [hbm:s11], $0xA00  }
0x42: {  	s11 =	rddreg [dreg:$0x7]  }
0x43: {  	s12 =	rddreg [dreg:$0x8];
	s11 =	sshrl.u32 s11, $0x3  }
0x44: {  	[spmem:s11], [sflag:s7] =	dma.local [hbm:s12], $0xA00  }
0x45: {  	s12 =	rddreg [dreg:$0x9]  }
0x46: {  	s13 =	rddreg [dreg:$0xa];
	s12 =	sshrl.u32 s12, $0x3  }
0x47: {  	[spmem:s12], [sflag:s7] =	dma.local [hbm:s13], $0xA00  }
0x48: {  	_ =	swait.ge [sflag:s24], $0xA00  }
0x49: {  	[sflag:s24] =	ssyncset.done $0x0  }
0x4a: {  	[sflag:s24] =	ssyncadd.s32 $0xFFFFF600  }
0x4b: {  	_ =	swait.ge [sflag:s24], $0xA00  }
0x4c: {  	[sflag:s24] =	ssyncset.done $0x0  }
0x4d: {  	[sflag:s24] =	ssyncadd.s32 $0xFFFFF600  }
0x4e: {  	_ =	swait.ge [sflag:s24], $0xA00  }
0x4f: {  	[sflag:s24] =	ssyncset.done $0x0  }
0x50: {  	[sflag:s24] =	ssyncadd.s32 $0xFFFFF600  }
0x51: {  	_ =	swait.ge [sflag:s24], $0xA00  }
0x52: {  	[sflag:s24] =	ssyncset.done $0x0  }
0x53: {  	[sflag:s24] =	ssyncadd.s32 $0xFFFFF600  }
0x54: {  	[bflag:$0x0] =	sbarrier.arrive $0xFFFF  }
0x55: {  	[tilespmem:s3], [sflag:$0x1] =	stream.linear.gather [hbm4b:s14+s3], $0x100, $0x38;
	[tilespmem:$0x1C400] =	vst v63  }
0x56: {  	s13 =	simm.s32 $0x0;
	s18 =	rddreg [dreg:$0xb]  }
0x57: {  	[tilespmem:s25], [sflag:$0x1] =	stream.linear.gather [hbm4b:s18+s3], $0x100, $0x38;
	[tilespmem:$0x1C400] =	vst v63  }
.LBB2_2:
0x58: {  	p0 =	seq.s32 s13, $0x0  }
0x59: {  	s15 =	simm.s32 @p0 $0x1  }
0x5a: {  	_ =	swait.ge @p0 [sflag:s15], $0x100  }
0x5b: {  	s16 =	simm.s32 @p0 $0x0;
	[sflag:s15] =	ssyncset.done @p0 $0x0  }
0x5c: {  	s17 =	simm.s32 @p0 $0x400;
	[sflag:s15] =	ssyncadd.s32 @p0 $0xFFFFFF00;
	s15 =	simm.s32 @p0 $0x80  }
0x5d: {  	[tilespmem:s17], [sflag:$0x2] =	stream.indirect.gather @p0 [hbm4b:s4+s15], $0x80, s16, s15, $0xb8;
	[tilespmem:$0x1C400] =	vst v63  }
0x5e: {  	s15 =	simm.s32 @!p0 $0x3  }
0x5f: {  	_ =	swait.ge @!p0 [sflag:s15], $0x4000  }
0x60: {  	[sflag:s15] =	ssyncset.done @!p0 $0x0  }
0x61: {  	s16 =	simm.s32 @!p0 $0x1;
	[sflag:s15] =	ssyncadd.s32 @!p0 $0xFFFFC000  }
0x62: {  	_ =	swait.ge @!p0 [sflag:s16], $0x100  }
0x63: {  	s18 =	simm.s32 @!p0 $0x400;
	[sflag:s16] =	ssyncset.done @!p0 $0x0  }
0x64: {  	s17 =	simm.s32 @!p0 $0x0;
	[sflag:s16] =	ssyncadd.s32 @!p0 $0xFFFFFF00;
	s16 =	simm.s32 @!p0 $0x80  }
0x65: {  	[tilespmem:s18], [sflag:$0x2] =	stream.indirect.gather @!p0 [hbm4b:s4+s16], $0x80, s17, s16, $0xb8;
	[tilespmem:$0x1C400] =	vst v63  }
0x66: {  	s17 =	simm.s32 @!p0 $0x2  }
0x67: {  	_ =	swait.ge @!p0 [sflag:s17], $0x4000  }
0x68: {  	[sflag:s17] =	ssyncset.done @!p0 $0x0  }
0x69: {  	s18 =	simm.s32 @!p0 $0x4400;
	[sflag:s17] =	ssyncadd.s32 @!p0 $0xFFFFC000;
	s17 =	simm.s32 @!p0 $0x380  }
0x6a: {  	[spmem:s2] =	stream.indirect.scatter.add.f32 @!p0 [tilespmem:s18], [sflag:$0x3], $0x80, s17, s16, $0xb8;
	[tilespmem:$0x1C400] =	vst v63  }
0x6b: {  	s17 =	sadd.s32 s13, s23  }
0x6c: {  	[tilespmem:s26], [sflag:$0x1] =	stream.linear.gather [hbm4b:s17+s3], $0x100, $0x38;
	[tilespmem:$0x1C400] =	vst v63  }
0x6d: {  	_ =	swait.ge @!p0 [sflag:s15], $0x4000  }
0x6e: {  	[sflag:s15] =	ssyncset.done @!p0 $0x0  }
0x6f: {  	[sflag:s15] =	ssyncadd.s32 @!p0 $0xFFFFC000  }
0x70: {  	_ =	swait.ge [sflag:s28], $0x100  }
0x71: {  	[sflag:s28] =	ssyncset.done $0x0  }
0x72: {  	[sflag:s28] =	ssyncadd.s32 $0xFFFFFF00  }
0x73: {  	[tilespmem:s30], [sflag:$0x2] =	stream.indirect.gather [hbm4b:s4+s29], $0x80, s25, s29, $0xb8;
	[tilespmem:$0x1C400] =	vst v63  }
0x74: {  	_ =	swait.ge [sflag:s31], $0x4000  }
0x75: {  	[sflag:s31] =	ssyncset.done $0x0  }
0x76: {  	s15 =	sadd.s32 s13, s21;
	[sflag:s31] =	ssyncadd.s32 $0xFFFFC000  }
0x77: {  	[spmem:s2] =	stream.indirect.scatter.add.f32 [tilespmem:s0], [sflag:$0x3], $0x80, s29, s29, $0xb8;
	[tilespmem:$0x1C400] =	vst v63  }
0x78: {  	s18 =	sadd.s32 $0x60, s15  }
0x79: {  	[tilespmem:s1], [sflag:$0x1] =	stream.linear.gather [hbm4b:s18+s3], $0x100, $0x38;
	[tilespmem:$0x1C400] =	vst v63  }
0x7a: {  	_ =	swait.ge [sflag:s24], $0x4000  }
0x7b: {  	[sflag:s24] =	ssyncset.done $0x0  }
0x7c: {  	[sflag:s24] =	ssyncadd.s32 $0xFFFFC000  }
0x7d: {  	_ =	swait.ge [sflag:s28], $0x100  }
0x7e: {  	[sflag:s28] =	ssyncset.done $0x0  }
0x7f: {  	[sflag:s28] =	ssyncadd.s32 $0xFFFFFF00  }
0x80: {  	[tilespmem:s0], [sflag:$0x2] =	stream.indirect.gather [hbm4b:s4+s29], $0x80, s26, s29, $0xb8;
	[tilespmem:$0x1C400] =	vst v63  }
0x81: {  	_ =	swait.ge [sflag:s31], $0x4000  }
0x82: {  	[sflag:s31] =	ssyncset.done $0x0  }
0x83: {  	p0 =	seq.s32 s13, $0x980;
	[sflag:s31] =	ssyncadd.s32 $0xFFFFC000  }
0x84: {  	[spmem:s2] =	stream.indirect.scatter.add.f32 [tilespmem:s30], [sflag:$0x3], $0x80, s5, s29, $0xb8;
	[tilespmem:$0x1C400] =	vst v63  }
0x85: {  	s16 =	sadd.s32 @!p0 s13, s22;
	s17 =	simm.s32 @!p0 $0x0  }
0x86: {  	[tilespmem:s17], [sflag:$0x1] =	stream.linear.gather @!p0 [hbm4b:s16+s17], $0x100, $0x38;
	[tilespmem:$0x1C400] =	vst v63  }
0x87: {  	_ =	swait.ge [sflag:s24], $0x4000  }
0x88: {  	[sflag:s24] =	ssyncset.done $0x0  }
0x89: {  	[sflag:s24] =	ssyncadd.s32 $0xFFFFC000  }
0x8a: {  	_ =	swait.ge [sflag:s28], $0x100  }
0x8b: {  	[sflag:s28] =	ssyncset.done $0x0  }
0x8c: {  	[sflag:s28] =	ssyncadd.s32 $0xFFFFFF00  }
0x8d: {  	[tilespmem:s30], [sflag:$0x2] =	stream.indirect.gather [hbm4b:s4+s29], $0x80, s1, s29, $0xb8;
	[tilespmem:$0x1C400] =	vst v63  }
.Ltmp2:
0x8e: {  	_ = 	snop;
	(pc) =	sbr.rel @p0 .LBB2_4-.Ltmp2, $4  }
0x8f: {  	_ =	swait.ge [sflag:s31], $0x4000  }
0x90: {  	[sflag:s31] =	ssyncset.done $0x0  }
0x91: {  	[sflag:s31] =	ssyncadd.s32 $0xFFFFC000  }
0x92: {  	[spmem:s2] =	stream.indirect.scatter.add.f32 [tilespmem:s0], [sflag:$0x3], $0x80, s6, s29, $0xb8;
	[tilespmem:$0x1C400] =	vst v63  }
.Ltmp3:
0x93: {  	(pc) =	sbr.rel .LBB2_2-.Ltmp3, $3  }
0x94: {  	_ =	sdelay $0x1  }
0x95: {  	s15 =	sadd.s32 $0xA0, s15;
	s13 =	sadd.s32 $0x80, s13  }
0x96: {  	[tilespmem:s25], [sflag:$0x1] =	stream.linear.gather [hbm4b:s15+s3], $0x100, $0x38;
	[tilespmem:$0x1C400] =	vst v63  }
.LBB2_5:
0x97: {  	_ =	sfence.sel $0x180000  }
0x98: {  	[bflag:$0x0] =	sbarrier.arrive $0xFFFF  }
0x99: {  	_ =	strace $0x9000004D  }
0x9a: {  	s0 =	stileid.u32;
	[bflag:$0x2] =	sbarrier.arrive $0xFFFF  }
0x9b: {  	p0 =	sne.s32 s0, $0x0;
	s0 =	rddreg [dreg:$0x2]  }
0x9c: {  	s0 =	sadd.s32 @!p0 $0x100000, s0  }
0x9d: {  	[sflag:s0] =	ssyncadd.tile.s32 @!p0 $0x1;
	_ =	shalt  }
.Lfunc_end2:
_tile_overlayer_lowered:
.L_overlay_start_2:
0x9e: {  	(tag) =	ssettag $0x2  }
0x9f: {  	s0 =	rddreg [dreg:$0x0];
	s2 =	stileid.u32  }
0xa0: {  	s1 =	rddreg [dreg:$0x1];
	p0 =	sne.s32 s2, $0x0  }
0xa1: {  	s3 =	rddreg [dreg:$0x2];
	[bflag:$0x3] =	sbarrier.arrive $0xFFFF;
	s2 =	simm.s32 @!p0 $0x1C04  }
0xa2: {  	[timem:s3], [sflag:s2] =	dma.local @!p0 [hbm:s0], s1  }
0xa3: {  	s0 =	simm.s32 @!p0 $0x4  }
0xa4: {  	_ =	swait.ge @!p0 [sflag:s0], s1  }
0xa5: {  	s1 =	ssub.s32 @!p0 $0x0, s1;
	[sflag:s0] =	ssyncset.done @!p0 $0x0  }
0xa6: {  	[sflag:s0] =	ssyncadd.s32 @!p0 s1  }
0xa7: {  	[bflag:$0x3] =	sbarrier.arrive $0xFFFF  }
0xa8: {  	_ =	shalt  }

// kernel: kernel.9.cloned.1.call-start
scs
__scs_entry_jumppad:
0x0: {  	(pc) =	sbr.rel $0x88, $3  }
0x1: {  	(tag) =	ssettag $0x0;
	lr =	simm.s32 $0x1  }
0x2: {  	[smem:$0x3F99] =	sst lr;
	_ =	strace $0xD0000000  }
0x3: {  	_ = 	snop  }
0x4: {  	_ = 	snop  }
0x5: {  	_ = 	snop  }
0x6: {  	_ = 	snop  }
0x7: {  	_ = 	snop  }
__scs_overlays_trampoline_lowered:
0x8: {  	[smem:$0x3FA8] =	sst s0  }
0x9: {  	[smem:$0x3FA9] =	sst s1  }
0xa: {  	[smem:$0x3FAA] =	sst s2  }
0xb: {  	[smem:$0x3FAB] =	sst s3  }
0xc: {  	[smem:$0x3FAC] =	sst s4  }
0xd: {  	[smem:$0x3FAD] =	sst s5  }
0xe: {  	[smem:$0x3FAE] =	sst s6  }
0xf: {  	[smem:$0x3FAF] =	sst s7  }
0x10: {  	[smem:$0x3FB0] =	sst s8  }
0x11: {  	[smem:$0x3FB1] =	sst s9;
	s0 =	simm.s32 @!p0 $0x0  }
0x12: {  	s1 =	sld [smem:$0x3F97];
	s0 =	simm.s32 @p0 $0x1  }
0x13: {  	[smem:$0x3FB2] =	sst s0;
	s0 =	simm.s32 @!p1 $0x0  }
0x14: {  	s2 =	sld [smem:$0x3F96];
	s0 =	simm.s32 @p1 $0x1  }
0x15: {  	[smem:$0x3FB3] =	sst s0;
	s0 =	simm.s32 @!p2 $0x0  }
0x16: {  	s3 =	sld [smem:$0x3FDB];
	s0 =	simm.s32 @p2 $0x1  }
0x17: {  	s4 =	simm.s32 $0x1BF5;
	[smem:$0x3FB5] =	sst s0  }
0x18: {  	s0 =	sld [smem:$0x3F98];
	_ =	swait.ge [sflag:s4], $0x0  }
0x19: {  	s7 =	sld [smem:$0x3F99]  }
0x1a: {  	s8 =	sadd.s32 $0xFFFFE003, lr  }
0x1b: {  	s9 =	sadd.s32 $0xFFFFFEF7, lr;
	s5 =	simm.s32 $0xFFFFFFFF;
	p2 =	slt.u32 s8, $0xFFFFF086  }
0x1c: {  	p1 =	slt.u32 s9, $0xF7A;
	s5 =	simm.s32 @!p2 $0x0  }
0x1d: {  	s5 =	simm.s32 @p1 $0x1;
	p0 =	seq.s32 s7, s2  }
0x1e: {  	s7 =	smul.u32 @!p0 $0xF7A, s2;
	p2 =	seq.s32 @!p0 s5, $0x0  }
0x1f: {  	s9 =	smul.u32 $0xF7A, s1;
	s8 =	simm.s32 @!p0 $0x1BF5;
	p2 =	por !p2, p0  }
0x20: {  	[sflag:s8] =	ssyncset.s32 @!p0 $0xFFFFF086;
	s6 =	sadd.s32 @!p0 s3, s7;
	s7 =	simm.s32 @!p0 $0x108  }
0x21: {  	s3 =	sadd.s32 s3, s9;
	s6 =	sadd.s32 @!p0 $0x88, s6;
	s7 =	simm.s32 @p2 $0x1082  }
0x22: {  	[simem:s7], [sflag:s8] =	dma.local @!p0 [hbm:s6], $0xF7A  }
0x23: {  	s9 =	sor.u32 $0xD0000000, s2;
	s6 =	simm.s32 $0x108;
	_ =	swait.ge @!p0 [sflag:s8], $0x0  }
0x24: {  	s3 =	sadd.s32 $0x88, s3;
	s6 =	simm.s32 @!p1 $0x1082;
	[sflag:s4] =	ssyncset.s32 $0xFFFFF086  }
0x25: {  	[simem:s6], [sflag:s4] =	dma.local [hbm:s3], $0xF7A  }
0x26: {  	[smem:$0x3F99] =	sst s1;
	(tag) =	ssettag s2;
	_ =	strace s9  }
0x27: {  	s1 =	sld [smem:$0x3FA9]  }
0x28: {  	s2 =	sld [smem:$0x3FAA]  }
0x29: {  	s4 =	sld [smem:$0x3FAC]  }
0x2a: {  	p0 =	seq.s32 s5, $0x0;
	s5 =	sld [smem:$0x3FAD]  }
0x2b: {  	s6 =	sld [smem:$0x3FAE]  }
0x2c: {  	s7 =	sld [smem:$0x3FAF]  }
0x2d: {  	s3 =	simm.s32 $0x108;
	s8 =	sld [smem:$0x3FB0]  }
0x2e: {  	s3 =	simm.s32 @!p0 $0x1082;
	s9 =	sld [smem:$0x3FB1]  }
0x2f: {  	lr =	sadd.s32 s0, s3;
	s0 =	sld [smem:$0x3FA8]  }
0x30: {  	s3 =	sld [smem:$0x3FAB]  }
0x31: {  	[smem:$0x3FB4] =	sst s10  }
0x32: {  	s10 =	sld [smem:$0x3FB2];
	_ =	sdelay $0x3  }
0x33: {  	p0 =	seq.s32 s10, $0x1;
	s10 =	sld [smem:$0x3FB4];
	_ =	sdelay $0x3  }
0x34: {  	[smem:$0x3FB4] =	sst s10  }
0x35: {  	s10 =	sld [smem:$0x3FB3];
	_ =	sdelay $0x3  }
0x36: {  	p1 =	seq.s32 s10, $0x1;
	s10 =	sld [smem:$0x3FB4];
	_ =	sdelay $0x3  }
0x37: {  	[smem:$0x3FB4] =	sst s10  }
0x38: {  	s10 =	sld [smem:$0x3FB5]  }
0x39: {  	_ = 	snop;
	(pc) =	sbr.ind lr, $3  }
0x3a: {  	_ = 	snop  }
0x3b: {  	_ = 	snop  }
0x3c: {  	p2 =	seq.s32 s10, $0x1;
	s10 =	sld [smem:$0x3FB4]  }
0x3d: {  	_ =	shalt  }
0x3e: {  	_ =	shalt  }
0x3f: {  	_ =	shalt  }
0x40: {  	_ =	shalt  }
0x41: {  	_ =	shalt  }
0x42: {  	_ =	shalt  }
0x43: {  	_ =	shalt  }
0x44: {  	_ =	shalt  }
0x45: {  	_ =	shalt  }
0x46: {  	_ =	shalt  }
0x47: {  	_ =	shalt  }
0x48: {  	_ =	shalt  }
0x49: {  	_ =	shalt  }
0x4a: {  	_ =	shalt  }
0x4b: {  	_ =	shalt  }
0x4c: {  	_ =	shalt  }
0x4d: {  	_ =	shalt  }
0x4e: {  	_ =	shalt  }
0x4f: {  	_ =	shalt  }
0x50: {  	_ =	shalt  }
0x51: {  	_ =	shalt  }
0x52: {  	_ =	shalt  }
0x53: {  	_ =	shalt  }
0x54: {  	_ =	shalt  }
0x55: {  	_ =	shalt  }
0x56: {  	_ =	shalt  }
0x57: {  	_ =	shalt  }
0x58: {  	_ =	shalt  }
0x59: {  	_ =	shalt  }
0x5a: {  	_ =	shalt  }
0x5b: {  	_ =	shalt  }
0x5c: {  	_ =	shalt  }
0x5d: {  	_ =	shalt  }
0x5e: {  	_ =	shalt  }
0x5f: {  	_ =	shalt  }
0x60: {  	_ =	shalt  }
0x61: {  	_ =	shalt  }
0x62: {  	_ =	shalt  }
0x63: {  	_ =	shalt  }
0x64: {  	_ =	shalt  }
0x65: {  	_ =	shalt  }
0x66: {  	_ =	shalt  }
0x67: {  	_ =	shalt  }
0x68: {  	_ =	shalt  }
0x69: {  	_ =	shalt  }
0x6a: {  	_ =	shalt  }
0x6b: {  	_ =	shalt  }
0x6c: {  	_ =	shalt  }
0x6d: {  	_ =	shalt  }
0x6e: {  	_ =	shalt  }
0x6f: {  	_ =	shalt  }
0x70: {  	_ =	shalt  }
0x71: {  	_ =	shalt  }
0x72: {  	_ =	shalt  }
0x73: {  	_ =	shalt  }
0x74: {  	_ =	shalt  }
0x75: {  	_ =	shalt  }
0x76: {  	_ =	shalt  }
0x77: {  	_ =	shalt  }
0x78: {  	_ =	shalt  }
0x79: {  	_ =	shalt  }
0x7a: {  	_ =	shalt  }
0x7b: {  	_ =	shalt  }
0x7c: {  	_ =	shalt  }
0x7d: {  	_ =	shalt  }
0x7e: {  	_ =	shalt  }
0x7f: {  	_ =	shalt  }
0x80: {  	_ =	shalt  }
0x81: {  	_ =	shalt  }
0x82: {  	_ =	shalt  }
0x83: {  	_ =	shalt  }
0x84: {  	_ =	shalt  }
0x85: {  	_ =	shalt  }
0x86: {  	_ =	shalt  }
0x87: {  	_ =	shalt  }
.Lfunc_end0:
.L_simem_size_0:
called_computation_lowered:
.L_overlay_start_0:
0x88: {  	s2 =	sld [smem:$0x3FD9]  }
0x89: {  	s3 =	sld [smem:$0x3FFE];
	_ =	sdelay $0x1  }
0x8a: {  	s1 =	srdreg.scid  }
0x8b: {  	s0 =	sand.u32 $0x1, s1  }
0x8c: {  	s16 =	sshll.u32 s0, $0xA;
	s2 =	sadd.s32 s3, s2  }
0x8d: {  	s2 =	sadd.s32 s2, s16  }
0x8e: {  	[smem:$0x3FC0] =	sst s2  }
0x8f: {  	_ = 	snop  }
0x90: {  	(tm) =	ssettm $0x1  }
0x91: {  	s17 =	sld [smem:$0x3FFB];
	_ =	sdelay $0x3  }
0x92: {  	_ =	strace s17  }
0x93: {  	s2 =	sld [smem:$0x3FFC];
	_ =	sdelay $0x3  }
0x94: {  	_ =	strace s2  }
0x95: {  	s2 =	sld [smem:$0x3FFD];
	_ =	sdelay $0x3  }
0x96: {  	_ =	strace s2  }
0x97: {  	_ =	strace $0x8FFFFFFF  }
0x98: {  	s18 =	sld [smem:$0x3FDB];
	_ =	sdelay $0x1  }
0x99: {  	s19 =	simm.s32 $_scs_section_size  }
0x9a: {  	s4 =	simm.s32 $_size__tile_overlayer_lowered;
	s5 =	simm.s32 $_tile_overlayer_lowered  }
0x9b: {  	s22 =	simm.s32 $0x1BFF;
	s21 =	sshll.u32 s5, $0x1;
	s2 =	sadd.s32 s19, s18  }
0x9c: {  	s6 =	simm.s32 $0x0;
	s20 =	sshll.u32 s4, $0x1;
	s4 =	sadd.s32 s21, s2  }
0x9d: {  	[timem:s6], [sflag:s22] =	dma.local [hbm:s4], s20  }
0x9e: {  	_ =	swait.ge [sflag:s22], s20  }
0x9f: {  	s3 =	ssub.s32 $0x0, s20;
	[sflag:s22] =	ssyncset.done $0x0  }
0xa0: {  	[sflag:s22] =	ssyncadd.s32 s3;
	_ =	sdelay $0x1  }
0xa1: {  	s23 =	simm.s32 $0x1B8B  }
0xa2: {  	_ =	swait.ge [sflag:s23], $0x1  }
0xa3: {  	[sflag:s23] =	ssyncset.done $0x0  }
0xa4: {  	s25 =	simm.s32 $0x1B8E;
	s24 =	sld [smem:$0x3FFE];
	[sflag:s23] =	ssyncadd.s32 $0xFFFFFFFF  }
0xa5: {  	s26 =	simm.s32 $execute0_lowered;
	[smem:$0x3FD2] =	sst s25  }
0xa6: {  	s4 =	sshll.u32 s26, $0x1;
	_ =	strace $0x80000046;
	[dreg:$0x1] =	wrdreg $0xFFFFFFFF  }
0xa7: {  	s28 =	simm.s32 $_size_execute0_lowered;
	s2 =	sadd.s32 s2, s4;
	[dreg:$0x0] =	wrdreg $0x0  }
0xa8: {  	s4 =	sshll.u32 s28, $0x1;
	[dreg:$0x2] =	wrdreg s2  }
0xa9: {  	[dreg:$0x3] =	wrdreg s4  }
0xaa: {  	[dreg:$0x4] =	wrdreg $0xC0  }
0xab: {  	_ =	task [dreg:s6], $0x5FFFF  }
0xac: {  	[dreg:$0x1] =	wrdreg $0xFFFFFFFF  }
0xad: {  	[dreg:$0x0] =	wrdreg $0x60  }
0xae: {  	[dreg:$0x2] =	wrdreg s24  }
0xaf: {  	[dreg:$0x3] =	wrdreg $0x53000  }
0xb0: {  	[dreg:$0x4] =	wrdreg $0x9  }
0xb1: {  	_ =	task.clear_ibuf [dreg:s6], $0x5FFFF;
	_ =	strace $0x90000046  }
0xb2: {  	s29 =	simm.s32 $0x9;
	_ =	strace $0x80000048  }
0xb3: {  	_ =	swait.ge [sflag:s29], $0x1  }
0xb4: {  	[sflag:s29] =	ssyncadd.s32 $0xFFFFFFFF  }
0xb5: {  	_ =	strace $0x90000048  }
0xb6: {  	_ =	sfence  }
0xb7: {  	s30 =	sld [smem:$0x0];
	_ =	sdelay $0x2  }
0xb8: {  	s31 =	sshll.u32 s1, $0xD;
	s1 =	sshrl.u32 s1, $0x2  }
0xb9: {  	s3 =	sand.u32 $0x4000, s31;
	s1 =	sadd.s32 s1, s30  }
0xba: {  	s0 =	sor.u32 s3, s0;
	s1 =	sshll.u32 s1, $0x11  }
0xbb: {  	s0 =	sor.u32 s1, s0  }
0xbc: {  	s0 =	sadd.s32 $0x8F2B, s0  }
0xbd: {  	[sflag:s0] =	ssyncadd.remote.s32 $0x1  }
0xbe: {  	_ =	sfence.sel $0xFFFF  }
0xbf: {  	[dreg:$0x0] =	wrdreg $0xFFFFFFFF;
	(pc) =	sbr.abs _section_cstart, $3  }
0xc0: {  	[dreg:$0x1] =	wrdreg $0xFFFFFFFF  }
0xc1: {  	_ =	task.clear_ibuf [dreg:s6], $0x2FFFF;
	_ =	strace $0x9FFFFFFF  }
0xc2: {  	(tm) =	ssettm $0x7FFFFFFF  }
0xc3: {  	_ =	shalt  }
tec
execute0_lowered:
.L_overlay_start_1:
0x0: {  	(tag) =	ssettag $0x1  }
0x1: {  	s4 =	rddreg [dreg:$0x0]  }
0x2: {  	s2 =	rddreg [dreg:$0x1]  }
0x3: {  	s0 =	rddreg [dreg:$0x2]  }
0x4: {  	s5 =	srdreg.scid;
	s1 =	stileid.u32  }
0x5: {  	s3 =	simm.s32 $0x0;
	s10 =	simm.s32 $0x80;
	s11 =	simm.s32 $0x5000  }
0x6: {  	s12 =	simm.s32 $0x1;
	s15 =	simm.s32 $0x20;
	s16 =	simm.s32 $0x10  }
0x7: {  	s17 =	simm.s32 $0x0;
	s5 =	sand.u32 $0x1, s5;
	s7 =	smul.u32 $0x500, s1  }
0x8: {  	s6 =	sshll.u32 s1, $0x1;
	[smem:$0x7FF] =	sst s3;
	s30 =	smul.u32 $0xA00, s1  }
0x9: {  	s13 =	sshll.u32 s1, $0x6;
	s6 =	sor.u32 s5, s6;
	_ =	strace $0x80000047  }
0xa: {  	s8 =	sshll.u32 s5, $0x7;
	s5 =	ssub.s32 $0x2, s5;
	s13 =	sor.u32 $0x1C02, s13  }
0xb: {  	s6 =	smul.u32 $0xA00, s6;
	s7 =	sor.u32 s8, s7;
	s9 =	sshrl.u32 s5, $0x1  }
0xc: {  	s31 =	sshrl.u32 s30, $0x2;
	s8 =	simm.s32 $0x5080;
	s7 =	sshrl.u32 s7, $0x3  }
0xd: {  	s9 =	ssub.s32 s5, s9;
	s6 =	sadd.s32 s6, s4;
	s7 =	sadd.s32 s7, s4  }
0xe: {  	s4 =	sadd.s32 s31, s2;
	s5 =	sadd.s32 $0x2C00, s6;
	s6 =	sadd.s32 $0x16C00, s7  }
0xf: {  	v0 =	vimm.f32 $1.000000000e+00;
	v1 =	vimm.f32 $0.0e+00;
	s7 =	smax.u32 s9, $0x1;
	s9 =	simm.s32 $0x2;
	s14 =	sshrl.u32 s4, $0x3  }
.LBB2_1:
0x10: {  	[tilespmem:$0x5000] =	vst v0  }
0x11: {  	[tilespmem:$0x5010] =	vst v0  }
0x12: {  	[tilespmem:$0x5020] =	vst v0  }
0x13: {  	[tilespmem:$0x5030] =	vst v0  }
0x14: {  	[tilespmem:$0x5040] =	vst v0  }
0x15: {  	[tilespmem:$0x5050] =	vst v0  }
0x16: {  	[tilespmem:$0x5060] =	vst v0  }
0x17: {  	[tilespmem:$0x5070] =	vst v0  }
0x18: {  	[tilespmem:$0x5080] =	vst v1  }
0x19: {  	[tilespmem:$0x5090] =	vst v1  }
0x1a: {  	[tilespmem:$0x50A0] =	vst v1  }
0x1b: {  	[tilespmem:$0x50B0] =	vst v1  }
0x1c: {  	[tilespmem:$0x50C0] =	vst v1  }
0x1d: {  	[tilespmem:$0x50D0] =	vst v1  }
0x1e: {  	[tilespmem:$0x50E0] =	vst v1  }
0x1f: {  	[tilespmem:$0x50F0] =	vst v1  }
0x20: {  	[tilespmem:$0x5100] =	vst v1  }
0x21: {  	[tilespmem:$0x5110] =	vst v1  }
0x22: {  	[tilespmem:$0x5120] =	vst v1  }
0x23: {  	[tilespmem:$0x5130] =	vst v1  }
0x24: {  	[tilespmem:$0x5140] =	vst v1  }
0x25: {  	[tilespmem:$0x5150] =	vst v1  }
0x26: {  	[tilespmem:$0x5160] =	vst v1  }
0x27: {  	[tilespmem:$0x5170] =	vst v1  }
0x28: {  	[tilespmem:$0x5180] =	vst v1  }
0x29: {  	[tilespmem:$0x5190] =	vst v1  }
0x2a: {  	[tilespmem:$0x51A0] =	vst v1  }
0x2b: {  	[tilespmem:$0x51B0] =	vst v1  }
0x2c: {  	[tilespmem:$0x51C0] =	vst v1  }
0x2d: {  	[tilespmem:$0x51D0] =	vst v1  }
0x2e: {  	[tilespmem:$0x51E0] =	vst v1  }
0x2f: {  	[tilespmem:$0x51F0] =	vst v1  }
0x30: {  	[tilespmem:$0x5200] =	vst v1  }
0x31: {  	[tilespmem:$0x5210] =	vst v1  }
0x32: {  	[tilespmem:$0x5220] =	vst v1  }
0x33: {  	[tilespmem:$0x5230] =	vst v1  }
0x34: {  	[tilespmem:$0x5240] =	vst v1  }
0x35: {  	[tilespmem:$0x5250] =	vst v1  }
0x36: {  	[tilespmem:$0x5260] =	vst v1  }
0x37: {  	[tilespmem:$0x5270] =	vst v1  }
0x38: {  	[tilespmem:$0x5280] =	vst v1  }
0x39: {  	[tilespmem:$0x5290] =	vst v1  }
0x3a: {  	[tilespmem:$0x52A0] =	vst v1  }
0x3b: {  	[tilespmem:$0x52B0] =	vst v1  }
0x3c: {  	[tilespmem:$0x52C0] =	vst v1  }
0x3d: {  	[tilespmem:$0x52D0] =	vst v1  }
0x3e: {  	[tilespmem:$0x52E0] =	vst v1  }
0x3f: {  	[tilespmem:$0x52F0] =	vst v1  }
0x40: {  	[spmem:s4] =	stream.linear.scatter [tilespmem:s8], [sflag:$0x2], $0x280, $0x38;
	[tilespmem:$0x5580] =	vst v63  }
0x41: {  	_ =	swait.ge [sflag:s9], $0x280  }
0x42: {  	[sflag:s9] =	ssyncset.done $0x0  }
0x43: {  	[sflag:s9] =	ssyncadd.s32 $0xFFFFFD80  }
0x44: {  	[tilespmem:s3], [sflag:$0x2] =	stream.linear.gather [hbm4b:s5+s3], $0x5000, $0x38;
	[tilespmem:$0x5580] =	vst v63  }
0x45: {  	_ =	swait.ge [sflag:s9], $0x5000  }
0x46: {  	[sflag:s9] =	ssyncset.done $0x0  }
0x47: {  	p0 =	por $0x1, $0x1;
	[sflag:s9] =	ssyncadd.s32 $0xFFFFB000  }
0x48: {  	s20 =	simm.s32 @!p0 $0x1;
	[bflag:$0x0] =	sbarrier.arrive $0xFFFF  }
0x49: {  	[spmem:s2] =	stream.indirect.scatter.add.f32 [tilespmem:s11], [sflag:$0x1], $0x1, s10, s10, $0xb8;
	[tilespmem:$0x5580] =	vst v63  }
0x4a: {  	_ =	swait.ge @!p0 [sflag:s20], $0x80  }
0x4b: {  	s18 =	simm.s32 $0x1;
	s19 =	simm.s32 $0x80;
	[sflag:s20] =	ssyncset.done @!p0 $0x0  }
.LBB2_2:
0x4c: {  	[sflag:s20] =	ssyncadd.s32 @!p0 $0xFFFFFF80  }
0x4d: {  	s19 =	sadd.s32 $0x100, s19;
	s20 =	smov.u32 s18;
	s18 =	sadd.s32 $0x1, s18  }
0x4e: {  	p1 =	sne.s32 s18, $0x50  }
0x4f: {  	[spmem:s2] =	stream.indirect.scatter.add.f32 [tilespmem:s11], [sflag:$0x1], $0x1, s19, s10, $0xb8;
	[tilespmem:$0x5580] =	vst v63  }
.Ltmp0:
0x50: {  	_ = 	snop;
	(pc) =	sbr.rel @p1 .LBB2_2-.Ltmp0, $4  }
0x51: {  	p0 =	slt.u32 s20, $0x8  }
0x52: {  	s20 =	simm.s32 @!p0 $0x1  }
0x53: {  	_ =	swait.ge @!p0 [sflag:s20], $0x80  }
0x54: {  	[sflag:s20] =	ssyncset.done @!p0 $0x0  }
0x55: {  	[sflag:s20] =	ssyncadd.s32 @!p0 $0xFFFFFF80  }
0x56: {  	_ =	swait.ge [sflag:s12], $0x80  }
0x57: {  	[sflag:s12] =	ssyncset.done $0x0  }
0x58: {  	[sflag:s12] =	ssyncadd.s32 $0xFFFFFF80  }
0x59: {  	_ =	swait.ge [sflag:s12], $0x80  }
0x5a: {  	[sflag:s12] =	ssyncset.done $0x0  }
0x5b: {  	[sflag:s12] =	ssyncadd.s32 $0xFFFFFF80  }
0x5c: {  	_ =	swait.ge [sflag:s12], $0x80  }
0x5d: {  	[sflag:s12] =	ssyncset.done $0x0  }
0x5e: {  	[sflag:s12] =	ssyncadd.s32 $0xFFFFFF80  }
0x5f: {  	_ =	swait.ge [sflag:s12], $0x80  }
0x60: {  	[sflag:s12] =	ssyncset.done $0x0  }
0x61: {  	[sflag:s12] =	ssyncadd.s32 $0xFFFFFF80  }
0x62: {  	_ =	swait.ge [sflag:s12], $0x80  }
0x63: {  	[sflag:s12] =	ssyncset.done $0x0  }
0x64: {  	[sflag:s12] =	ssyncadd.s32 $0xFFFFFF80  }
0x65: {  	_ =	swait.ge [sflag:s12], $0x80  }
0x66: {  	[sflag:s12] =	ssyncset.done $0x0  }
0x67: {  	[sflag:s12] =	ssyncadd.s32 $0xFFFFFF80  }
0x68: {  	_ =	swait.ge [sflag:s12], $0x80  }
0x69: {  	[sflag:s12] =	ssyncset.done $0x0  }
0x6a: {  	[sflag:s12] =	ssyncadd.s32 $0xFFFFFF80  }
0x6b: {  	_ =	swait.ge [sflag:s12], $0x80  }
0x6c: {  	s17 =	sadd.s32 $0x1, s17;
	[sflag:s12] =	ssyncset.done $0x0  }
0x6d: {  	p0 =	sne.s32 s17, s7;
	[sflag:s12] =	ssyncadd.s32 $0xFFFFFF80  }
.Ltmp1:
0x6e: {  	[bflag:$0x0] =	sbarrier.arrive $0xFFFF;
	(pc) =	sbr.rel @p0 .LBB2_1-.Ltmp1, $4  }
0x6f: {  	[hbm:s6@s15], [sflag:s13] =	dma.strided [spmem:s14@s16], $0x50, s12, $0x10   }
0x70: {  	_ =	swait.ge [sflag:s9], $0x50  }
0x71: {  	[sflag:s9] =	ssyncset.done $0x0  }
0x72: {  	[sflag:s9] =	ssyncadd.s32 $0xFFFFFFB0  }
0x73: {  	_ =	sfence.sel $0x180000  }
0x74: {  	[bflag:$0x0] =	sbarrier.arrive $0xFFFF  }
0x75: {  	p0 =	sne.s32 s1, $0x0;
	_ =	strace $0x90000047  }
0x76: {  	s0 =	sadd.s32 @!p0 $0x100000, s0;
	[bflag:$0x2] =	sbarrier.arrive $0xFFFF  }
0x77: {  	[sflag:s0] =	ssyncadd.tile.s32 @!p0 $0x1;
	_ =	shalt  }
.Lfunc_end2:
_tile_overlayer_lowered:
.L_overlay_start_2:
0x78: {  	(tag) =	ssettag $0x2  }
0x79: {  	s0 =	rddreg [dreg:$0x0];
	s2 =	stileid.u32  }
0x7a: {  	s1 =	rddreg [dreg:$0x1];
	p0 =	sne.s32 s2, $0x0  }
0x7b: {  	s3 =	rddreg [dreg:$0x2];
	[bflag:$0x3] =	sbarrier.arrive $0xFFFF;
	s2 =	simm.s32 @!p0 $0x1C02  }
0x7c: {  	[timem:s3], [sflag:s2] =	dma.local @!p0 [hbm:s0], s1  }
0x7d: {  	s0 =	simm.s32 @!p0 $0x2  }
0x7e: {  	_ =	swait.ge @!p0 [sflag:s0], s1  }
0x7f: {  	s1 =	ssub.s32 @!p0 $0x0, s1;
	[sflag:s0] =	ssyncset.done @!p0 $0x0  }
0x80: {  	[sflag:s0] =	ssyncadd.s32 @!p0 s1  }
0x81: {  	[bflag:$0x3] =	sbarrier.arrive $0xFFFF  }
0x82: {  	_ =	shalt  }

</sc_bundles>
